<compile_context>
chip_gen: v7x
topology: tpu7x:2x2x1
jax: 0.10.2.dev20260603
libtpu: 0.0.44.dev20260713+nightly
codegen_flags: <defaults>
</compile_context>

<pallas_src>
import functools

import jax
import jax.numpy as jnp
from jax import lax
from jax.experimental import pallas as pl
from jax.experimental.pallas import tpu as pltpu
from jax.experimental.pallas import tpu_sc as plsc

N = 10000
D = 256
H = 256
C = 10
E = 160000

NC = 2
NS = 16
HH = 128
NPAD = 10240
EPAD = 163840
RPT = NPAD // NS
GB2 = 64
EB_AGG = EPAD // NS // GB2
EB_DEG = EPAD // (NC * NS) // 128
BLK = 256
NBLK = NPAD // BLK
NBUF = 4

_MESH = plsc.VectorSubcoreMesh(
    core_axis_name="c", subcore_axis_name="s", num_cores=NC, num_subcores=NS
)


@functools.partial(
    pl.kernel,
    out_type=jax.ShapeDtypeStruct((NC, NPAD), jnp.float32),
    mesh=_MESH,
    scratch_types=[
        pltpu.VMEM((EB_DEG, 128), jnp.int32),
        pltpu.VMEM((128,), jnp.float32),
        pltpu.VMEM_SHARED((NPAD,), jnp.float32),
    ],
)
def _deg_kernel(dst_hbm, z1_hbm, degp_hbm, dstv, ones_v, deg_sh):
    c = lax.axis_index("c")
    s = lax.axis_index("s")
    wid = c * NS + s
    pltpu.sync_copy(dst_hbm.at[wid], dstv)
    for i in range(8):
        ones_v[pl.ds(i * 16, 16)] = jnp.ones((16,), jnp.float32)
    pltpu.sync_copy(z1_hbm.at[pl.ds(s * RPT, RPT)], deg_sh.at[pl.ds(s * RPT, RPT)])
    plsc.subcore_barrier()

    @pl.loop(0, EB_DEG)
    def _(j):
        pltpu.sync_copy(ones_v, deg_sh.at[dstv.at[j]], add=True)

    plsc.subcore_barrier()

    @pl.when(s == 0)
    def _():
        pltpu.sync_copy(deg_sh, degp_hbm.at[c])


@functools.partial(
    pl.kernel,
    out_type=(
        jax.ShapeDtypeStruct((NPAD, HH), jnp.float32),
        jax.ShapeDtypeStruct((NPAD, HH), jnp.float32),
    ),
    mesh=_MESH,
    scratch_types=[
        pltpu.VMEM((GB2,), jnp.int32),
        pltpu.VMEM((GB2,), jnp.int32),
        pltpu.VMEM((GB2,), jnp.int32),
        pltpu.VMEM((GB2,), jnp.int32),
        pltpu.VMEM((GB2,), jnp.int32),
        pltpu.VMEM((GB2,), jnp.int32),
        pltpu.VMEM((GB2,), jnp.int32),
        pltpu.VMEM((GB2,), jnp.int32),
        pltpu.VMEM((GB2, HH), jnp.float32),
        pltpu.VMEM((GB2, HH), jnp.float32),
        pltpu.VMEM((GB2, HH), jnp.float32),
        pltpu.VMEM((GB2, HH), jnp.float32),
        pltpu.VMEM_SHARED((NPAD, HH), jnp.float32),
        pltpu.SemaphoreType.DMA,
        pltpu.SemaphoreType.DMA,
        pltpu.SemaphoreType.DMA,
        pltpu.SemaphoreType.DMA,
        pltpu.SemaphoreType.DMA,
        pltpu.SemaphoreType.DMA,
        pltpu.SemaphoreType.DMA,
        pltpu.SemaphoreType.DMA,
        pltpu.SemaphoreType.DMA,
        pltpu.SemaphoreType.DMA,
        pltpu.SemaphoreType.DMA,
        pltpu.SemaphoreType.DMA,
    ],
)
def _agg_kernel(hsa_hbm, hsb_hbm, src_hbm, dst_hbm, z2_hbm,
                acca_hbm, accb_hbm,
                i0, i1, i2, i3, d0, d1, d2, d3, r0, r1, r2, r3, acc_sh,
                g0, g1, g2, g3, s0, s1, s2, s3, t0, t1, t2, t3):
    islot = [i0, i1, i2, i3]
    dslot = [d0, d1, d2, d3]
    rows = [r0, r1, r2, r3]
    gsem = [g0, g1, g2, g3]
    isem = [s0, s1, s2, s3]
    dsem = [t0, t1, t2, t3]
    c = lax.axis_index("c")
    s = lax.axis_index("s")
    pltpu.sync_copy(z2_hbm.at[pl.ds(s * RPT, RPT)], acc_sh.at[pl.ds(s * RPT, RPT)])
    plsc.subcore_barrier()

    def _srcload(j, b):
        pltpu.async_copy(src_hbm.at[s, j], islot[b], isem[b])

    def _dstload(j, b):
        pltpu.async_copy(dst_hbm.at[s, j], dslot[b], dsem[b])

    def _gather(b):
        @pl.when(c == 0)
        def _():
            pltpu.async_copy(hsa_hbm.at[islot[b]], rows[b], gsem[b])

        @pl.when(c == 1)
        def _():
            pltpu.async_copy(hsb_hbm.at[islot[b]], rows[b], gsem[b])

    for b in range(NBUF):
        _srcload(b, b)
        _dstload(b, b)
    for b in range(NBUF):
        pltpu.make_async_copy(src_hbm.at[s, b], islot[b], isem[b]).wait()
        _gather(b)

    @pl.loop(0, EB_AGG, step=NBUF)
    def _(g):
        for b in range(NBUF):
            j = g + b
            pltpu.make_async_copy(hsa_hbm.at[islot[b]], rows[b], gsem[b]).wait()
            nj = j + NBUF
            nj = jnp.where(nj < EB_AGG, nj, nj - EB_AGG)
            _srcload(nj, b)
            pltpu.make_async_copy(dst_hbm.at[s, j], dslot[b], dsem[b]).wait()
            pltpu.sync_copy(rows[b], acc_sh.at[dslot[b]], add=True)
            _dstload(nj, b)
            pltpu.make_async_copy(src_hbm.at[s, j], islot[b], isem[b]).wait()
            _gather(b)

    for b in range(NBUF):
        pltpu.make_async_copy(hsa_hbm.at[islot[b]], rows[b], gsem[b]).wait()
        pltpu.make_async_copy(dst_hbm.at[s, 0], dslot[b], dsem[b]).wait()

    plsc.subcore_barrier()

    @pl.when(c == 0)
    def _():
        pltpu.sync_copy(acc_sh.at[pl.ds(s * RPT, RPT)],
                        acca_hbm.at[pl.ds(s * RPT, RPT)])

    @pl.when(c == 1)
    def _():
        pltpu.sync_copy(acc_sh.at[pl.ds(s * RPT, RPT)],
                        accb_hbm.at[pl.ds(s * RPT, RPT)])


def _mm1_body(x_ref, w_ref, d0_ref, d1_ref, hsa_ref, hsb_ref, dinv_ref):
    i = pl.program_id(0)
    deg = d0_ref[...] + d1_ref[...] + 1.0
    rows = i * BLK + lax.broadcasted_iota(jnp.int32, (BLK, 1), 0)
    dinv = jnp.where(rows < N, lax.rsqrt(deg), 0.0)
    dinv_ref[...] = dinv
    h = jnp.dot(x_ref[...], w_ref[...], preferred_element_type=jnp.float32)
    hs = h * dinv
    hsa_ref[...] = hs[:, :HH]
    hsb_ref[...] = hs[:, HH:]


def _mm1(xp, W1, d0, d1):
    return pl.pallas_call(
        _mm1_body,
        grid=(NBLK,),
        in_specs=[
            pl.BlockSpec((BLK, D), lambda i: (i, 0)),
            pl.BlockSpec((D, H), lambda i: (0, 0)),
            pl.BlockSpec((BLK, 1), lambda i: (i, 0)),
            pl.BlockSpec((BLK, 1), lambda i: (i, 0)),
        ],
        out_specs=[
            pl.BlockSpec((BLK, HH), lambda i: (i, 0)),
            pl.BlockSpec((BLK, HH), lambda i: (i, 0)),
            pl.BlockSpec((BLK, 1), lambda i: (i, 0)),
        ],
        out_shape=[
            jax.ShapeDtypeStruct((NPAD, HH), jnp.float32),
            jax.ShapeDtypeStruct((NPAD, HH), jnp.float32),
            jax.ShapeDtypeStruct((NPAD, 1), jnp.float32),
        ],
    )(xp, W1, d0, d1)


def _mm2_body(acca_ref, accb_ref, hsa_ref, hsb_ref, dinv_ref, b1_ref, w2_ref,
              outa_ref, outb_ref):
    dinv = dinv_ref[...]
    agg = jnp.concatenate(
        [acca_ref[...] + hsa_ref[...], accb_ref[...] + hsb_ref[...]], axis=1)
    t = jnp.maximum(agg * dinv + b1_ref[...], 0.0)
    h2 = jnp.dot(t, w2_ref[...], preferred_element_type=jnp.float32)
    hs2 = h2 * dinv
    outa_ref[...] = hs2[:, :HH]
    outb_ref[...] = hs2[:, HH:]


def _mm2(accA, accB, hsA, hsB, dinv, b1r, W2):
    return pl.pallas_call(
        _mm2_body,
        grid=(NBLK,),
        in_specs=[
            pl.BlockSpec((BLK, HH), lambda i: (i, 0)),
            pl.BlockSpec((BLK, HH), lambda i: (i, 0)),
            pl.BlockSpec((BLK, HH), lambda i: (i, 0)),
            pl.BlockSpec((BLK, HH), lambda i: (i, 0)),
            pl.BlockSpec((BLK, 1), lambda i: (i, 0)),
            pl.BlockSpec((1, H), lambda i: (0, 0)),
            pl.BlockSpec((H, H), lambda i: (0, 0)),
        ],
        out_specs=[
            pl.BlockSpec((BLK, HH), lambda i: (i, 0)),
            pl.BlockSpec((BLK, HH), lambda i: (i, 0)),
        ],
        out_shape=[
            jax.ShapeDtypeStruct((NPAD, HH), jnp.float32),
            jax.ShapeDtypeStruct((NPAD, HH), jnp.float32),
        ],
    )(accA, accB, hsA, hsB, dinv, b1r, W2)


def _mm3_body(acca_ref, accb_ref, hsa_ref, hsb_ref, dinv_ref, b2_ref, wc_ref,
              bc_ref, out_ref, acc_scratch):
    i = pl.program_id(0)
    dinv = dinv_ref[...]
    agg = jnp.concatenate(
        [acca_ref[...] + hsa_ref[...], accb_ref[...] + hsb_ref[...]], axis=1)
    o = jnp.maximum(agg * dinv + b2_ref[...], 0.0)
    rows = i * BLK + lax.broadcasted_iota(jnp.int32, (BLK, 1), 0)
    o = jnp.where(rows < N, o, 0.0)
    part = jnp.sum(o, axis=0, keepdims=True)

    @pl.when(i == 0)
    def _():
        acc_scratch[...] = part

    @pl.when(i > 0)
    def _():
        acc_scratch[...] = acc_scratch[...] + part

    @pl.when(i == pl.num_programs(0) - 1)
    def _():
        z = acc_scratch[...] * (1.0 / N)
        out_ref[...] = (
            jnp.dot(z, wc_ref[...], preferred_element_type=jnp.float32)
            + bc_ref[...])


def _mm3(accA, accB, hsA, hsB, dinv, b2r, Wcp, bcp):
    return pl.pallas_call(
        _mm3_body,
        grid=(NBLK,),
        in_specs=[
            pl.BlockSpec((BLK, HH), lambda i: (i, 0)),
            pl.BlockSpec((BLK, HH), lambda i: (i, 0)),
            pl.BlockSpec((BLK, HH), lambda i: (i, 0)),
            pl.BlockSpec((BLK, HH), lambda i: (i, 0)),
            pl.BlockSpec((BLK, 1), lambda i: (i, 0)),
            pl.BlockSpec((1, H), lambda i: (0, 0)),
            pl.BlockSpec((H, 128), lambda i: (0, 0)),
            pl.BlockSpec((1, 128), lambda i: (0, 0)),
        ],
        out_specs=pl.BlockSpec((1, 128), lambda i: (0, 0)),
        out_shape=jax.ShapeDtypeStruct((1, 128), jnp.float32),
        scratch_shapes=[pltpu.VMEM((1, H), jnp.float32)],
    )(accA, accB, hsA, hsB, dinv, b2r, Wcp, bcp)


def kernel(x, edge_index, W1, b1, W2, b2, Wc, bc):
    src = edge_index[0]
    dst = edge_index[1]
    idx_pad = jnp.full((EPAD - E,), N, jnp.int32)
    srcp = jnp.concatenate([src, idx_pad]).reshape(NS, EB_AGG, GB2)
    dstp = jnp.concatenate([dst, idx_pad])
    dst16 = dstp.reshape(NS, EB_AGG, GB2)
    dst32 = dstp.reshape(NC * NS, EB_DEG, 128)

    xp = jnp.concatenate([x, jnp.zeros((NPAD - N, D), jnp.float32)], axis=0)
    z1 = jnp.zeros((NPAD,), jnp.float32)
    z2 = jnp.zeros((NPAD, HH), jnp.float32)
    b1r = b1.reshape(1, H)
    b2r = b2.reshape(1, H)
    Wcp = jnp.concatenate([Wc, jnp.zeros((H, 128 - C), jnp.float32)], axis=1)
    bcp = jnp.concatenate([bc, jnp.zeros((128 - C,), jnp.float32)]).reshape(1, 128)

    degp = _deg_kernel(dst32, z1)
    d0 = degp[0].reshape(NPAD, 1)
    d1 = degp[1].reshape(NPAD, 1)

    hsA, hsB, dinv = _mm1(xp, W1, d0, d1)
    accA, accB = _agg_kernel(hsA, hsB, srcp, dst16, z2)
    hs2A, hs2B = _mm2(accA, accB, hsA, hsB, dinv, b1r, W2)
    acc2A, acc2B = _agg_kernel(hs2A, hs2B, srcp, dst16, z2)
    logits = _mm3(acc2A, acc2B, hs2A, hs2B, dinv, b2r, Wcp, bcp)
    return logits[:, :C].reshape(1, 1, C)

# --- scband reference (transcript-rebuilt; emitter-appended) ---
"""Pipeline reference for scband-gcnhead-6700148981952 (READ-ONLY COPY).

The authoritative reference and input builder live on the scoring server;
editing this copy changes nothing except your own understanding.
"""

import jax, jax.numpy as jnp
import numpy as np

N = 10000
D = 256
H = 256
C = 10
E = 160000

def setup_inputs(seed: int = 0):
    key = jax.random.key(seed)
    ks = jax.random.split(key, 8)
    x = jax.random.normal(ks[0], (N, D), dtype=jnp.float32)
    edge_index = jax.random.randint(ks[1], (2, E), 0, N, dtype=jnp.int32)
    W1 = jax.random.normal(ks[2], (D, H), dtype=jnp.float32) * (1.0 / np.sqrt(D))
    b1 = jnp.zeros((H,), dtype=jnp.float32)
    W2 = jax.random.normal(ks[3], (H, H), dtype=jnp.float32) * (1.0 / np.sqrt(H))
    b2 = jnp.zeros((H,), dtype=jnp.float32)
    Wc = jax.random.normal(ks[4], (H, C), dtype=jnp.float32) * (1.0 / np.sqrt(H))
    bc = jnp.zeros((C,), dtype=jnp.float32)
    return {"x": x, "edge_index": edge_index, "W1": W1, "b1": b1, "W2": W2, "b2": b2, "Wc": Wc, "bc": bc}

def _gcn_conv(x, edge_index, W, b):
    # Faithful GCNConv: add self-loops, symmetric normalization, scatter-add aggregation.
    n = x.shape[0]
    loop = jnp.arange(n, dtype=edge_index.dtype)
    src = jnp.concatenate([edge_index[0], loop])
    dst = jnp.concatenate([edge_index[1], loop])
    deg = jnp.zeros((n,), dtype=x.dtype).at[dst].add(1.0)
    dinv = jnp.where(deg > 0, deg ** -0.5, 0.0)
    norm = dinv[src] * dinv[dst]
    h = x @ W
    msg = h[src] * norm[:, None]
    out = jnp.zeros((n, W.shape[1]), dtype=x.dtype).at[dst].add(msg)
    return out + b

def reference(x, edge_index, W1, b1, W2, b2, Wc, bc):
    h = jax.nn.relu(_gcn_conv(x, edge_index, W1, b1))
    h = jax.nn.relu(_gcn_conv(h, edge_index, W2, b2))
    # single-graph global_mean_pool (batch vector is all zeros) -> [1, H]
    z = jnp.mean(h, axis=0, keepdims=True)
    # unsqueeze(0) -> [1, 1, H]
    z = z[None, :, :]
    return z @ Wc + bc

if __name__ == "__main__":
    import jax
    _d = setup_inputs()
    print(jax.jit(kernel)(*tuple(_d.values())))

</pallas_src>

<mosaic_0001>
#map = affine_map<(d0, d1) -> (0, 0)>
#map1 = affine_map<(d0, d1) -> (0, 0, 0)>
module attributes {stable_mosaic.version = 14 : i64} {
  func.func @_agg_kernel(%arg0: i32, %arg1: i32, %arg2: memref<10240x128xf32, #tpu.memory_space<hbm>>, %arg3: memref<10240x128xf32, #tpu.memory_space<hbm>>, %arg4: memref<16x160x64xi32, #tpu.memory_space<hbm>>, %arg5: memref<16x160x64xi32, #tpu.memory_space<hbm>>, %arg6: memref<10240x128xf32, #tpu.memory_space<hbm>>, %arg7: memref<10240x128xf32, #tpu.memory_space<hbm>>, %arg8: memref<10240x128xf32, #tpu.memory_space<hbm>>, %arg9: memref<64xi32, #tpu.memory_space<vmem>>, %arg10: memref<64xi32, #tpu.memory_space<vmem>>, %arg11: memref<64xi32, #tpu.memory_space<vmem>>, %arg12: memref<64xi32, #tpu.memory_space<vmem>>, %arg13: memref<64xi32, #tpu.memory_space<vmem>>, %arg14: memref<64xi32, #tpu.memory_space<vmem>>, %arg15: memref<64xi32, #tpu.memory_space<vmem>>, %arg16: memref<64xi32, #tpu.memory_space<vmem>>, %arg17: memref<64x128xf32, #tpu.memory_space<vmem>>, %arg18: memref<64x128xf32, #tpu.memory_space<vmem>>, %arg19: memref<64x128xf32, #tpu.memory_space<vmem>>, %arg20: memref<64x128xf32, #tpu.memory_space<vmem>>, %arg21: memref<10240x128xf32, #tpu.memory_space<vmem_shared>>, %arg22: memref<!tpu.dma_semaphore, #tpu.memory_space<semaphore_mem>>, %arg23: memref<!tpu.dma_semaphore, #tpu.memory_space<semaphore_mem>>, %arg24: memref<!tpu.dma_semaphore, #tpu.memory_space<semaphore_mem>>, %arg25: memref<!tpu.dma_semaphore, #tpu.memory_space<semaphore_mem>>, %arg26: memref<!tpu.dma_semaphore, #tpu.memory_space<semaphore_mem>>, %arg27: memref<!tpu.dma_semaphore, #tpu.memory_space<semaphore_mem>>, %arg28: memref<!tpu.dma_semaphore, #tpu.memory_space<semaphore_mem>>, %arg29: memref<!tpu.dma_semaphore, #tpu.memory_space<semaphore_mem>>, %arg30: memref<!tpu.dma_semaphore, #tpu.memory_space<semaphore_mem>>, %arg31: memref<!tpu.dma_semaphore, #tpu.memory_space<semaphore_mem>>, %arg32: memref<!tpu.dma_semaphore, #tpu.memory_space<semaphore_mem>>, %arg33: memref<!tpu.dma_semaphore, #tpu.memory_space<semaphore_mem>>) attributes {dimension_semantics = [#tpu.dimension_semantics<core_parallel>, #tpu.dimension_semantics<subcore_parallel>], iteration_bounds = array<i64: 2, 16>, scalar_prefetch = 0 : i64, scratch_operands = 25 : i64, tpu.core_type = #tpu.core_type<sc_vector_subcore>, window_params = [{transform_indices = #map}, {transform_indices = #map}, {transform_indices = #map1}, {transform_indices = #map1}, {transform_indices = #map}, {transform_indices = #map}, {transform_indices = #map}]} {
    %mul3A = arith.constant 640 : i32
    %mul3A_0 = arith.muli %arg1, %mul3A : i32
    %mul3A_1 = arith.constant 640 : i32
    %mul3A_2 = arith.muli %arg1, %mul3A_1 : i32
    "tpu.region"() ({
      %run_scoped3A = tpu.sem_alloc : memref<!tpu.dma_semaphore, #tpu.memory_space<semaphore_mem>>
      %dma_start3A_177 = arith.constant 0 : i32
      %dma_start3A_178 = tpu.memref_slice %arg21[%mul3A_2, %dma_start3A_177] : memref<10240x128xf32, #tpu.memory_space<vmem_shared>> -> memref<640x128xf32, #tpu.memory_space<vmem_shared>>
      %dma_start3A_179 = arith.constant 0 : i32
      %dma_start3A_180 = tpu.memref_slice %arg6[%mul3A_0, %dma_start3A_179] : memref<10240x128xf32, #tpu.memory_space<hbm>> -> memref<640x128xf32, #tpu.memory_space<hbm>>
      tpu.enqueue_dma source(%dma_start3A_180 : memref<640x128xf32, #tpu.memory_space<hbm>>) target(%dma_start3A_178 : memref<640x128xf32, #tpu.memory_space<vmem_shared>>) target_semaphore(%run_scoped3A : memref<!tpu.dma_semaphore, #tpu.memory_space<semaphore_mem>>)
      %dma_wait3A_181 = arith.constant 0 : i32
      %dma_wait3A_182 = tpu.memref_slice %arg21[%mul3A_2, %dma_wait3A_181] : memref<10240x128xf32, #tpu.memory_space<vmem_shared>> -> memref<640x128xf32, #tpu.memory_space<vmem_shared>>
      %dma_wait3A_183 = arith.constant 0 : i32
      %dma_wait3A_184 = tpu.memref_slice %arg6[%mul3A_0, %dma_wait3A_183] : memref<10240x128xf32, #tpu.memory_space<hbm>> -> memref<640x128xf32, #tpu.memory_space<hbm>>
      tpu.wait_dma2 semaphore(%run_scoped3A : memref<!tpu.dma_semaphore, #tpu.memory_space<semaphore_mem>>) src(%dma_wait3A_184 : memref<640x128xf32, #tpu.memory_space<hbm>>) dst(%dma_wait3A_182 : memref<640x128xf32, #tpu.memory_space<vmem_shared>>)
      tpu.yield
    }) : () -> ()
    %barrier3A = arith.constant 0 : index
    tpu.barrier barrier_id(%barrier3A)
    %dma_start3A = arith.constant 0 : i32
    %dma_start3A_3 = arith.constant 0 : i32
    %dma_start3A_4 = tpu.memref_slice %arg4[%arg1, %dma_start3A, %dma_start3A_3] : memref<16x160x64xi32, #tpu.memory_space<hbm>> -> memref<1x1x64xi32, #tpu.memory_space<hbm>>
    %dma_start3A_5 = tpu.memref_squeeze %dma_start3A_4 : memref<1x1x64xi32, #tpu.memory_space<hbm>> -> memref<64xi32, #tpu.memory_space<hbm>>
    %dma_start3A_6 = arith.constant 0 : i32
    %dma_start3A_7 = tpu.memref_slice %arg4[%arg1, %dma_start3A, %dma_start3A_6] : memref<16x160x64xi32, #tpu.memory_space<hbm>> -> memref<1x1x64xi32, #tpu.memory_space<hbm>>
    %dma_start3A_8 = tpu.memref_squeeze %dma_start3A_7 : memref<1x1x64xi32, #tpu.memory_space<hbm>> -> memref<64xi32, #tpu.memory_space<hbm>>
    tpu.enqueue_dma source(%dma_start3A_8 : memref<64xi32, #tpu.memory_space<hbm>>) target(%arg9 : memref<64xi32, #tpu.memory_space<vmem>>) target_semaphore(%arg26 : memref<!tpu.dma_semaphore, #tpu.memory_space<semaphore_mem>>)
    %dma_start3A_9 = arith.constant 0 : i32
    %dma_start3A_10 = arith.constant 0 : i32
    %dma_start3A_11 = tpu.memref_slice %arg5[%arg1, %dma_start3A_9, %dma_start3A_10] : memref<16x160x64xi32, #tpu.memory_space<hbm>> -> memref<1x1x64xi32, #tpu.memory_space<hbm>>
    %dma_start3A_12 = tpu.memref_squeeze %dma_start3A_11 : memref<1x1x64xi32, #tpu.memory_space<hbm>> -> memref<64xi32, #tpu.memory_space<hbm>>
    %dma_start3A_13 = arith.constant 0 : i32
    %dma_start3A_14 = tpu.memref_slice %arg5[%arg1, %dma_start3A_9, %dma_start3A_13] : memref<16x160x64xi32, #tpu.memory_space<hbm>> -> memref<1x1x64xi32, #tpu.memory_space<hbm>>
    %dma_start3A_15 = tpu.memref_squeeze %dma_start3A_14 : memref<1x1x64xi32, #tpu.memory_space<hbm>> -> memref<64xi32, #tpu.memory_space<hbm>>
    tpu.enqueue_dma source(%dma_start3A_15 : memref<64xi32, #tpu.memory_space<hbm>>) target(%arg13 : memref<64xi32, #tpu.memory_space<vmem>>) target_semaphore(%arg30 : memref<!tpu.dma_semaphore, #tpu.memory_space<semaphore_mem>>)
    %dma_start3A_16 = arith.constant 1 : i32
    %dma_start3A_17 = arith.constant 0 : i32
    %dma_start3A_18 = tpu.memref_slice %arg4[%arg1, %dma_start3A_16, %dma_start3A_17] : memref<16x160x64xi32, #tpu.memory_space<hbm>> -> memref<1x1x64xi32, #tpu.memory_space<hbm>>
    %dma_start3A_19 = tpu.memref_squeeze %dma_start3A_18 : memref<1x1x64xi32, #tpu.memory_space<hbm>> -> memref<64xi32, #tpu.memory_space<hbm>>
    %dma_start3A_20 = arith.constant 0 : i32
    %dma_start3A_21 = tpu.memref_slice %arg4[%arg1, %dma_start3A_16, %dma_start3A_20] : memref<16x160x64xi32, #tpu.memory_space<hbm>> -> memref<1x1x64xi32, #tpu.memory_space<hbm>>
    %dma_start3A_22 = tpu.memref_squeeze %dma_start3A_21 : memref<1x1x64xi32, #tpu.memory_space<hbm>> -> memref<64xi32, #tpu.memory_space<hbm>>
    tpu.enqueue_dma source(%dma_start3A_22 : memref<64xi32, #tpu.memory_space<hbm>>) target(%arg10 : memref<64xi32, #tpu.memory_space<vmem>>) target_semaphore(%arg27 : memref<!tpu.dma_semaphore, #tpu.memory_space<semaphore_mem>>)
    %dma_start3A_23 = arith.constant 1 : i32
    %dma_start3A_24 = arith.constant 0 : i32
    %dma_start3A_25 = tpu.memref_slice %arg5[%arg1, %dma_start3A_23, %dma_start3A_24] : memref<16x160x64xi32, #tpu.memory_space<hbm>> -> memref<1x1x64xi32, #tpu.memory_space<hbm>>
    %dma_start3A_26 = tpu.memref_squeeze %dma_start3A_25 : memref<1x1x64xi32, #tpu.memory_space<hbm>> -> memref<64xi32, #tpu.memory_space<hbm>>
    %dma_start3A_27 = arith.constant 0 : i32
    %dma_start3A_28 = tpu.memref_slice %arg5[%arg1, %dma_start3A_23, %dma_start3A_27] : memref<16x160x64xi32, #tpu.memory_space<hbm>> -> memref<1x1x64xi32, #tpu.memory_space<hbm>>
    %dma_start3A_29 = tpu.memref_squeeze %dma_start3A_28 : memref<1x1x64xi32, #tpu.memory_space<hbm>> -> memref<64xi32, #tpu.memory_space<hbm>>
    tpu.enqueue_dma source(%dma_start3A_29 : memref<64xi32, #tpu.memory_space<hbm>>) target(%arg14 : memref<64xi32, #tpu.memory_space<vmem>>) target_semaphore(%arg31 : memref<!tpu.dma_semaphore, #tpu.memory_space<semaphore_mem>>)
    %dma_start3A_30 = arith.constant 2 : i32
    %dma_start3A_31 = arith.constant 0 : i32
    %dma_start3A_32 = tpu.memref_slice %arg4[%arg1, %dma_start3A_30, %dma_start3A_31] : memref<16x160x64xi32, #tpu.memory_space<hbm>> -> memref<1x1x64xi32, #tpu.memory_space<hbm>>
    %dma_start3A_33 = tpu.memref_squeeze %dma_start3A_32 : memref<1x1x64xi32, #tpu.memory_space<hbm>> -> memref<64xi32, #tpu.memory_space<hbm>>
    %dma_start3A_34 = arith.constant 0 : i32
    %dma_start3A_35 = tpu.memref_slice %arg4[%arg1, %dma_start3A_30, %dma_start3A_34] : memref<16x160x64xi32, #tpu.memory_space<hbm>> -> memref<1x1x64xi32, #tpu.memory_space<hbm>>
    %dma_start3A_36 = tpu.memref_squeeze %dma_start3A_35 : memref<1x1x64xi32, #tpu.memory_space<hbm>> -> memref<64xi32, #tpu.memory_space<hbm>>
    tpu.enqueue_dma source(%dma_start3A_36 : memref<64xi32, #tpu.memory_space<hbm>>) target(%arg11 : memref<64xi32, #tpu.memory_space<vmem>>) target_semaphore(%arg28 : memref<!tpu.dma_semaphore, #tpu.memory_space<semaphore_mem>>)
    %dma_start3A_37 = arith.constant 2 : i32
    %dma_start3A_38 = arith.constant 0 : i32
    %dma_start3A_39 = tpu.memref_slice %arg5[%arg1, %dma_start3A_37, %dma_start3A_38] : memref<16x160x64xi32, #tpu.memory_space<hbm>> -> memref<1x1x64xi32, #tpu.memory_space<hbm>>
    %dma_start3A_40 = tpu.memref_squeeze %dma_start3A_39 : memref<1x1x64xi32, #tpu.memory_space<hbm>> -> memref<64xi32, #tpu.memory_space<hbm>>
    %dma_start3A_41 = arith.constant 0 : i32
    %dma_start3A_42 = tpu.memref_slice %arg5[%arg1, %dma_start3A_37, %dma_start3A_41] : memref<16x160x64xi32, #tpu.memory_space<hbm>> -> memref<1x1x64xi32, #tpu.memory_space<hbm>>
    %dma_start3A_43 = tpu.memref_squeeze %dma_start3A_42 : memref<1x1x64xi32, #tpu.memory_space<hbm>> -> memref<64xi32, #tpu.memory_space<hbm>>
    tpu.enqueue_dma source(%dma_start3A_43 : memref<64xi32, #tpu.memory_space<hbm>>) target(%arg15 : memref<64xi32, #tpu.memory_space<vmem>>) target_semaphore(%arg32 : memref<!tpu.dma_semaphore, #tpu.memory_space<semaphore_mem>>)
    %dma_start3A_44 = arith.constant 3 : i32
    %dma_start3A_45 = arith.constant 0 : i32
    %dma_start3A_46 = tpu.memref_slice %arg4[%arg1, %dma_start3A_44, %dma_start3A_45] : memref<16x160x64xi32, #tpu.memory_space<hbm>> -> memref<1x1x64xi32, #tpu.memory_space<hbm>>
    %dma_start3A_47 = tpu.memref_squeeze %dma_start3A_46 : memref<1x1x64xi32, #tpu.memory_space<hbm>> -> memref<64xi32, #tpu.memory_space<hbm>>
    %dma_start3A_48 = arith.constant 0 : i32
    %dma_start3A_49 = tpu.memref_slice %arg4[%arg1, %dma_start3A_44, %dma_start3A_48] : memref<16x160x64xi32, #tpu.memory_space<hbm>> -> memref<1x1x64xi32, #tpu.memory_space<hbm>>
    %dma_start3A_50 = tpu.memref_squeeze %dma_start3A_49 : memref<1x1x64xi32, #tpu.memory_space<hbm>> -> memref<64xi32, #tpu.memory_space<hbm>>
    tpu.enqueue_dma source(%dma_start3A_50 : memref<64xi32, #tpu.memory_space<hbm>>) target(%arg12 : memref<64xi32, #tpu.memory_space<vmem>>) target_semaphore(%arg29 : memref<!tpu.dma_semaphore, #tpu.memory_space<semaphore_mem>>)
    %dma_start3A_51 = arith.constant 3 : i32
    %dma_start3A_52 = arith.constant 0 : i32
    %dma_start3A_53 = tpu.memref_slice %arg5[%arg1, %dma_start3A_51, %dma_start3A_52] : memref<16x160x64xi32, #tpu.memory_space<hbm>> -> memref<1x1x64xi32, #tpu.memory_space<hbm>>
    %dma_start3A_54 = tpu.memref_squeeze %dma_start3A_53 : memref<1x1x64xi32, #tpu.memory_space<hbm>> -> memref<64xi32, #tpu.memory_space<hbm>>
    %dma_start3A_55 = arith.constant 0 : i32
    %dma_start3A_56 = tpu.memref_slice %arg5[%arg1, %dma_start3A_51, %dma_start3A_55] : memref<16x160x64xi32, #tpu.memory_space<hbm>> -> memref<1x1x64xi32, #tpu.memory_space<hbm>>
    %dma_start3A_57 = tpu.memref_squeeze %dma_start3A_56 : memref<1x1x64xi32, #tpu.memory_space<hbm>> -> memref<64xi32, #tpu.memory_space<hbm>>
    tpu.enqueue_dma source(%dma_start3A_57 : memref<64xi32, #tpu.memory_space<hbm>>) target(%arg16 : memref<64xi32, #tpu.memory_space<vmem>>) target_semaphore(%arg33 : memref<!tpu.dma_semaphore, #tpu.memory_space<semaphore_mem>>)
    %dma_wait3A = arith.constant 0 : i32
    %dma_wait3A_58 = arith.constant 0 : i32
    %dma_wait3A_59 = tpu.memref_slice %arg4[%arg1, %dma_wait3A, %dma_wait3A_58] : memref<16x160x64xi32, #tpu.memory_space<hbm>> -> memref<1x1x64xi32, #tpu.memory_space<hbm>>
    %dma_wait3A_60 = tpu.memref_squeeze %dma_wait3A_59 : memref<1x1x64xi32, #tpu.memory_space<hbm>> -> memref<64xi32, #tpu.memory_space<hbm>>
    %dma_wait3A_61 = arith.constant 0 : i32
    %dma_wait3A_62 = tpu.memref_slice %arg4[%arg1, %dma_wait3A, %dma_wait3A_61] : memref<16x160x64xi32, #tpu.memory_space<hbm>> -> memref<1x1x64xi32, #tpu.memory_space<hbm>>
    %dma_wait3A_63 = tpu.memref_squeeze %dma_wait3A_62 : memref<1x1x64xi32, #tpu.memory_space<hbm>> -> memref<64xi32, #tpu.memory_space<hbm>>
    tpu.wait_dma2 semaphore(%arg26 : memref<!tpu.dma_semaphore, #tpu.memory_space<semaphore_mem>>) src(%dma_wait3A_63 : memref<64xi32, #tpu.memory_space<hbm>>) dst(%arg9 : memref<64xi32, #tpu.memory_space<vmem>>)
    %eq3A = arith.constant 0 : i32
    %eq3A_64 = arith.cmpi eq, %arg0, %eq3A : i32
    %convert_element_type3A = arith.extui %eq3A_64 : i1 to i32
    %cond3A = arith.constant 0 : i32
    %cond3A_65 = arith.cmpi ne, %convert_element_type3A, %cond3A : i32
    scf.if %cond3A_65 {
      %dma_start3A_177 = arith.constant 0 : i32
      %dma_start3A_178 = arith.constant 0 : i32
      %dma_start3A_179 = tpu.memref_slice %arg2[%dma_start3A_177, %dma_start3A_178] : memref<10240x128xf32, #tpu.memory_space<hbm>> -> memref<10240x128xf32, #tpu.memory_space<hbm>>
      tpu.enqueue_indirect_dma source(%dma_start3A_179 : memref<10240x128xf32, #tpu.memory_space<hbm>>) target(%arg17 : memref<64x128xf32, #tpu.memory_space<vmem>>) offsets(%arg9 : memref<64xi32, #tpu.memory_space<vmem>>) semaphore(%arg22 : memref<!tpu.dma_semaphore, #tpu.memory_space<semaphore_mem>>)
    } else {
    }
    %eq3A_66 = arith.constant 1 : i32
    %eq3A_67 = arith.cmpi eq, %arg0, %eq3A_66 : i32
    %convert_element_type3A_68 = arith.extui %eq3A_67 : i1 to i32
    %cond3A_69 = arith.constant 0 : i32
    %cond3A_70 = arith.cmpi ne, %convert_element_type3A_68, %cond3A_69 : i32
    scf.if %cond3A_70 {
      %dma_start3A_177 = arith.constant 0 : i32
      %dma_start3A_178 = arith.constant 0 : i32
      %dma_start3A_179 = tpu.memref_slice %arg3[%dma_start3A_177, %dma_start3A_178] : memref<10240x128xf32, #tpu.memory_space<hbm>> -> memref<10240x128xf32, #tpu.memory_space<hbm>>
      tpu.enqueue_indirect_dma source(%dma_start3A_179 : memref<10240x128xf32, #tpu.memory_space<hbm>>) target(%arg17 : memref<64x128xf32, #tpu.memory_space<vmem>>) offsets(%arg9 : memref<64xi32, #tpu.memory_space<vmem>>) semaphore(%arg22 : memref<!tpu.dma_semaphore, #tpu.memory_space<semaphore_mem>>)
    } else {
    }
    %dma_wait3A_71 = arith.constant 1 : i32
    %dma_wait3A_72 = arith.constant 0 : i32
    %dma_wait3A_73 = tpu.memref_slice %arg4[%arg1, %dma_wait3A_71, %dma_wait3A_72] : memref<16x160x64xi32, #tpu.memory_space<hbm>> -> memref<1x1x64xi32, #tpu.memory_space<hbm>>
    %dma_wait3A_74 = tpu.memref_squeeze %dma_wait3A_73 : memref<1x1x64xi32, #tpu.memory_space<hbm>> -> memref<64xi32, #tpu.memory_space<hbm>>
    %dma_wait3A_75 = arith.constant 0 : i32
    %dma_wait3A_76 = tpu.memref_slice %arg4[%arg1, %dma_wait3A_71, %dma_wait3A_75] : memref<16x160x64xi32, #tpu.memory_space<hbm>> -> memref<1x1x64xi32, #tpu.memory_space<hbm>>
    %dma_wait3A_77 = tpu.memref_squeeze %dma_wait3A_76 : memref<1x1x64xi32, #tpu.memory_space<hbm>> -> memref<64xi32, #tpu.memory_space<hbm>>
    tpu.wait_dma2 semaphore(%arg27 : memref<!tpu.dma_semaphore, #tpu.memory_space<semaphore_mem>>) src(%dma_wait3A_77 : memref<64xi32, #tpu.memory_space<hbm>>) dst(%arg10 : memref<64xi32, #tpu.memory_space<vmem>>)
    %eq3A_78 = arith.constant 0 : i32
    %eq3A_79 = arith.cmpi eq, %arg0, %eq3A_78 : i32
    %convert_element_type3A_80 = arith.extui %eq3A_79 : i1 to i32
    %cond3A_81 = arith.constant 0 : i32
    %cond3A_82 = arith.cmpi ne, %convert_element_type3A_80, %cond3A_81 : i32
    scf.if %cond3A_82 {
      %dma_start3A_177 = arith.constant 0 : i32
      %dma_start3A_178 = arith.constant 0 : i32
      %dma_start3A_179 = tpu.memref_slice %arg2[%dma_start3A_177, %dma_start3A_178] : memref<10240x128xf32, #tpu.memory_space<hbm>> -> memref<10240x128xf32, #tpu.memory_space<hbm>>
      tpu.enqueue_indirect_dma source(%dma_start3A_179 : memref<10240x128xf32, #tpu.memory_space<hbm>>) target(%arg18 : memref<64x128xf32, #tpu.memory_space<vmem>>) offsets(%arg10 : memref<64xi32, #tpu.memory_space<vmem>>) semaphore(%arg23 : memref<!tpu.dma_semaphore, #tpu.memory_space<semaphore_mem>>)
    } else {
    }
    %eq3A_83 = arith.constant 1 : i32
    %eq3A_84 = arith.cmpi eq, %arg0, %eq3A_83 : i32
    %convert_element_type3A_85 = arith.extui %eq3A_84 : i1 to i32
    %cond3A_86 = arith.constant 0 : i32
    %cond3A_87 = arith.cmpi ne, %convert_element_type3A_85, %cond3A_86 : i32
    scf.if %cond3A_87 {
      %dma_start3A_177 = arith.constant 0 : i32
      %dma_start3A_178 = arith.constant 0 : i32
      %dma_start3A_179 = tpu.memref_slice %arg3[%dma_start3A_177, %dma_start3A_178] : memref<10240x128xf32, #tpu.memory_space<hbm>> -> memref<10240x128xf32, #tpu.memory_space<hbm>>
      tpu.enqueue_indirect_dma source(%dma_start3A_179 : memref<10240x128xf32, #tpu.memory_space<hbm>>) target(%arg18 : memref<64x128xf32, #tpu.memory_space<vmem>>) offsets(%arg10 : memref<64xi32, #tpu.memory_space<vmem>>) semaphore(%arg23 : memref<!tpu.dma_semaphore, #tpu.memory_space<semaphore_mem>>)
    } else {
    }
    %dma_wait3A_88 = arith.constant 2 : i32
    %dma_wait3A_89 = arith.constant 0 : i32
    %dma_wait3A_90 = tpu.memref_slice %arg4[%arg1, %dma_wait3A_88, %dma_wait3A_89] : memref<16x160x64xi32, #tpu.memory_space<hbm>> -> memref<1x1x64xi32, #tpu.memory_space<hbm>>
    %dma_wait3A_91 = tpu.memref_squeeze %dma_wait3A_90 : memref<1x1x64xi32, #tpu.memory_space<hbm>> -> memref<64xi32, #tpu.memory_space<hbm>>
    %dma_wait3A_92 = arith.constant 0 : i32
    %dma_wait3A_93 = tpu.memref_slice %arg4[%arg1, %dma_wait3A_88, %dma_wait3A_92] : memref<16x160x64xi32, #tpu.memory_space<hbm>> -> memref<1x1x64xi32, #tpu.memory_space<hbm>>
    %dma_wait3A_94 = tpu.memref_squeeze %dma_wait3A_93 : memref<1x1x64xi32, #tpu.memory_space<hbm>> -> memref<64xi32, #tpu.memory_space<hbm>>
    tpu.wait_dma2 semaphore(%arg28 : memref<!tpu.dma_semaphore, #tpu.memory_space<semaphore_mem>>) src(%dma_wait3A_94 : memref<64xi32, #tpu.memory_space<hbm>>) dst(%arg11 : memref<64xi32, #tpu.memory_space<vmem>>)
    %eq3A_95 = arith.constant 0 : i32
    %eq3A_96 = arith.cmpi eq, %arg0, %eq3A_95 : i32
    %convert_element_type3A_97 = arith.extui %eq3A_96 : i1 to i32
    %cond3A_98 = arith.constant 0 : i32
    %cond3A_99 = arith.cmpi ne, %convert_element_type3A_97, %cond3A_98 : i32
    scf.if %cond3A_99 {
      %dma_start3A_177 = arith.constant 0 : i32
      %dma_start3A_178 = arith.constant 0 : i32
      %dma_start3A_179 = tpu.memref_slice %arg2[%dma_start3A_177, %dma_start3A_178] : memref<10240x128xf32, #tpu.memory_space<hbm>> -> memref<10240x128xf32, #tpu.memory_space<hbm>>
      tpu.enqueue_indirect_dma source(%dma_start3A_179 : memref<10240x128xf32, #tpu.memory_space<hbm>>) target(%arg19 : memref<64x128xf32, #tpu.memory_space<vmem>>) offsets(%arg11 : memref<64xi32, #tpu.memory_space<vmem>>) semaphore(%arg24 : memref<!tpu.dma_semaphore, #tpu.memory_space<semaphore_mem>>)
    } else {
    }
    %eq3A_100 = arith.constant 1 : i32
    %eq3A_101 = arith.cmpi eq, %arg0, %eq3A_100 : i32
    %convert_element_type3A_102 = arith.extui %eq3A_101 : i1 to i32
    %cond3A_103 = arith.constant 0 : i32
    %cond3A_104 = arith.cmpi ne, %convert_element_type3A_102, %cond3A_103 : i32
    scf.if %cond3A_104 {
      %dma_start3A_177 = arith.constant 0 : i32
      %dma_start3A_178 = arith.constant 0 : i32
      %dma_start3A_179 = tpu.memref_slice %arg3[%dma_start3A_177, %dma_start3A_178] : memref<10240x128xf32, #tpu.memory_space<hbm>> -> memref<10240x128xf32, #tpu.memory_space<hbm>>
      tpu.enqueue_indirect_dma source(%dma_start3A_179 : memref<10240x128xf32, #tpu.memory_space<hbm>>) target(%arg19 : memref<64x128xf32, #tpu.memory_space<vmem>>) offsets(%arg11 : memref<64xi32, #tpu.memory_space<vmem>>) semaphore(%arg24 : memref<!tpu.dma_semaphore, #tpu.memory_space<semaphore_mem>>)
    } else {
    }
    %dma_wait3A_105 = arith.constant 3 : i32
    %dma_wait3A_106 = arith.constant 0 : i32
    %dma_wait3A_107 = tpu.memref_slice %arg4[%arg1, %dma_wait3A_105, %dma_wait3A_106] : memref<16x160x64xi32, #tpu.memory_space<hbm>> -> memref<1x1x64xi32, #tpu.memory_space<hbm>>
    %dma_wait3A_108 = tpu.memref_squeeze %dma_wait3A_107 : memref<1x1x64xi32, #tpu.memory_space<hbm>> -> memref<64xi32, #tpu.memory_space<hbm>>
    %dma_wait3A_109 = arith.constant 0 : i32
    %dma_wait3A_110 = tpu.memref_slice %arg4[%arg1, %dma_wait3A_105, %dma_wait3A_109] : memref<16x160x64xi32, #tpu.memory_space<hbm>> -> memref<1x1x64xi32, #tpu.memory_space<hbm>>
    %dma_wait3A_111 = tpu.memref_squeeze %dma_wait3A_110 : memref<1x1x64xi32, #tpu.memory_space<hbm>> -> memref<64xi32, #tpu.memory_space<hbm>>
    tpu.wait_dma2 semaphore(%arg29 : memref<!tpu.dma_semaphore, #tpu.memory_space<semaphore_mem>>) src(%dma_wait3A_111 : memref<64xi32, #tpu.memory_space<hbm>>) dst(%arg12 : memref<64xi32, #tpu.memory_space<vmem>>)
    %eq3A_112 = arith.constant 0 : i32
    %eq3A_113 = arith.cmpi eq, %arg0, %eq3A_112 : i32
    %convert_element_type3A_114 = arith.extui %eq3A_113 : i1 to i32
    %cond3A_115 = arith.constant 0 : i32
    %cond3A_116 = arith.cmpi ne, %convert_element_type3A_114, %cond3A_115 : i32
    scf.if %cond3A_116 {
      %dma_start3A_177 = arith.constant 0 : i32
      %dma_start3A_178 = arith.constant 0 : i32
      %dma_start3A_179 = tpu.memref_slice %arg2[%dma_start3A_177, %dma_start3A_178] : memref<10240x128xf32, #tpu.memory_space<hbm>> -> memref<10240x128xf32, #tpu.memory_space<hbm>>
      tpu.enqueue_indirect_dma source(%dma_start3A_179 : memref<10240x128xf32, #tpu.memory_space<hbm>>) target(%arg20 : memref<64x128xf32, #tpu.memory_space<vmem>>) offsets(%arg12 : memref<64xi32, #tpu.memory_space<vmem>>) semaphore(%arg25 : memref<!tpu.dma_semaphore, #tpu.memory_space<semaphore_mem>>)
    } else {
    }
    %eq3A_117 = arith.constant 1 : i32
    %eq3A_118 = arith.cmpi eq, %arg0, %eq3A_117 : i32
    %convert_element_type3A_119 = arith.extui %eq3A_118 : i1 to i32
    %cond3A_120 = arith.constant 0 : i32
    %cond3A_121 = arith.cmpi ne, %convert_element_type3A_119, %cond3A_120 : i32
    scf.if %cond3A_121 {
      %dma_start3A_177 = arith.constant 0 : i32
      %dma_start3A_178 = arith.constant 0 : i32
      %dma_start3A_179 = tpu.memref_slice %arg3[%dma_start3A_177, %dma_start3A_178] : memref<10240x128xf32, #tpu.memory_space<hbm>> -> memref<10240x128xf32, #tpu.memory_space<hbm>>
      tpu.enqueue_indirect_dma source(%dma_start3A_179 : memref<10240x128xf32, #tpu.memory_space<hbm>>) target(%arg20 : memref<64x128xf32, #tpu.memory_space<vmem>>) offsets(%arg12 : memref<64xi32, #tpu.memory_space<vmem>>) semaphore(%arg25 : memref<!tpu.dma_semaphore, #tpu.memory_space<semaphore_mem>>)
    } else {
    }
    %scan3A = arith.constant 0 : i32
    %scan3A_122 = arith.constant 40 : i32
    %scan3A_123 = arith.addi %scan3A, %scan3A_122 : i32
    %scan3A_124 = arith.constant 1 : i32
    scf.for %scan3A_177 = %scan3A to %scan3A_123 step %scan3A_124  : i32 {
      %mul3A_178 = arith.constant 4 : i32
      %mul3A_179 = arith.muli %scan3A_177, %mul3A_178 : i32
      %add3A = arith.constant 0 : i32
      %add3A_180 = arith.addi %add3A, %mul3A_179 : i32
      %add3A_181 = arith.constant 0 : i32
      %add3A_182 = arith.addi %add3A_180, %add3A_181 : i32
      %dma_wait3A_183 = arith.constant 0 : i32
      %dma_wait3A_184 = arith.constant 0 : i32
      %dma_wait3A_185 = tpu.memref_slice %arg2[%dma_wait3A_183, %dma_wait3A_184] : memref<10240x128xf32, #tpu.memory_space<hbm>> -> memref<10240x128xf32, #tpu.memory_space<hbm>>
      tpu.wait_indirect_dma semaphore(%arg22 : memref<!tpu.dma_semaphore, #tpu.memory_space<semaphore_mem>>) src(%dma_wait3A_185 : memref<10240x128xf32, #tpu.memory_space<hbm>>) dst(%arg17 : memref<64x128xf32, #tpu.memory_space<vmem>>)
      %add3A_186 = arith.constant 4 : i32
      %add3A_187 = arith.addi %add3A_182, %add3A_186 : i32
      %lt3A = arith.constant 160 : i32
      %lt3A_188 = arith.cmpi slt, %add3A_187, %lt3A : i32
      %sub3A = arith.constant 160 : i32
      %sub3A_189 = arith.subi %add3A_187, %sub3A : i32
      %select_n3A = arith.select %lt3A_188, %add3A_187, %sub3A_189 : i32
      %dma_start3A_190 = arith.constant 0 : i32
      %dma_start3A_191 = tpu.memref_slice %arg4[%arg1, %select_n3A, %dma_start3A_190] : memref<16x160x64xi32, #tpu.memory_space<hbm>> -> memref<1x1x64xi32, #tpu.memory_space<hbm>>
      %dma_start3A_192 = tpu.memref_squeeze %dma_start3A_191 : memref<1x1x64xi32, #tpu.memory_space<hbm>> -> memref<64xi32, #tpu.memory_space<hbm>>
      %dma_start3A_193 = arith.constant 0 : i32
      %dma_start3A_194 = tpu.memref_slice %arg4[%arg1, %select_n3A, %dma_start3A_193] : memref<16x160x64xi32, #tpu.memory_space<hbm>> -> memref<1x1x64xi32, #tpu.memory_space<hbm>>
      %dma_start3A_195 = tpu.memref_squeeze %dma_start3A_194 : memref<1x1x64xi32, #tpu.memory_space<hbm>> -> memref<64xi32, #tpu.memory_space<hbm>>
      tpu.enqueue_dma source(%dma_start3A_195 : memref<64xi32, #tpu.memory_space<hbm>>) target(%arg9 : memref<64xi32, #tpu.memory_space<vmem>>) target_semaphore(%arg26 : memref<!tpu.dma_semaphore, #tpu.memory_space<semaphore_mem>>)
      %dma_wait3A_196 = arith.constant 0 : i32
      %dma_wait3A_197 = tpu.memref_slice %arg5[%arg1, %add3A_182, %dma_wait3A_196] : memref<16x160x64xi32, #tpu.memory_space<hbm>> -> memref<1x1x64xi32, #tpu.memory_space<hbm>>
      %dma_wait3A_198 = tpu.memref_squeeze %dma_wait3A_197 : memref<1x1x64xi32, #tpu.memory_space<hbm>> -> memref<64xi32, #tpu.memory_space<hbm>>
      %dma_wait3A_199 = arith.constant 0 : i32
      %dma_wait3A_200 = tpu.memref_slice %arg5[%arg1, %add3A_182, %dma_wait3A_199] : memref<16x160x64xi32, #tpu.memory_space<hbm>> -> memref<1x1x64xi32, #tpu.memory_space<hbm>>
      %dma_wait3A_201 = tpu.memref_squeeze %dma_wait3A_200 : memref<1x1x64xi32, #tpu.memory_space<hbm>> -> memref<64xi32, #tpu.memory_space<hbm>>
      tpu.wait_dma2 semaphore(%arg30 : memref<!tpu.dma_semaphore, #tpu.memory_space<semaphore_mem>>) src(%dma_wait3A_201 : memref<64xi32, #tpu.memory_space<hbm>>) dst(%arg13 : memref<64xi32, #tpu.memory_space<vmem>>)
      "tpu.region"() ({
        %run_scoped3A = tpu.sem_alloc : memref<!tpu.dma_semaphore, #tpu.memory_space<semaphore_mem>>
        %dma_start3A_362 = arith.constant 0 : i32
        %dma_start3A_363 = arith.constant 0 : i32
        %dma_start3A_364 = tpu.memref_slice %arg21[%dma_start3A_362, %dma_start3A_363] : memref<10240x128xf32, #tpu.memory_space<vmem_shared>> -> memref<10240x128xf32, #tpu.memory_space<vmem_shared>>
        tpu.enqueue_indirect_dma source(%arg17 : memref<64x128xf32, #tpu.memory_space<vmem>>) target(%dma_start3A_364 : memref<10240x128xf32, #tpu.memory_space<vmem_shared>>) offsets(%arg13 : memref<64xi32, #tpu.memory_space<vmem>>) semaphore(%run_scoped3A : memref<!tpu.dma_semaphore, #tpu.memory_space<semaphore_mem>>) {add = true}
        %dma_wait3A_365 = arith.constant 0 : i32
        %dma_wait3A_366 = arith.constant 0 : i32
        %dma_wait3A_367 = tpu.memref_slice %arg21[%dma_wait3A_365, %dma_wait3A_366] : memref<10240x128xf32, #tpu.memory_space<vmem_shared>> -> memref<10240x128xf32, #tpu.memory_space<vmem_shared>>
        tpu.wait_indirect_dma semaphore(%run_scoped3A : memref<!tpu.dma_semaphore, #tpu.memory_space<semaphore_mem>>) src(%arg17 : memref<64x128xf32, #tpu.memory_space<vmem>>) dst(%dma_wait3A_367 : memref<10240x128xf32, #tpu.memory_space<vmem_shared>>)
        tpu.yield
      }) : () -> ()
      %dma_start3A_202 = arith.constant 0 : i32
      %dma_start3A_203 = tpu.memref_slice %arg5[%arg1, %select_n3A, %dma_start3A_202] : memref<16x160x64xi32, #tpu.memory_space<hbm>> -> memref<1x1x64xi32, #tpu.memory_space<hbm>>
      %dma_start3A_204 = tpu.memref_squeeze %dma_start3A_203 : memref<1x1x64xi32, #tpu.memory_space<hbm>> -> memref<64xi32, #tpu.memory_space<hbm>>
      %dma_start3A_205 = arith.constant 0 : i32
      %dma_start3A_206 = tpu.memref_slice %arg5[%arg1, %select_n3A, %dma_start3A_205] : memref<16x160x64xi32, #tpu.memory_space<hbm>> -> memref<1x1x64xi32, #tpu.memory_space<hbm>>
      %dma_start3A_207 = tpu.memref_squeeze %dma_start3A_206 : memref<1x1x64xi32, #tpu.memory_space<hbm>> -> memref<64xi32, #tpu.memory_space<hbm>>
      tpu.enqueue_dma source(%dma_start3A_207 : memref<64xi32, #tpu.memory_space<hbm>>) target(%arg13 : memref<64xi32, #tpu.memory_space<vmem>>) target_semaphore(%arg30 : memref<!tpu.dma_semaphore, #tpu.memory_space<semaphore_mem>>)
      %dma_wait3A_208 = arith.constant 0 : i32
      %dma_wait3A_209 = tpu.memref_slice %arg4[%arg1, %add3A_182, %dma_wait3A_208] : memref<16x160x64xi32, #tpu.memory_space<hbm>> -> memref<1x1x64xi32, #tpu.memory_space<hbm>>
      %dma_wait3A_210 = tpu.memref_squeeze %dma_wait3A_209 : memref<1x1x64xi32, #tpu.memory_space<hbm>> -> memref<64xi32, #tpu.memory_space<hbm>>
      %dma_wait3A_211 = arith.constant 0 : i32
      %dma_wait3A_212 = tpu.memref_slice %arg4[%arg1, %add3A_182, %dma_wait3A_211] : memref<16x160x64xi32, #tpu.memory_space<hbm>> -> memref<1x1x64xi32, #tpu.memory_space<hbm>>
      %dma_wait3A_213 = tpu.memref_squeeze %dma_wait3A_212 : memref<1x1x64xi32, #tpu.memory_space<hbm>> -> memref<64xi32, #tpu.memory_space<hbm>>
      tpu.wait_dma2 semaphore(%arg26 : memref<!tpu.dma_semaphore, #tpu.memory_space<semaphore_mem>>) src(%dma_wait3A_213 : memref<64xi32, #tpu.memory_space<hbm>>) dst(%arg9 : memref<64xi32, #tpu.memory_space<vmem>>)
      %eq3A_214 = arith.constant 0 : i32
      %eq3A_215 = arith.cmpi eq, %arg0, %eq3A_214 : i32
      %convert_element_type3A_216 = arith.extui %eq3A_215 : i1 to i32
      %cond3A_217 = arith.constant 0 : i32
      %cond3A_218 = arith.cmpi ne, %convert_element_type3A_216, %cond3A_217 : i32
      scf.if %cond3A_218 {
        %dma_start3A_362 = arith.constant 0 : i32
        %dma_start3A_363 = arith.constant 0 : i32
        %dma_start3A_364 = tpu.memref_slice %arg2[%dma_start3A_362, %dma_start3A_363] : memref<10240x128xf32, #tpu.memory_space<hbm>> -> memref<10240x128xf32, #tpu.memory_space<hbm>>
        tpu.enqueue_indirect_dma source(%dma_start3A_364 : memref<10240x128xf32, #tpu.memory_space<hbm>>) target(%arg17 : memref<64x128xf32, #tpu.memory_space<vmem>>) offsets(%arg9 : memref<64xi32, #tpu.memory_space<vmem>>) semaphore(%arg22 : memref<!tpu.dma_semaphore, #tpu.memory_space<semaphore_mem>>)
      } else {
      }
      %eq3A_219 = arith.constant 1 : i32
      %eq3A_220 = arith.cmpi eq, %arg0, %eq3A_219 : i32
      %convert_element_type3A_221 = arith.extui %eq3A_220 : i1 to i32
      %cond3A_222 = arith.constant 0 : i32
      %cond3A_223 = arith.cmpi ne, %convert_element_type3A_221, %cond3A_222 : i32
      scf.if %cond3A_223 {
        %dma_start3A_362 = arith.constant 0 : i32
        %dma_start3A_363 = arith.constant 0 : i32
        %dma_start3A_364 = tpu.memref_slice %arg3[%dma_start3A_362, %dma_start3A_363] : memref<10240x128xf32, #tpu.memory_space<hbm>> -> memref<10240x128xf32, #tpu.memory_space<hbm>>
        tpu.enqueue_indirect_dma source(%dma_start3A_364 : memref<10240x128xf32, #tpu.memory_space<hbm>>) target(%arg17 : memref<64x128xf32, #tpu.memory_space<vmem>>) offsets(%arg9 : memref<64xi32, #tpu.memory_space<vmem>>) semaphore(%arg22 : memref<!tpu.dma_semaphore, #tpu.memory_space<semaphore_mem>>)
      } else {
      }
      %add3A_224 = arith.constant 1 : i32
      %add3A_225 = arith.addi %add3A_180, %add3A_224 : i32
      %dma_wait3A_226 = arith.constant 0 : i32
      %dma_wait3A_227 = arith.constant 0 : i32
      %dma_wait3A_228 = tpu.memref_slice %arg2[%dma_wait3A_226, %dma_wait3A_227] : memref<10240x128xf32, #tpu.memory_space<hbm>> -> memref<10240x128xf32, #tpu.memory_space<hbm>>
      tpu.wait_indirect_dma semaphore(%arg23 : memref<!tpu.dma_semaphore, #tpu.memory_space<semaphore_mem>>) src(%dma_wait3A_228 : memref<10240x128xf32, #tpu.memory_space<hbm>>) dst(%arg18 : memref<64x128xf32, #tpu.memory_space<vmem>>)
      %add3A_229 = arith.constant 4 : i32
      %add3A_230 = arith.addi %add3A_225, %add3A_229 : i32
      %lt3A_231 = arith.constant 160 : i32
      %lt3A_232 = arith.cmpi slt, %add3A_230, %lt3A_231 : i32
      %sub3A_233 = arith.constant 160 : i32
      %sub3A_234 = arith.subi %add3A_230, %sub3A_233 : i32
      %select_n3A_235 = arith.select %lt3A_232, %add3A_230, %sub3A_234 : i32
      %dma_start3A_236 = arith.constant 0 : i32
      %dma_start3A_237 = tpu.memref_slice %arg4[%arg1, %select_n3A_235, %dma_start3A_236] : memref<16x160x64xi32, #tpu.memory_space<hbm>> -> memref<1x1x64xi32, #tpu.memory_space<hbm>>
      %dma_start3A_238 = tpu.memref_squeeze %dma_start3A_237 : memref<1x1x64xi32, #tpu.memory_space<hbm>> -> memref<64xi32, #tpu.memory_space<hbm>>
      %dma_start3A_239 = arith.constant 0 : i32
      %dma_start3A_240 = tpu.memref_slice %arg4[%arg1, %select_n3A_235, %dma_start3A_239] : memref<16x160x64xi32, #tpu.memory_space<hbm>> -> memref<1x1x64xi32, #tpu.memory_space<hbm>>
      %dma_start3A_241 = tpu.memref_squeeze %dma_start3A_240 : memref<1x1x64xi32, #tpu.memory_space<hbm>> -> memref<64xi32, #tpu.memory_space<hbm>>
      tpu.enqueue_dma source(%dma_start3A_241 : memref<64xi32, #tpu.memory_space<hbm>>) target(%arg10 : memref<64xi32, #tpu.memory_space<vmem>>) target_semaphore(%arg27 : memref<!tpu.dma_semaphore, #tpu.memory_space<semaphore_mem>>)
      %dma_wait3A_242 = arith.constant 0 : i32
      %dma_wait3A_243 = tpu.memref_slice %arg5[%arg1, %add3A_225, %dma_wait3A_242] : memref<16x160x64xi32, #tpu.memory_space<hbm>> -> memref<1x1x64xi32, #tpu.memory_space<hbm>>
      %dma_wait3A_244 = tpu.memref_squeeze %dma_wait3A_243 : memref<1x1x64xi32, #tpu.memory_space<hbm>> -> memref<64xi32, #tpu.memory_space<hbm>>
      %dma_wait3A_245 = arith.constant 0 : i32
      %dma_wait3A_246 = tpu.memref_slice %arg5[%arg1, %add3A_225, %dma_wait3A_245] : memref<16x160x64xi32, #tpu.memory_space<hbm>> -> memref<1x1x64xi32, #tpu.memory_space<hbm>>
      %dma_wait3A_247 = tpu.memref_squeeze %dma_wait3A_246 : memref<1x1x64xi32, #tpu.memory_space<hbm>> -> memref<64xi32, #tpu.memory_space<hbm>>
      tpu.wait_dma2 semaphore(%arg31 : memref<!tpu.dma_semaphore, #tpu.memory_space<semaphore_mem>>) src(%dma_wait3A_247 : memref<64xi32, #tpu.memory_space<hbm>>) dst(%arg14 : memref<64xi32, #tpu.memory_space<vmem>>)
      "tpu.region"() ({
        %run_scoped3A = tpu.sem_alloc : memref<!tpu.dma_semaphore, #tpu.memory_space<semaphore_mem>>
        %dma_start3A_362 = arith.constant 0 : i32
        %dma_start3A_363 = arith.constant 0 : i32
        %dma_start3A_364 = tpu.memref_slice %arg21[%dma_start3A_362, %dma_start3A_363] : memref<10240x128xf32, #tpu.memory_space<vmem_shared>> -> memref<10240x128xf32, #tpu.memory_space<vmem_shared>>
        tpu.enqueue_indirect_dma source(%arg18 : memref<64x128xf32, #tpu.memory_space<vmem>>) target(%dma_start3A_364 : memref<10240x128xf32, #tpu.memory_space<vmem_shared>>) offsets(%arg14 : memref<64xi32, #tpu.memory_space<vmem>>) semaphore(%run_scoped3A : memref<!tpu.dma_semaphore, #tpu.memory_space<semaphore_mem>>) {add = true}
        %dma_wait3A_365 = arith.constant 0 : i32
        %dma_wait3A_366 = arith.constant 0 : i32
        %dma_wait3A_367 = tpu.memref_slice %arg21[%dma_wait3A_365, %dma_wait3A_366] : memref<10240x128xf32, #tpu.memory_space<vmem_shared>> -> memref<10240x128xf32, #tpu.memory_space<vmem_shared>>
        tpu.wait_indirect_dma semaphore(%run_scoped3A : memref<!tpu.dma_semaphore, #tpu.memory_space<semaphore_mem>>) src(%arg18 : memref<64x128xf32, #tpu.memory_space<vmem>>) dst(%dma_wait3A_367 : memref<10240x128xf32, #tpu.memory_space<vmem_shared>>)
        tpu.yield
      }) : () -> ()
      %dma_start3A_248 = arith.constant 0 : i32
      %dma_start3A_249 = tpu.memref_slice %arg5[%arg1, %select_n3A_235, %dma_start3A_248] : memref<16x160x64xi32, #tpu.memory_space<hbm>> -> memref<1x1x64xi32, #tpu.memory_space<hbm>>
      %dma_start3A_250 = tpu.memref_squeeze %dma_start3A_249 : memref<1x1x64xi32, #tpu.memory_space<hbm>> -> memref<64xi32, #tpu.memory_space<hbm>>
      %dma_start3A_251 = arith.constant 0 : i32
      %dma_start3A_252 = tpu.memref_slice %arg5[%arg1, %select_n3A_235, %dma_start3A_251] : memref<16x160x64xi32, #tpu.memory_space<hbm>> -> memref<1x1x64xi32, #tpu.memory_space<hbm>>
      %dma_start3A_253 = tpu.memref_squeeze %dma_start3A_252 : memref<1x1x64xi32, #tpu.memory_space<hbm>> -> memref<64xi32, #tpu.memory_space<hbm>>
      tpu.enqueue_dma source(%dma_start3A_253 : memref<64xi32, #tpu.memory_space<hbm>>) target(%arg14 : memref<64xi32, #tpu.memory_space<vmem>>) target_semaphore(%arg31 : memref<!tpu.dma_semaphore, #tpu.memory_space<semaphore_mem>>)
      %dma_wait3A_254 = arith.constant 0 : i32
      %dma_wait3A_255 = tpu.memref_slice %arg4[%arg1, %add3A_225, %dma_wait3A_254] : memref<16x160x64xi32, #tpu.memory_space<hbm>> -> memref<1x1x64xi32, #tpu.memory_space<hbm>>
      %dma_wait3A_256 = tpu.memref_squeeze %dma_wait3A_255 : memref<1x1x64xi32, #tpu.memory_space<hbm>> -> memref<64xi32, #tpu.memory_space<hbm>>
      %dma_wait3A_257 = arith.constant 0 : i32
      %dma_wait3A_258 = tpu.memref_slice %arg4[%arg1, %add3A_225, %dma_wait3A_257] : memref<16x160x64xi32, #tpu.memory_space<hbm>> -> memref<1x1x64xi32, #tpu.memory_space<hbm>>
      %dma_wait3A_259 = tpu.memref_squeeze %dma_wait3A_258 : memref<1x1x64xi32, #tpu.memory_space<hbm>> -> memref<64xi32, #tpu.memory_space<hbm>>
      tpu.wait_dma2 semaphore(%arg27 : memref<!tpu.dma_semaphore, #tpu.memory_space<semaphore_mem>>) src(%dma_wait3A_259 : memref<64xi32, #tpu.memory_space<hbm>>) dst(%arg10 : memref<64xi32, #tpu.memory_space<vmem>>)
      %eq3A_260 = arith.constant 0 : i32
      %eq3A_261 = arith.cmpi eq, %arg0, %eq3A_260 : i32
      %convert_element_type3A_262 = arith.extui %eq3A_261 : i1 to i32
      %cond3A_263 = arith.constant 0 : i32
      %cond3A_264 = arith.cmpi ne, %convert_element_type3A_262, %cond3A_263 : i32
      scf.if %cond3A_264 {
        %dma_start3A_362 = arith.constant 0 : i32
        %dma_start3A_363 = arith.constant 0 : i32
        %dma_start3A_364 = tpu.memref_slice %arg2[%dma_start3A_362, %dma_start3A_363] : memref<10240x128xf32, #tpu.memory_space<hbm>> -> memref<10240x128xf32, #tpu.memory_space<hbm>>
        tpu.enqueue_indirect_dma source(%dma_start3A_364 : memref<10240x128xf32, #tpu.memory_space<hbm>>) target(%arg18 : memref<64x128xf32, #tpu.memory_space<vmem>>) offsets(%arg10 : memref<64xi32, #tpu.memory_space<vmem>>) semaphore(%arg23 : memref<!tpu.dma_semaphore, #tpu.memory_space<semaphore_mem>>)
      } else {
      }
      %eq3A_265 = arith.constant 1 : i32
      %eq3A_266 = arith.cmpi eq, %arg0, %eq3A_265 : i32
      %convert_element_type3A_267 = arith.extui %eq3A_266 : i1 to i32
      %cond3A_268 = arith.constant 0 : i32
      %cond3A_269 = arith.cmpi ne, %convert_element_type3A_267, %cond3A_268 : i32
      scf.if %cond3A_269 {
        %dma_start3A_362 = arith.constant 0 : i32
        %dma_start3A_363 = arith.constant 0 : i32
        %dma_start3A_364 = tpu.memref_slice %arg3[%dma_start3A_362, %dma_start3A_363] : memref<10240x128xf32, #tpu.memory_space<hbm>> -> memref<10240x128xf32, #tpu.memory_space<hbm>>
        tpu.enqueue_indirect_dma source(%dma_start3A_364 : memref<10240x128xf32, #tpu.memory_space<hbm>>) target(%arg18 : memref<64x128xf32, #tpu.memory_space<vmem>>) offsets(%arg10 : memref<64xi32, #tpu.memory_space<vmem>>) semaphore(%arg23 : memref<!tpu.dma_semaphore, #tpu.memory_space<semaphore_mem>>)
      } else {
      }
      %add3A_270 = arith.constant 2 : i32
      %add3A_271 = arith.addi %add3A_180, %add3A_270 : i32
      %dma_wait3A_272 = arith.constant 0 : i32
      %dma_wait3A_273 = arith.constant 0 : i32
      %dma_wait3A_274 = tpu.memref_slice %arg2[%dma_wait3A_272, %dma_wait3A_273] : memref<10240x128xf32, #tpu.memory_space<hbm>> -> memref<10240x128xf32, #tpu.memory_space<hbm>>
      tpu.wait_indirect_dma semaphore(%arg24 : memref<!tpu.dma_semaphore, #tpu.memory_space<semaphore_mem>>) src(%dma_wait3A_274 : memref<10240x128xf32, #tpu.memory_space<hbm>>) dst(%arg19 : memref<64x128xf32, #tpu.memory_space<vmem>>)
      %add3A_275 = arith.constant 4 : i32
      %add3A_276 = arith.addi %add3A_271, %add3A_275 : i32
      %lt3A_277 = arith.constant 160 : i32
      %lt3A_278 = arith.cmpi slt, %add3A_276, %lt3A_277 : i32
      %sub3A_279 = arith.constant 160 : i32
      %sub3A_280 = arith.subi %add3A_276, %sub3A_279 : i32
      %select_n3A_281 = arith.select %lt3A_278, %add3A_276, %sub3A_280 : i32
      %dma_start3A_282 = arith.constant 0 : i32
      %dma_start3A_283 = tpu.memref_slice %arg4[%arg1, %select_n3A_281, %dma_start3A_282] : memref<16x160x64xi32, #tpu.memory_space<hbm>> -> memref<1x1x64xi32, #tpu.memory_space<hbm>>
      %dma_start3A_284 = tpu.memref_squeeze %dma_start3A_283 : memref<1x1x64xi32, #tpu.memory_space<hbm>> -> memref<64xi32, #tpu.memory_space<hbm>>
      %dma_start3A_285 = arith.constant 0 : i32
      %dma_start3A_286 = tpu.memref_slice %arg4[%arg1, %select_n3A_281, %dma_start3A_285] : memref<16x160x64xi32, #tpu.memory_space<hbm>> -> memref<1x1x64xi32, #tpu.memory_space<hbm>>
      %dma_start3A_287 = tpu.memref_squeeze %dma_start3A_286 : memref<1x1x64xi32, #tpu.memory_space<hbm>> -> memref<64xi32, #tpu.memory_space<hbm>>
      tpu.enqueue_dma source(%dma_start3A_287 : memref<64xi32, #tpu.memory_space<hbm>>) target(%arg11 : memref<64xi32, #tpu.memory_space<vmem>>) target_semaphore(%arg28 : memref<!tpu.dma_semaphore, #tpu.memory_space<semaphore_mem>>)
      %dma_wait3A_288 = arith.constant 0 : i32
      %dma_wait3A_289 = tpu.memref_slice %arg5[%arg1, %add3A_271, %dma_wait3A_288] : memref<16x160x64xi32, #tpu.memory_space<hbm>> -> memref<1x1x64xi32, #tpu.memory_space<hbm>>
      %dma_wait3A_290 = tpu.memref_squeeze %dma_wait3A_289 : memref<1x1x64xi32, #tpu.memory_space<hbm>> -> memref<64xi32, #tpu.memory_space<hbm>>
      %dma_wait3A_291 = arith.constant 0 : i32
      %dma_wait3A_292 = tpu.memref_slice %arg5[%arg1, %add3A_271, %dma_wait3A_291] : memref<16x160x64xi32, #tpu.memory_space<hbm>> -> memref<1x1x64xi32, #tpu.memory_space<hbm>>
      %dma_wait3A_293 = tpu.memref_squeeze %dma_wait3A_292 : memref<1x1x64xi32, #tpu.memory_space<hbm>> -> memref<64xi32, #tpu.memory_space<hbm>>
      tpu.wait_dma2 semaphore(%arg32 : memref<!tpu.dma_semaphore, #tpu.memory_space<semaphore_mem>>) src(%dma_wait3A_293 : memref<64xi32, #tpu.memory_space<hbm>>) dst(%arg15 : memref<64xi32, #tpu.memory_space<vmem>>)
      "tpu.region"() ({
        %run_scoped3A = tpu.sem_alloc : memref<!tpu.dma_semaphore, #tpu.memory_space<semaphore_mem>>
        %dma_start3A_362 = arith.constant 0 : i32
        %dma_start3A_363 = arith.constant 0 : i32
        %dma_start3A_364 = tpu.memref_slice %arg21[%dma_start3A_362, %dma_start3A_363] : memref<10240x128xf32, #tpu.memory_space<vmem_shared>> -> memref<10240x128xf32, #tpu.memory_space<vmem_shared>>
        tpu.enqueue_indirect_dma source(%arg19 : memref<64x128xf32, #tpu.memory_space<vmem>>) target(%dma_start3A_364 : memref<10240x128xf32, #tpu.memory_space<vmem_shared>>) offsets(%arg15 : memref<64xi32, #tpu.memory_space<vmem>>) semaphore(%run_scoped3A : memref<!tpu.dma_semaphore, #tpu.memory_space<semaphore_mem>>) {add = true}
        %dma_wait3A_365 = arith.constant 0 : i32
        %dma_wait3A_366 = arith.constant 0 : i32
        %dma_wait3A_367 = tpu.memref_slice %arg21[%dma_wait3A_365, %dma_wait3A_366] : memref<10240x128xf32, #tpu.memory_space<vmem_shared>> -> memref<10240x128xf32, #tpu.memory_space<vmem_shared>>
        tpu.wait_indirect_dma semaphore(%run_scoped3A : memref<!tpu.dma_semaphore, #tpu.memory_space<semaphore_mem>>) src(%arg19 : memref<64x128xf32, #tpu.memory_space<vmem>>) dst(%dma_wait3A_367 : memref<10240x128xf32, #tpu.memory_space<vmem_shared>>)
        tpu.yield
      }) : () -> ()
      %dma_start3A_294 = arith.constant 0 : i32
      %dma_start3A_295 = tpu.memref_slice %arg5[%arg1, %select_n3A_281, %dma_start3A_294] : memref<16x160x64xi32, #tpu.memory_space<hbm>> -> memref<1x1x64xi32, #tpu.memory_space<hbm>>
      %dma_start3A_296 = tpu.memref_squeeze %dma_start3A_295 : memref<1x1x64xi32, #tpu.memory_space<hbm>> -> memref<64xi32, #tpu.memory_space<hbm>>
      %dma_start3A_297 = arith.constant 0 : i32
      %dma_start3A_298 = tpu.memref_slice %arg5[%arg1, %select_n3A_281, %dma_start3A_297] : memref<16x160x64xi32, #tpu.memory_space<hbm>> -> memref<1x1x64xi32, #tpu.memory_space<hbm>>
      %dma_start3A_299 = tpu.memref_squeeze %dma_start3A_298 : memref<1x1x64xi32, #tpu.memory_space<hbm>> -> memref<64xi32, #tpu.memory_space<hbm>>
      tpu.enqueue_dma source(%dma_start3A_299 : memref<64xi32, #tpu.memory_space<hbm>>) target(%arg15 : memref<64xi32, #tpu.memory_space<vmem>>) target_semaphore(%arg32 : memref<!tpu.dma_semaphore, #tpu.memory_space<semaphore_mem>>)
      %dma_wait3A_300 = arith.constant 0 : i32
      %dma_wait3A_301 = tpu.memref_slice %arg4[%arg1, %add3A_271, %dma_wait3A_300] : memref<16x160x64xi32, #tpu.memory_space<hbm>> -> memref<1x1x64xi32, #tpu.memory_space<hbm>>
      %dma_wait3A_302 = tpu.memref_squeeze %dma_wait3A_301 : memref<1x1x64xi32, #tpu.memory_space<hbm>> -> memref<64xi32, #tpu.memory_space<hbm>>
      %dma_wait3A_303 = arith.constant 0 : i32
      %dma_wait3A_304 = tpu.memref_slice %arg4[%arg1, %add3A_271, %dma_wait3A_303] : memref<16x160x64xi32, #tpu.memory_space<hbm>> -> memref<1x1x64xi32, #tpu.memory_space<hbm>>
      %dma_wait3A_305 = tpu.memref_squeeze %dma_wait3A_304 : memref<1x1x64xi32, #tpu.memory_space<hbm>> -> memref<64xi32, #tpu.memory_space<hbm>>
      tpu.wait_dma2 semaphore(%arg28 : memref<!tpu.dma_semaphore, #tpu.memory_space<semaphore_mem>>) src(%dma_wait3A_305 : memref<64xi32, #tpu.memory_space<hbm>>) dst(%arg11 : memref<64xi32, #tpu.memory_space<vmem>>)
      %eq3A_306 = arith.constant 0 : i32
      %eq3A_307 = arith.cmpi eq, %arg0, %eq3A_306 : i32
      %convert_element_type3A_308 = arith.extui %eq3A_307 : i1 to i32
      %cond3A_309 = arith.constant 0 : i32
      %cond3A_310 = arith.cmpi ne, %convert_element_type3A_308, %cond3A_309 : i32
      scf.if %cond3A_310 {
        %dma_start3A_362 = arith.constant 0 : i32
        %dma_start3A_363 = arith.constant 0 : i32
        %dma_start3A_364 = tpu.memref_slice %arg2[%dma_start3A_362, %dma_start3A_363] : memref<10240x128xf32, #tpu.memory_space<hbm>> -> memref<10240x128xf32, #tpu.memory_space<hbm>>
        tpu.enqueue_indirect_dma source(%dma_start3A_364 : memref<10240x128xf32, #tpu.memory_space<hbm>>) target(%arg19 : memref<64x128xf32, #tpu.memory_space<vmem>>) offsets(%arg11 : memref<64xi32, #tpu.memory_space<vmem>>) semaphore(%arg24 : memref<!tpu.dma_semaphore, #tpu.memory_space<semaphore_mem>>)
      } else {
      }
      %eq3A_311 = arith.constant 1 : i32
      %eq3A_312 = arith.cmpi eq, %arg0, %eq3A_311 : i32
      %convert_element_type3A_313 = arith.extui %eq3A_312 : i1 to i32
      %cond3A_314 = arith.constant 0 : i32
      %cond3A_315 = arith.cmpi ne, %convert_element_type3A_313, %cond3A_314 : i32
      scf.if %cond3A_315 {
        %dma_start3A_362 = arith.constant 0 : i32
        %dma_start3A_363 = arith.constant 0 : i32
        %dma_start3A_364 = tpu.memref_slice %arg3[%dma_start3A_362, %dma_start3A_363] : memref<10240x128xf32, #tpu.memory_space<hbm>> -> memref<10240x128xf32, #tpu.memory_space<hbm>>
        tpu.enqueue_indirect_dma source(%dma_start3A_364 : memref<10240x128xf32, #tpu.memory_space<hbm>>) target(%arg19 : memref<64x128xf32, #tpu.memory_space<vmem>>) offsets(%arg11 : memref<64xi32, #tpu.memory_space<vmem>>) semaphore(%arg24 : memref<!tpu.dma_semaphore, #tpu.memory_space<semaphore_mem>>)
      } else {
      }
      %add3A_316 = arith.constant 3 : i32
      %add3A_317 = arith.addi %add3A_180, %add3A_316 : i32
      %dma_wait3A_318 = arith.constant 0 : i32
      %dma_wait3A_319 = arith.constant 0 : i32
      %dma_wait3A_320 = tpu.memref_slice %arg2[%dma_wait3A_318, %dma_wait3A_319] : memref<10240x128xf32, #tpu.memory_space<hbm>> -> memref<10240x128xf32, #tpu.memory_space<hbm>>
      tpu.wait_indirect_dma semaphore(%arg25 : memref<!tpu.dma_semaphore, #tpu.memory_space<semaphore_mem>>) src(%dma_wait3A_320 : memref<10240x128xf32, #tpu.memory_space<hbm>>) dst(%arg20 : memref<64x128xf32, #tpu.memory_space<vmem>>)
      %add3A_321 = arith.constant 4 : i32
      %add3A_322 = arith.addi %add3A_317, %add3A_321 : i32
      %lt3A_323 = arith.constant 160 : i32
      %lt3A_324 = arith.cmpi slt, %add3A_322, %lt3A_323 : i32
      %sub3A_325 = arith.constant 160 : i32
      %sub3A_326 = arith.subi %add3A_322, %sub3A_325 : i32
      %select_n3A_327 = arith.select %lt3A_324, %add3A_322, %sub3A_326 : i32
      %dma_start3A_328 = arith.constant 0 : i32
      %dma_start3A_329 = tpu.memref_slice %arg4[%arg1, %select_n3A_327, %dma_start3A_328] : memref<16x160x64xi32, #tpu.memory_space<hbm>> -> memref<1x1x64xi32, #tpu.memory_space<hbm>>
      %dma_start3A_330 = tpu.memref_squeeze %dma_start3A_329 : memref<1x1x64xi32, #tpu.memory_space<hbm>> -> memref<64xi32, #tpu.memory_space<hbm>>
      %dma_start3A_331 = arith.constant 0 : i32
      %dma_start3A_332 = tpu.memref_slice %arg4[%arg1, %select_n3A_327, %dma_start3A_331] : memref<16x160x64xi32, #tpu.memory_space<hbm>> -> memref<1x1x64xi32, #tpu.memory_space<hbm>>
      %dma_start3A_333 = tpu.memref_squeeze %dma_start3A_332 : memref<1x1x64xi32, #tpu.memory_space<hbm>> -> memref<64xi32, #tpu.memory_space<hbm>>
      tpu.enqueue_dma source(%dma_start3A_333 : memref<64xi32, #tpu.memory_space<hbm>>) target(%arg12 : memref<64xi32, #tpu.memory_space<vmem>>) target_semaphore(%arg29 : memref<!tpu.dma_semaphore, #tpu.memory_space<semaphore_mem>>)
      %dma_wait3A_334 = arith.constant 0 : i32
      %dma_wait3A_335 = tpu.memref_slice %arg5[%arg1, %add3A_317, %dma_wait3A_334] : memref<16x160x64xi32, #tpu.memory_space<hbm>> -> memref<1x1x64xi32, #tpu.memory_space<hbm>>
      %dma_wait3A_336 = tpu.memref_squeeze %dma_wait3A_335 : memref<1x1x64xi32, #tpu.memory_space<hbm>> -> memref<64xi32, #tpu.memory_space<hbm>>
      %dma_wait3A_337 = arith.constant 0 : i32
      %dma_wait3A_338 = tpu.memref_slice %arg5[%arg1, %add3A_317, %dma_wait3A_337] : memref<16x160x64xi32, #tpu.memory_space<hbm>> -> memref<1x1x64xi32, #tpu.memory_space<hbm>>
      %dma_wait3A_339 = tpu.memref_squeeze %dma_wait3A_338 : memref<1x1x64xi32, #tpu.memory_space<hbm>> -> memref<64xi32, #tpu.memory_space<hbm>>
      tpu.wait_dma2 semaphore(%arg33 : memref<!tpu.dma_semaphore, #tpu.memory_space<semaphore_mem>>) src(%dma_wait3A_339 : memref<64xi32, #tpu.memory_space<hbm>>) dst(%arg16 : memref<64xi32, #tpu.memory_space<vmem>>)
      "tpu.region"() ({
        %run_scoped3A = tpu.sem_alloc : memref<!tpu.dma_semaphore, #tpu.memory_space<semaphore_mem>>
        %dma_start3A_362 = arith.constant 0 : i32
        %dma_start3A_363 = arith.constant 0 : i32
        %dma_start3A_364 = tpu.memref_slice %arg21[%dma_start3A_362, %dma_start3A_363] : memref<10240x128xf32, #tpu.memory_space<vmem_shared>> -> memref<10240x128xf32, #tpu.memory_space<vmem_shared>>
        tpu.enqueue_indirect_dma source(%arg20 : memref<64x128xf32, #tpu.memory_space<vmem>>) target(%dma_start3A_364 : memref<10240x128xf32, #tpu.memory_space<vmem_shared>>) offsets(%arg16 : memref<64xi32, #tpu.memory_space<vmem>>) semaphore(%run_scoped3A : memref<!tpu.dma_semaphore, #tpu.memory_space<semaphore_mem>>) {add = true}
        %dma_wait3A_365 = arith.constant 0 : i32
        %dma_wait3A_366 = arith.constant 0 : i32
        %dma_wait3A_367 = tpu.memref_slice %arg21[%dma_wait3A_365, %dma_wait3A_366] : memref<10240x128xf32, #tpu.memory_space<vmem_shared>> -> memref<10240x128xf32, #tpu.memory_space<vmem_shared>>
        tpu.wait_indirect_dma semaphore(%run_scoped3A : memref<!tpu.dma_semaphore, #tpu.memory_space<semaphore_mem>>) src(%arg20 : memref<64x128xf32, #tpu.memory_space<vmem>>) dst(%dma_wait3A_367 : memref<10240x128xf32, #tpu.memory_space<vmem_shared>>)
        tpu.yield
      }) : () -> ()
      %dma_start3A_340 = arith.constant 0 : i32
      %dma_start3A_341 = tpu.memref_slice %arg5[%arg1, %select_n3A_327, %dma_start3A_340] : memref<16x160x64xi32, #tpu.memory_space<hbm>> -> memref<1x1x64xi32, #tpu.memory_space<hbm>>
      %dma_start3A_342 = tpu.memref_squeeze %dma_start3A_341 : memref<1x1x64xi32, #tpu.memory_space<hbm>> -> memref<64xi32, #tpu.memory_space<hbm>>
      %dma_start3A_343 = arith.constant 0 : i32
      %dma_start3A_344 = tpu.memref_slice %arg5[%arg1, %select_n3A_327, %dma_start3A_343] : memref<16x160x64xi32, #tpu.memory_space<hbm>> -> memref<1x1x64xi32, #tpu.memory_space<hbm>>
      %dma_start3A_345 = tpu.memref_squeeze %dma_start3A_344 : memref<1x1x64xi32, #tpu.memory_space<hbm>> -> memref<64xi32, #tpu.memory_space<hbm>>
      tpu.enqueue_dma source(%dma_start3A_345 : memref<64xi32, #tpu.memory_space<hbm>>) target(%arg16 : memref<64xi32, #tpu.memory_space<vmem>>) target_semaphore(%arg33 : memref<!tpu.dma_semaphore, #tpu.memory_space<semaphore_mem>>)
      %dma_wait3A_346 = arith.constant 0 : i32
      %dma_wait3A_347 = tpu.memref_slice %arg4[%arg1, %add3A_317, %dma_wait3A_346] : memref<16x160x64xi32, #tpu.memory_space<hbm>> -> memref<1x1x64xi32, #tpu.memory_space<hbm>>
      %dma_wait3A_348 = tpu.memref_squeeze %dma_wait3A_347 : memref<1x1x64xi32, #tpu.memory_space<hbm>> -> memref<64xi32, #tpu.memory_space<hbm>>
      %dma_wait3A_349 = arith.constant 0 : i32
      %dma_wait3A_350 = tpu.memref_slice %arg4[%arg1, %add3A_317, %dma_wait3A_349] : memref<16x160x64xi32, #tpu.memory_space<hbm>> -> memref<1x1x64xi32, #tpu.memory_space<hbm>>
      %dma_wait3A_351 = tpu.memref_squeeze %dma_wait3A_350 : memref<1x1x64xi32, #tpu.memory_space<hbm>> -> memref<64xi32, #tpu.memory_space<hbm>>
      tpu.wait_dma2 semaphore(%arg29 : memref<!tpu.dma_semaphore, #tpu.memory_space<semaphore_mem>>) src(%dma_wait3A_351 : memref<64xi32, #tpu.memory_space<hbm>>) dst(%arg12 : memref<64xi32, #tpu.memory_space<vmem>>)
      %eq3A_352 = arith.constant 0 : i32
      %eq3A_353 = arith.cmpi eq, %arg0, %eq3A_352 : i32
      %convert_element_type3A_354 = arith.extui %eq3A_353 : i1 to i32
      %cond3A_355 = arith.constant 0 : i32
      %cond3A_356 = arith.cmpi ne, %convert_element_type3A_354, %cond3A_355 : i32
      scf.if %cond3A_356 {
        %dma_start3A_362 = arith.constant 0 : i32
        %dma_start3A_363 = arith.constant 0 : i32
        %dma_start3A_364 = tpu.memref_slice %arg2[%dma_start3A_362, %dma_start3A_363] : memref<10240x128xf32, #tpu.memory_space<hbm>> -> memref<10240x128xf32, #tpu.memory_space<hbm>>
        tpu.enqueue_indirect_dma source(%dma_start3A_364 : memref<10240x128xf32, #tpu.memory_space<hbm>>) target(%arg20 : memref<64x128xf32, #tpu.memory_space<vmem>>) offsets(%arg12 : memref<64xi32, #tpu.memory_space<vmem>>) semaphore(%arg25 : memref<!tpu.dma_semaphore, #tpu.memory_space<semaphore_mem>>)
      } else {
      }
      %eq3A_357 = arith.constant 1 : i32
      %eq3A_358 = arith.cmpi eq, %arg0, %eq3A_357 : i32
      %convert_element_type3A_359 = arith.extui %eq3A_358 : i1 to i32
      %cond3A_360 = arith.constant 0 : i32
      %cond3A_361 = arith.cmpi ne, %convert_element_type3A_359, %cond3A_360 : i32
      scf.if %cond3A_361 {
        %dma_start3A_362 = arith.constant 0 : i32
        %dma_start3A_363 = arith.constant 0 : i32
        %dma_start3A_364 = tpu.memref_slice %arg3[%dma_start3A_362, %dma_start3A_363] : memref<10240x128xf32, #tpu.memory_space<hbm>> -> memref<10240x128xf32, #tpu.memory_space<hbm>>
        tpu.enqueue_indirect_dma source(%dma_start3A_364 : memref<10240x128xf32, #tpu.memory_space<hbm>>) target(%arg20 : memref<64x128xf32, #tpu.memory_space<vmem>>) offsets(%arg12 : memref<64xi32, #tpu.memory_space<vmem>>) semaphore(%arg25 : memref<!tpu.dma_semaphore, #tpu.memory_space<semaphore_mem>>)
      } else {
      }
    }
    %scan3A_125 = arith.constant 40 : i32
    %dma_wait3A_126 = arith.constant 0 : i32
    %dma_wait3A_127 = arith.constant 0 : i32
    %dma_wait3A_128 = tpu.memref_slice %arg2[%dma_wait3A_126, %dma_wait3A_127] : memref<10240x128xf32, #tpu.memory_space<hbm>> -> memref<10240x128xf32, #tpu.memory_space<hbm>>
    tpu.wait_indirect_dma semaphore(%arg22 : memref<!tpu.dma_semaphore, #tpu.memory_space<semaphore_mem>>) src(%dma_wait3A_128 : memref<10240x128xf32, #tpu.memory_space<hbm>>) dst(%arg17 : memref<64x128xf32, #tpu.memory_space<vmem>>)
    %dma_wait3A_129 = arith.constant 0 : i32
    %dma_wait3A_130 = arith.constant 0 : i32
    %dma_wait3A_131 = tpu.memref_slice %arg5[%arg1, %dma_wait3A_129, %dma_wait3A_130] : memref<16x160x64xi32, #tpu.memory_space<hbm>> -> memref<1x1x64xi32, #tpu.memory_space<hbm>>
    %dma_wait3A_132 = tpu.memref_squeeze %dma_wait3A_131 : memref<1x1x64xi32, #tpu.memory_space<hbm>> -> memref<64xi32, #tpu.memory_space<hbm>>
    %dma_wait3A_133 = arith.constant 0 : i32
    %dma_wait3A_134 = tpu.memref_slice %arg5[%arg1, %dma_wait3A_129, %dma_wait3A_133] : memref<16x160x64xi32, #tpu.memory_space<hbm>> -> memref<1x1x64xi32, #tpu.memory_space<hbm>>
    %dma_wait3A_135 = tpu.memref_squeeze %dma_wait3A_134 : memref<1x1x64xi32, #tpu.memory_space<hbm>> -> memref<64xi32, #tpu.memory_space<hbm>>
    tpu.wait_dma2 semaphore(%arg30 : memref<!tpu.dma_semaphore, #tpu.memory_space<semaphore_mem>>) src(%dma_wait3A_135 : memref<64xi32, #tpu.memory_space<hbm>>) dst(%arg13 : memref<64xi32, #tpu.memory_space<vmem>>)
    %dma_wait3A_136 = arith.constant 0 : i32
    %dma_wait3A_137 = arith.constant 0 : i32
    %dma_wait3A_138 = tpu.memref_slice %arg2[%dma_wait3A_136, %dma_wait3A_137] : memref<10240x128xf32, #tpu.memory_space<hbm>> -> memref<10240x128xf32, #tpu.memory_space<hbm>>
    tpu.wait_indirect_dma semaphore(%arg23 : memref<!tpu.dma_semaphore, #tpu.memory_space<semaphore_mem>>) src(%dma_wait3A_138 : memref<10240x128xf32, #tpu.memory_space<hbm>>) dst(%arg18 : memref<64x128xf32, #tpu.memory_space<vmem>>)
    %dma_wait3A_139 = arith.constant 0 : i32
    %dma_wait3A_140 = arith.constant 0 : i32
    %dma_wait3A_141 = tpu.memref_slice %arg5[%arg1, %dma_wait3A_139, %dma_wait3A_140] : memref<16x160x64xi32, #tpu.memory_space<hbm>> -> memref<1x1x64xi32, #tpu.memory_space<hbm>>
    %dma_wait3A_142 = tpu.memref_squeeze %dma_wait3A_141 : memref<1x1x64xi32, #tpu.memory_space<hbm>> -> memref<64xi32, #tpu.memory_space<hbm>>
    %dma_wait3A_143 = arith.constant 0 : i32
    %dma_wait3A_144 = tpu.memref_slice %arg5[%arg1, %dma_wait3A_139, %dma_wait3A_143] : memref<16x160x64xi32, #tpu.memory_space<hbm>> -> memref<1x1x64xi32, #tpu.memory_space<hbm>>
    %dma_wait3A_145 = tpu.memref_squeeze %dma_wait3A_144 : memref<1x1x64xi32, #tpu.memory_space<hbm>> -> memref<64xi32, #tpu.memory_space<hbm>>
    tpu.wait_dma2 semaphore(%arg31 : memref<!tpu.dma_semaphore, #tpu.memory_space<semaphore_mem>>) src(%dma_wait3A_145 : memref<64xi32, #tpu.memory_space<hbm>>) dst(%arg14 : memref<64xi32, #tpu.memory_space<vmem>>)
    %dma_wait3A_146 = arith.constant 0 : i32
    %dma_wait3A_147 = arith.constant 0 : i32
    %dma_wait3A_148 = tpu.memref_slice %arg2[%dma_wait3A_146, %dma_wait3A_147] : memref<10240x128xf32, #tpu.memory_space<hbm>> -> memref<10240x128xf32, #tpu.memory_space<hbm>>
    tpu.wait_indirect_dma semaphore(%arg24 : memref<!tpu.dma_semaphore, #tpu.memory_space<semaphore_mem>>) src(%dma_wait3A_148 : memref<10240x128xf32, #tpu.memory_space<hbm>>) dst(%arg19 : memref<64x128xf32, #tpu.memory_space<vmem>>)
    %dma_wait3A_149 = arith.constant 0 : i32
    %dma_wait3A_150 = arith.constant 0 : i32
    %dma_wait3A_151 = tpu.memref_slice %arg5[%arg1, %dma_wait3A_149, %dma_wait3A_150] : memref<16x160x64xi32, #tpu.memory_space<hbm>> -> memref<1x1x64xi32, #tpu.memory_space<hbm>>
    %dma_wait3A_152 = tpu.memref_squeeze %dma_wait3A_151 : memref<1x1x64xi32, #tpu.memory_space<hbm>> -> memref<64xi32, #tpu.memory_space<hbm>>
    %dma_wait3A_153 = arith.constant 0 : i32
    %dma_wait3A_154 = tpu.memref_slice %arg5[%arg1, %dma_wait3A_149, %dma_wait3A_153] : memref<16x160x64xi32, #tpu.memory_space<hbm>> -> memref<1x1x64xi32, #tpu.memory_space<hbm>>
    %dma_wait3A_155 = tpu.memref_squeeze %dma_wait3A_154 : memref<1x1x64xi32, #tpu.memory_space<hbm>> -> memref<64xi32, #tpu.memory_space<hbm>>
    tpu.wait_dma2 semaphore(%arg32 : memref<!tpu.dma_semaphore, #tpu.memory_space<semaphore_mem>>) src(%dma_wait3A_155 : memref<64xi32, #tpu.memory_space<hbm>>) dst(%arg15 : memref<64xi32, #tpu.memory_space<vmem>>)
    %dma_wait3A_156 = arith.constant 0 : i32
    %dma_wait3A_157 = arith.constant 0 : i32
    %dma_wait3A_158 = tpu.memref_slice %arg2[%dma_wait3A_156, %dma_wait3A_157] : memref<10240x128xf32, #tpu.memory_space<hbm>> -> memref<10240x128xf32, #tpu.memory_space<hbm>>
    tpu.wait_indirect_dma semaphore(%arg25 : memref<!tpu.dma_semaphore, #tpu.memory_space<semaphore_mem>>) src(%dma_wait3A_158 : memref<10240x128xf32, #tpu.memory_space<hbm>>) dst(%arg20 : memref<64x128xf32, #tpu.memory_space<vmem>>)
    %dma_wait3A_159 = arith.constant 0 : i32
    %dma_wait3A_160 = arith.constant 0 : i32
    %dma_wait3A_161 = tpu.memref_slice %arg5[%arg1, %dma_wait3A_159, %dma_wait3A_160] : memref<16x160x64xi32, #tpu.memory_space<hbm>> -> memref<1x1x64xi32, #tpu.memory_space<hbm>>
    %dma_wait3A_162 = tpu.memref_squeeze %dma_wait3A_161 : memref<1x1x64xi32, #tpu.memory_space<hbm>> -> memref<64xi32, #tpu.memory_space<hbm>>
    %dma_wait3A_163 = arith.constant 0 : i32
    %dma_wait3A_164 = tpu.memref_slice %arg5[%arg1, %dma_wait3A_159, %dma_wait3A_163] : memref<16x160x64xi32, #tpu.memory_space<hbm>> -> memref<1x1x64xi32, #tpu.memory_space<hbm>>
    %dma_wait3A_165 = tpu.memref_squeeze %dma_wait3A_164 : memref<1x1x64xi32, #tpu.memory_space<hbm>> -> memref<64xi32, #tpu.memory_space<hbm>>
    tpu.wait_dma2 semaphore(%arg33 : memref<!tpu.dma_semaphore, #tpu.memory_space<semaphore_mem>>) src(%dma_wait3A_165 : memref<64xi32, #tpu.memory_space<hbm>>) dst(%arg16 : memref<64xi32, #tpu.memory_space<vmem>>)
    %barrier3A_166 = arith.constant 0 : index
    tpu.barrier barrier_id(%barrier3A_166)
    %eq3A_167 = arith.constant 0 : i32
    %eq3A_168 = arith.cmpi eq, %arg0, %eq3A_167 : i32
    %convert_element_type3A_169 = arith.extui %eq3A_168 : i1 to i32
    %cond3A_170 = arith.constant 0 : i32
    %cond3A_171 = arith.cmpi ne, %convert_element_type3A_169, %cond3A_170 : i32
    scf.if %cond3A_171 {
      %mul3A_177 = arith.constant 640 : i32
      %mul3A_178 = arith.muli %arg1, %mul3A_177 : i32
      %mul3A_179 = arith.constant 640 : i32
      %mul3A_180 = arith.muli %arg1, %mul3A_179 : i32
      "tpu.region"() ({
        %run_scoped3A = tpu.sem_alloc : memref<!tpu.dma_semaphore, #tpu.memory_space<semaphore_mem>>
        %dma_start3A_181 = arith.constant 0 : i32
        %dma_start3A_182 = tpu.memref_slice %arg7[%mul3A_180, %dma_start3A_181] : memref<10240x128xf32, #tpu.memory_space<hbm>> -> memref<640x128xf32, #tpu.memory_space<hbm>>
        %dma_start3A_183 = arith.constant 0 : i32
        %dma_start3A_184 = tpu.memref_slice %arg21[%mul3A_178, %dma_start3A_183] : memref<10240x128xf32, #tpu.memory_space<vmem_shared>> -> memref<640x128xf32, #tpu.memory_space<vmem_shared>>
        tpu.enqueue_dma source(%dma_start3A_184 : memref<640x128xf32, #tpu.memory_space<vmem_shared>>) target(%dma_start3A_182 : memref<640x128xf32, #tpu.memory_space<hbm>>) target_semaphore(%run_scoped3A : memref<!tpu.dma_semaphore, #tpu.memory_space<semaphore_mem>>)
        %dma_wait3A_185 = arith.constant 0 : i32
        %dma_wait3A_186 = tpu.memref_slice %arg7[%mul3A_180, %dma_wait3A_185] : memref<10240x128xf32, #tpu.memory_space<hbm>> -> memref<640x128xf32, #tpu.memory_space<hbm>>
        %dma_wait3A_187 = arith.constant 0 : i32
        %dma_wait3A_188 = tpu.memref_slice %arg21[%mul3A_178, %dma_wait3A_187] : memref<10240x128xf32, #tpu.memory_space<vmem_shared>> -> memref<640x128xf32, #tpu.memory_space<vmem_shared>>
        tpu.wait_dma2 semaphore(%run_scoped3A : memref<!tpu.dma_semaphore, #tpu.memory_space<semaphore_mem>>) src(%dma_wait3A_188 : memref<640x128xf32, #tpu.memory_space<vmem_shared>>) dst(%dma_wait3A_186 : memref<640x128xf32, #tpu.memory_space<hbm>>)
        tpu.yield
      }) : () -> ()
    } else {
    }
    %eq3A_172 = arith.constant 1 : i32
    %eq3A_173 = arith.cmpi eq, %arg0, %eq3A_172 : i32
    %convert_element_type3A_174 = arith.extui %eq3A_173 : i1 to i32
    %cond3A_175 = arith.constant 0 : i32
    %cond3A_176 = arith.cmpi ne, %convert_element_type3A_174, %cond3A_175 : i32
    scf.if %cond3A_176 {
      %mul3A_177 = arith.constant 640 : i32
      %mul3A_178 = arith.muli %arg1, %mul3A_177 : i32
      %mul3A_179 = arith.constant 640 : i32
      %mul3A_180 = arith.muli %arg1, %mul3A_179 : i32
      "tpu.region"() ({
        %run_scoped3A = tpu.sem_alloc : memref<!tpu.dma_semaphore, #tpu.memory_space<semaphore_mem>>
        %dma_start3A_181 = arith.constant 0 : i32
        %dma_start3A_182 = tpu.memref_slice %arg8[%mul3A_180, %dma_start3A_181] : memref<10240x128xf32, #tpu.memory_space<hbm>> -> memref<640x128xf32, #tpu.memory_space<hbm>>
        %dma_start3A_183 = arith.constant 0 : i32
        %dma_start3A_184 = tpu.memref_slice %arg21[%mul3A_178, %dma_start3A_183] : memref<10240x128xf32, #tpu.memory_space<vmem_shared>> -> memref<640x128xf32, #tpu.memory_space<vmem_shared>>
        tpu.enqueue_dma source(%dma_start3A_184 : memref<640x128xf32, #tpu.memory_space<vmem_shared>>) target(%dma_start3A_182 : memref<640x128xf32, #tpu.memory_space<hbm>>) target_semaphore(%run_scoped3A : memref<!tpu.dma_semaphore, #tpu.memory_space<semaphore_mem>>)
        %dma_wait3A_185 = arith.constant 0 : i32
        %dma_wait3A_186 = tpu.memref_slice %arg8[%mul3A_180, %dma_wait3A_185] : memref<10240x128xf32, #tpu.memory_space<hbm>> -> memref<640x128xf32, #tpu.memory_space<hbm>>
        %dma_wait3A_187 = arith.constant 0 : i32
        %dma_wait3A_188 = tpu.memref_slice %arg21[%mul3A_178, %dma_wait3A_187] : memref<10240x128xf32, #tpu.memory_space<vmem_shared>> -> memref<640x128xf32, #tpu.memory_space<vmem_shared>>
        tpu.wait_dma2 semaphore(%run_scoped3A : memref<!tpu.dma_semaphore, #tpu.memory_space<semaphore_mem>>) src(%dma_wait3A_188 : memref<640x128xf32, #tpu.memory_space<vmem_shared>>) dst(%dma_wait3A_186 : memref<640x128xf32, #tpu.memory_space<hbm>>)
        tpu.yield
      }) : () -> ()
    } else {
    }
    return
  }
}

#map = affine_map<(d0, d1) -> (0, 0, 0)>
#map1 = affine_map<(d0, d1) -> (0)>
#map2 = affine_map<(d0, d1) -> (0, 0)>
module attributes {stable_mosaic.version = 14 : i64} {
  func.func @_deg_kernel(%arg0: i32, %arg1: i32, %arg2: memref<32x40x128xi32, #tpu.memory_space<hbm>>, %arg3: memref<10240xf32, #tpu.memory_space<hbm>>, %arg4: memref<2x10240xf32, #tpu.memory_space<hbm>>, %arg5: memref<40x128xi32, #tpu.memory_space<vmem>>, %arg6: memref<128xf32, #tpu.memory_space<vmem>>, %arg7: memref<10240xf32, #tpu.memory_space<vmem_shared>>) attributes {dimension_semantics = [#tpu.dimension_semantics<core_parallel>, #tpu.dimension_semantics<subcore_parallel>], iteration_bounds = array<i64: 2, 16>, scalar_prefetch = 0 : i64, scratch_operands = 3 : i64, tpu.core_type = #tpu.core_type<sc_vector_subcore>, window_params = [{transform_indices = #map}, {transform_indices = #map1}, {transform_indices = #map2}]} {
    %mul3A = arith.constant 16 : i32
    %mul3A_0 = arith.muli %arg0, %mul3A : i32
    %add3A = arith.addi %mul3A_0, %arg1 : i32
    "tpu.region"() ({
      %run_scoped3A = tpu.sem_alloc : memref<!tpu.dma_semaphore, #tpu.memory_space<semaphore_mem>>
      %dma_start3A = arith.constant 0 : i32
      %dma_start3A_58 = arith.constant 0 : i32
      %dma_start3A_59 = tpu.memref_slice %arg2[%add3A, %dma_start3A, %dma_start3A_58] : memref<32x40x128xi32, #tpu.memory_space<hbm>> -> memref<1x40x128xi32, #tpu.memory_space<hbm>>
      %dma_start3A_60 = tpu.memref_squeeze %dma_start3A_59 : memref<1x40x128xi32, #tpu.memory_space<hbm>> -> memref<40x128xi32, #tpu.memory_space<hbm>>
      %dma_start3A_61 = arith.constant 0 : i32
      %dma_start3A_62 = arith.constant 0 : i32
      %dma_start3A_63 = tpu.memref_slice %arg2[%add3A, %dma_start3A_61, %dma_start3A_62] : memref<32x40x128xi32, #tpu.memory_space<hbm>> -> memref<1x40x128xi32, #tpu.memory_space<hbm>>
      %dma_start3A_64 = tpu.memref_squeeze %dma_start3A_63 : memref<1x40x128xi32, #tpu.memory_space<hbm>> -> memref<40x128xi32, #tpu.memory_space<hbm>>
      tpu.enqueue_dma source(%dma_start3A_64 : memref<40x128xi32, #tpu.memory_space<hbm>>) target(%arg5 : memref<40x128xi32, #tpu.memory_space<vmem>>) target_semaphore(%run_scoped3A : memref<!tpu.dma_semaphore, #tpu.memory_space<semaphore_mem>>)
      %dma_wait3A = arith.constant 0 : i32
      %dma_wait3A_65 = arith.constant 0 : i32
      %dma_wait3A_66 = tpu.memref_slice %arg2[%add3A, %dma_wait3A, %dma_wait3A_65] : memref<32x40x128xi32, #tpu.memory_space<hbm>> -> memref<1x40x128xi32, #tpu.memory_space<hbm>>
      %dma_wait3A_67 = tpu.memref_squeeze %dma_wait3A_66 : memref<1x40x128xi32, #tpu.memory_space<hbm>> -> memref<40x128xi32, #tpu.memory_space<hbm>>
      %dma_wait3A_68 = arith.constant 0 : i32
      %dma_wait3A_69 = arith.constant 0 : i32
      %dma_wait3A_70 = tpu.memref_slice %arg2[%add3A, %dma_wait3A_68, %dma_wait3A_69] : memref<32x40x128xi32, #tpu.memory_space<hbm>> -> memref<1x40x128xi32, #tpu.memory_space<hbm>>
      %dma_wait3A_71 = tpu.memref_squeeze %dma_wait3A_70 : memref<1x40x128xi32, #tpu.memory_space<hbm>> -> memref<40x128xi32, #tpu.memory_space<hbm>>
      tpu.wait_dma2 semaphore(%run_scoped3A : memref<!tpu.dma_semaphore, #tpu.memory_space<semaphore_mem>>) src(%dma_wait3A_71 : memref<40x128xi32, #tpu.memory_space<hbm>>) dst(%arg5 : memref<40x128xi32, #tpu.memory_space<vmem>>)
      tpu.yield
    }) : () -> ()
    %broadcast_in_dim3A = arith.constant 1.000000e+00 : f32
    %broadcast_in_dim3A_1 = vector.broadcast %broadcast_in_dim3A : f32 to vector<16xf32>
    %swap3A = arith.constant 0 : index
    %swap3A_2 = tpu.vector_load %arg6[%swap3A] {strides = array<i32>} : memref<128xf32, #tpu.memory_space<vmem>>, vector<16xf32>,
    %swap3A_3 = vector.shape_cast %swap3A_2 : vector<16xf32> to vector<16xf32>
    %swap3A_4 = vector.shape_cast %broadcast_in_dim3A_1 : vector<16xf32> to vector<16xf32>
    tpu.vector_store %arg6[%swap3A], %swap3A_4 {strides = array<i32>} : memref<128xf32, #tpu.memory_space<vmem>>, vector<16xf32>,
    %broadcast_in_dim3A_5 = arith.constant 1.000000e+00 : f32
    %broadcast_in_dim3A_6 = vector.broadcast %broadcast_in_dim3A_5 : f32 to vector<16xf32>
    %swap3A_7 = arith.constant 16 : index
    %swap3A_8 = tpu.vector_load %arg6[%swap3A_7] {strides = array<i32>} : memref<128xf32, #tpu.memory_space<vmem>>, vector<16xf32>,
    %swap3A_9 = vector.shape_cast %swap3A_8 : vector<16xf32> to vector<16xf32>
    %swap3A_10 = vector.shape_cast %broadcast_in_dim3A_6 : vector<16xf32> to vector<16xf32>
    tpu.vector_store %arg6[%swap3A_7], %swap3A_10 {strides = array<i32>} : memref<128xf32, #tpu.memory_space<vmem>>, vector<16xf32>,
    %broadcast_in_dim3A_11 = arith.constant 1.000000e+00 : f32
    %broadcast_in_dim3A_12 = vector.broadcast %broadcast_in_dim3A_11 : f32 to vector<16xf32>
    %swap3A_13 = arith.constant 32 : index
    %swap3A_14 = tpu.vector_load %arg6[%swap3A_13] {strides = array<i32>} : memref<128xf32, #tpu.memory_space<vmem>>, vector<16xf32>,
    %swap3A_15 = vector.shape_cast %swap3A_14 : vector<16xf32> to vector<16xf32>
    %swap3A_16 = vector.shape_cast %broadcast_in_dim3A_12 : vector<16xf32> to vector<16xf32>
    tpu.vector_store %arg6[%swap3A_13], %swap3A_16 {strides = array<i32>} : memref<128xf32, #tpu.memory_space<vmem>>, vector<16xf32>,
    %broadcast_in_dim3A_17 = arith.constant 1.000000e+00 : f32
    %broadcast_in_dim3A_18 = vector.broadcast %broadcast_in_dim3A_17 : f32 to vector<16xf32>
    %swap3A_19 = arith.constant 48 : index
    %swap3A_20 = tpu.vector_load %arg6[%swap3A_19] {strides = array<i32>} : memref<128xf32, #tpu.memory_space<vmem>>, vector<16xf32>,
    %swap3A_21 = vector.shape_cast %swap3A_20 : vector<16xf32> to vector<16xf32>
    %swap3A_22 = vector.shape_cast %broadcast_in_dim3A_18 : vector<16xf32> to vector<16xf32>
    tpu.vector_store %arg6[%swap3A_19], %swap3A_22 {strides = array<i32>} : memref<128xf32, #tpu.memory_space<vmem>>, vector<16xf32>,
    %broadcast_in_dim3A_23 = arith.constant 1.000000e+00 : f32
    %broadcast_in_dim3A_24 = vector.broadcast %broadcast_in_dim3A_23 : f32 to vector<16xf32>
    %swap3A_25 = arith.constant 64 : index
    %swap3A_26 = tpu.vector_load %arg6[%swap3A_25] {strides = array<i32>} : memref<128xf32, #tpu.memory_space<vmem>>, vector<16xf32>,
    %swap3A_27 = vector.shape_cast %swap3A_26 : vector<16xf32> to vector<16xf32>
    %swap3A_28 = vector.shape_cast %broadcast_in_dim3A_24 : vector<16xf32> to vector<16xf32>
    tpu.vector_store %arg6[%swap3A_25], %swap3A_28 {strides = array<i32>} : memref<128xf32, #tpu.memory_space<vmem>>, vector<16xf32>,
    %broadcast_in_dim3A_29 = arith.constant 1.000000e+00 : f32
    %broadcast_in_dim3A_30 = vector.broadcast %broadcast_in_dim3A_29 : f32 to vector<16xf32>
    %swap3A_31 = arith.constant 80 : index
    %swap3A_32 = tpu.vector_load %arg6[%swap3A_31] {strides = array<i32>} : memref<128xf32, #tpu.memory_space<vmem>>, vector<16xf32>,
    %swap3A_33 = vector.shape_cast %swap3A_32 : vector<16xf32> to vector<16xf32>
    %swap3A_34 = vector.shape_cast %broadcast_in_dim3A_30 : vector<16xf32> to vector<16xf32>
    tpu.vector_store %arg6[%swap3A_31], %swap3A_34 {strides = array<i32>} : memref<128xf32, #tpu.memory_space<vmem>>, vector<16xf32>,
    %broadcast_in_dim3A_35 = arith.constant 1.000000e+00 : f32
    %broadcast_in_dim3A_36 = vector.broadcast %broadcast_in_dim3A_35 : f32 to vector<16xf32>
    %swap3A_37 = arith.constant 96 : index
    %swap3A_38 = tpu.vector_load %arg6[%swap3A_37] {strides = array<i32>} : memref<128xf32, #tpu.memory_space<vmem>>, vector<16xf32>,
    %swap3A_39 = vector.shape_cast %swap3A_38 : vector<16xf32> to vector<16xf32>
    %swap3A_40 = vector.shape_cast %broadcast_in_dim3A_36 : vector<16xf32> to vector<16xf32>
    tpu.vector_store %arg6[%swap3A_37], %swap3A_40 {strides = array<i32>} : memref<128xf32, #tpu.memory_space<vmem>>, vector<16xf32>,
    %broadcast_in_dim3A_41 = arith.constant 1.000000e+00 : f32
    %broadcast_in_dim3A_42 = vector.broadcast %broadcast_in_dim3A_41 : f32 to vector<16xf32>
    %swap3A_43 = arith.constant 112 : index
    %swap3A_44 = tpu.vector_load %arg6[%swap3A_43] {strides = array<i32>} : memref<128xf32, #tpu.memory_space<vmem>>, vector<16xf32>,
    %swap3A_45 = vector.shape_cast %swap3A_44 : vector<16xf32> to vector<16xf32>
    %swap3A_46 = vector.shape_cast %broadcast_in_dim3A_42 : vector<16xf32> to vector<16xf32>
    tpu.vector_store %arg6[%swap3A_43], %swap3A_46 {strides = array<i32>} : memref<128xf32, #tpu.memory_space<vmem>>, vector<16xf32>,
    %mul3A_47 = arith.constant 640 : i32
    %mul3A_48 = arith.muli %arg1, %mul3A_47 : i32
    %mul3A_49 = arith.constant 640 : i32
    %mul3A_50 = arith.muli %arg1, %mul3A_49 : i32
    "tpu.region"() ({
      %run_scoped3A = tpu.sem_alloc : memref<!tpu.dma_semaphore, #tpu.memory_space<semaphore_mem>>
      %dma_start3A = tpu.memref_slice %arg7[%mul3A_50] : memref<10240xf32, #tpu.memory_space<vmem_shared>> -> memref<640xf32, #tpu.memory_space<vmem_shared>>
      %dma_start3A_58 = tpu.memref_slice %arg3[%mul3A_48] : memref<10240xf32, #tpu.memory_space<hbm>> -> memref<640xf32, #tpu.memory_space<hbm>>
      tpu.enqueue_dma source(%dma_start3A_58 : memref<640xf32, #tpu.memory_space<hbm>>) target(%dma_start3A : memref<640xf32, #tpu.memory_space<vmem_shared>>) target_semaphore(%run_scoped3A : memref<!tpu.dma_semaphore, #tpu.memory_space<semaphore_mem>>)
      %dma_wait3A = tpu.memref_slice %arg7[%mul3A_50] : memref<10240xf32, #tpu.memory_space<vmem_shared>> -> memref<640xf32, #tpu.memory_space<vmem_shared>>
      %dma_wait3A_59 = tpu.memref_slice %arg3[%mul3A_48] : memref<10240xf32, #tpu.memory_space<hbm>> -> memref<640xf32, #tpu.memory_space<hbm>>
      tpu.wait_dma2 semaphore(%run_scoped3A : memref<!tpu.dma_semaphore, #tpu.memory_space<semaphore_mem>>) src(%dma_wait3A_59 : memref<640xf32, #tpu.memory_space<hbm>>) dst(%dma_wait3A : memref<640xf32, #tpu.memory_space<vmem_shared>>)
      tpu.yield
    }) : () -> ()
    %barrier3A = arith.constant 0 : index
    tpu.barrier barrier_id(%barrier3A)
    %scan3A = arith.constant 0 : i32
    %scan3A_51 = arith.constant 40 : i32
    %scan3A_52 = arith.addi %scan3A, %scan3A_51 : i32
    %scan3A_53 = arith.constant 1 : i32
    scf.for %scan3A_58 = %scan3A to %scan3A_52 step %scan3A_53  : i32 {
      %mul3A_59 = arith.constant 1 : i32
      %mul3A_60 = arith.muli %scan3A_58, %mul3A_59 : i32
      %add3A_61 = arith.constant 0 : i32
      %add3A_62 = arith.addi %add3A_61, %mul3A_60 : i32
      "tpu.region"() ({
        %run_scoped3A = tpu.sem_alloc : memref<!tpu.dma_semaphore, #tpu.memory_space<semaphore_mem>>
        %dma_start3A = arith.constant 0 : i32
        %dma_start3A_63 = tpu.memref_slice %arg5[%add3A_62, %dma_start3A] : memref<40x128xi32, #tpu.memory_space<vmem>> -> memref<1x128xi32, #tpu.memory_space<vmem>>
        %dma_start3A_64 = tpu.memref_squeeze %dma_start3A_63 : memref<1x128xi32, #tpu.memory_space<vmem>> -> memref<128xi32, #tpu.memory_space<vmem>>
        %dma_start3A_65 = arith.constant 0 : i32
        %dma_start3A_66 = tpu.memref_slice %arg7[%dma_start3A_65] : memref<10240xf32, #tpu.memory_space<vmem_shared>> -> memref<10240xf32, #tpu.memory_space<vmem_shared>>
        tpu.enqueue_indirect_dma source(%arg6 : memref<128xf32, #tpu.memory_space<vmem>>) target(%dma_start3A_66 : memref<10240xf32, #tpu.memory_space<vmem_shared>>) offsets(%dma_start3A_64 : memref<128xi32, #tpu.memory_space<vmem>>) semaphore(%run_scoped3A : memref<!tpu.dma_semaphore, #tpu.memory_space<semaphore_mem>>) {add = true}
        %dma_wait3A = arith.constant 0 : i32
        %dma_wait3A_67 = tpu.memref_slice %arg5[%add3A_62, %dma_wait3A] : memref<40x128xi32, #tpu.memory_space<vmem>> -> memref<1x128xi32, #tpu.memory_space<vmem>>
        %dma_wait3A_68 = tpu.memref_squeeze %dma_wait3A_67 : memref<1x128xi32, #tpu.memory_space<vmem>> -> memref<128xi32, #tpu.memory_space<vmem>>
        %dma_wait3A_69 = arith.constant 0 : i32
        %dma_wait3A_70 = tpu.memref_slice %arg7[%dma_wait3A_69] : memref<10240xf32, #tpu.memory_space<vmem_shared>> -> memref<10240xf32, #tpu.memory_space<vmem_shared>>
        tpu.wait_indirect_dma semaphore(%run_scoped3A : memref<!tpu.dma_semaphore, #tpu.memory_space<semaphore_mem>>) src(%arg6 : memref<128xf32, #tpu.memory_space<vmem>>) dst(%dma_wait3A_70 : memref<10240xf32, #tpu.memory_space<vmem_shared>>)
        tpu.yield
      }) : () -> ()
    }
    %scan3A_54 = arith.constant 40 : i32
    %barrier3A_55 = arith.constant 0 : index
    tpu.barrier barrier_id(%barrier3A_55)
    %eq3A = arith.constant 0 : i32
    %eq3A_56 = arith.cmpi eq, %arg1, %eq3A : i32
    %convert_element_type3A = arith.extui %eq3A_56 : i1 to i32
    %cond3A = arith.constant 0 : i32
    %cond3A_57 = arith.cmpi ne, %convert_element_type3A, %cond3A : i32
    scf.if %cond3A_57 {
      "tpu.region"() ({
        %run_scoped3A = tpu.sem_alloc : memref<!tpu.dma_semaphore, #tpu.memory_space<semaphore_mem>>
        %dma_start3A = arith.constant 0 : i32
        %dma_start3A_58 = tpu.memref_slice %arg4[%arg0, %dma_start3A] : memref<2x10240xf32, #tpu.memory_space<hbm>> -> memref<1x10240xf32, #tpu.memory_space<hbm>>
        %dma_start3A_59 = tpu.memref_squeeze %dma_start3A_58 : memref<1x10240xf32, #tpu.memory_space<hbm>> -> memref<10240xf32, #tpu.memory_space<hbm>>
        tpu.enqueue_dma source(%arg7 : memref<10240xf32, #tpu.memory_space<vmem_shared>>) target(%dma_start3A_59 : memref<10240xf32, #tpu.memory_space<hbm>>) target_semaphore(%run_scoped3A : memref<!tpu.dma_semaphore, #tpu.memory_space<semaphore_mem>>)
        %dma_wait3A = arith.constant 0 : i32
        %dma_wait3A_60 = tpu.memref_slice %arg4[%arg0, %dma_wait3A] : memref<2x10240xf32, #tpu.memory_space<hbm>> -> memref<1x10240xf32, #tpu.memory_space<hbm>>
        %dma_wait3A_61 = tpu.memref_squeeze %dma_wait3A_60 : memref<1x10240xf32, #tpu.memory_space<hbm>> -> memref<10240xf32, #tpu.memory_space<hbm>>
        tpu.wait_dma2 semaphore(%run_scoped3A : memref<!tpu.dma_semaphore, #tpu.memory_space<semaphore_mem>>) src(%arg7 : memref<10240xf32, #tpu.memory_space<vmem_shared>>) dst(%dma_wait3A_61 : memref<10240xf32, #tpu.memory_space<hbm>>)
        tpu.yield
      }) : () -> ()
    } else {
    }
    return
  }
}

#map = affine_map<(d0, d1) -> (0, 0)>
#map1 = affine_map<(d0, d1) -> (0, 0, 0)>
module attributes {stable_mosaic.version = 14 : i64} {
  func.func @_agg_kernel(%arg0: i32, %arg1: i32, %arg2: memref<10240x128xf32, #tpu.memory_space<hbm>>, %arg3: memref<10240x128xf32, #tpu.memory_space<hbm>>, %arg4: memref<16x160x64xi32, #tpu.memory_space<hbm>>, %arg5: memref<16x160x64xi32, #tpu.memory_space<hbm>>, %arg6: memref<10240x128xf32, #tpu.memory_space<hbm>>, %arg7: memref<10240x128xf32, #tpu.memory_space<hbm>>, %arg8: memref<10240x128xf32, #tpu.memory_space<hbm>>, %arg9: memref<64xi32, #tpu.memory_space<vmem>>, %arg10: memref<64xi32, #tpu.memory_space<vmem>>, %arg11: memref<64xi32, #tpu.memory_space<vmem>>, %arg12: memref<64xi32, #tpu.memory_space<vmem>>, %arg13: memref<64xi32, #tpu.memory_space<vmem>>, %arg14: memref<64xi32, #tpu.memory_space<vmem>>, %arg15: memref<64xi32, #tpu.memory_space<vmem>>, %arg16: memref<64xi32, #tpu.memory_space<vmem>>, %arg17: memref<64x128xf32, #tpu.memory_space<vmem>>, %arg18: memref<64x128xf32, #tpu.memory_space<vmem>>, %arg19: memref<64x128xf32, #tpu.memory_space<vmem>>, %arg20: memref<64x128xf32, #tpu.memory_space<vmem>>, %arg21: memref<10240x128xf32, #tpu.memory_space<vmem_shared>>, %arg22: memref<!tpu.dma_semaphore, #tpu.memory_space<semaphore_mem>>, %arg23: memref<!tpu.dma_semaphore, #tpu.memory_space<semaphore_mem>>, %arg24: memref<!tpu.dma_semaphore, #tpu.memory_space<semaphore_mem>>, %arg25: memref<!tpu.dma_semaphore, #tpu.memory_space<semaphore_mem>>, %arg26: memref<!tpu.dma_semaphore, #tpu.memory_space<semaphore_mem>>, %arg27: memref<!tpu.dma_semaphore, #tpu.memory_space<semaphore_mem>>, %arg28: memref<!tpu.dma_semaphore, #tpu.memory_space<semaphore_mem>>, %arg29: memref<!tpu.dma_semaphore, #tpu.memory_space<semaphore_mem>>, %arg30: memref<!tpu.dma_semaphore, #tpu.memory_space<semaphore_mem>>, %arg31: memref<!tpu.dma_semaphore, #tpu.memory_space<semaphore_mem>>, %arg32: memref<!tpu.dma_semaphore, #tpu.memory_space<semaphore_mem>>, %arg33: memref<!tpu.dma_semaphore, #tpu.memory_space<semaphore_mem>>) attributes {dimension_semantics = [#tpu.dimension_semantics<core_parallel>, #tpu.dimension_semantics<subcore_parallel>], iteration_bounds = array<i64: 2, 16>, scalar_prefetch = 0 : i64, scratch_operands = 25 : i64, tpu.core_type = #tpu.core_type<sc_vector_subcore>, window_params = [{transform_indices = #map}, {transform_indices = #map}, {transform_indices = #map1}, {transform_indices = #map1}, {transform_indices = #map}, {transform_indices = #map}, {transform_indices = #map}]} {
    %mul3A = arith.constant 640 : i32
    %mul3A_0 = arith.muli %arg1, %mul3A : i32
    %mul3A_1 = arith.constant 640 : i32
    %mul3A_2 = arith.muli %arg1, %mul3A_1 : i32
    "tpu.region"() ({
      %run_scoped3A = tpu.sem_alloc : memref<!tpu.dma_semaphore, #tpu.memory_space<semaphore_mem>>
      %dma_start3A_177 = arith.constant 0 : i32
      %dma_start3A_178 = tpu.memref_slice %arg21[%mul3A_2, %dma_start3A_177] : memref<10240x128xf32, #tpu.memory_space<vmem_shared>> -> memref<640x128xf32, #tpu.memory_space<vmem_shared>>
      %dma_start3A_179 = arith.constant 0 : i32
      %dma_start3A_180 = tpu.memref_slice %arg6[%mul3A_0, %dma_start3A_179] : memref<10240x128xf32, #tpu.memory_space<hbm>> -> memref<640x128xf32, #tpu.memory_space<hbm>>
      tpu.enqueue_dma source(%dma_start3A_180 : memref<640x128xf32, #tpu.memory_space<hbm>>) target(%dma_start3A_178 : memref<640x128xf32, #tpu.memory_space<vmem_shared>>) target_semaphore(%run_scoped3A : memref<!tpu.dma_semaphore, #tpu.memory_space<semaphore_mem>>)
      %dma_wait3A_181 = arith.constant 0 : i32
      %dma_wait3A_182 = tpu.memref_slice %arg21[%mul3A_2, %dma_wait3A_181] : memref<10240x128xf32, #tpu.memory_space<vmem_shared>> -> memref<640x128xf32, #tpu.memory_space<vmem_shared>>
      %dma_wait3A_183 = arith.constant 0 : i32
      %dma_wait3A_184 = tpu.memref_slice %arg6[%mul3A_0, %dma_wait3A_183] : memref<10240x128xf32, #tpu.memory_space<hbm>> -> memref<640x128xf32, #tpu.memory_space<hbm>>
      tpu.wait_dma2 semaphore(%run_scoped3A : memref<!tpu.dma_semaphore, #tpu.memory_space<semaphore_mem>>) src(%dma_wait3A_184 : memref<640x128xf32, #tpu.memory_space<hbm>>) dst(%dma_wait3A_182 : memref<640x128xf32, #tpu.memory_space<vmem_shared>>)
      tpu.yield
    }) : () -> ()
    %barrier3A = arith.constant 0 : index
    tpu.barrier barrier_id(%barrier3A)
    %dma_start3A = arith.constant 0 : i32
    %dma_start3A_3 = arith.constant 0 : i32
    %dma_start3A_4 = tpu.memref_slice %arg4[%arg1, %dma_start3A, %dma_start3A_3] : memref<16x160x64xi32, #tpu.memory_space<hbm>> -> memref<1x1x64xi32, #tpu.memory_space<hbm>>
    %dma_start3A_5 = tpu.memref_squeeze %dma_start3A_4 : memref<1x1x64xi32, #tpu.memory_space<hbm>> -> memref<64xi32, #tpu.memory_space<hbm>>
    %dma_start3A_6 = arith.constant 0 : i32
    %dma_start3A_7 = tpu.memref_slice %arg4[%arg1, %dma_start3A, %dma_start3A_6] : memref<16x160x64xi32, #tpu.memory_space<hbm>> -> memref<1x1x64xi32, #tpu.memory_space<hbm>>
    %dma_start3A_8 = tpu.memref_squeeze %dma_start3A_7 : memref<1x1x64xi32, #tpu.memory_space<hbm>> -> memref<64xi32, #tpu.memory_space<hbm>>
    tpu.enqueue_dma source(%dma_start3A_8 : memref<64xi32, #tpu.memory_space<hbm>>) target(%arg9 : memref<64xi32, #tpu.memory_space<vmem>>) target_semaphore(%arg26 : memref<!tpu.dma_semaphore, #tpu.memory_space<semaphore_mem>>)
    %dma_start3A_9 = arith.constant 0 : i32
    %dma_start3A_10 = arith.constant 0 : i32
    %dma_start3A_11 = tpu.memref_slice %arg5[%arg1, %dma_start3A_9, %dma_start3A_10] : memref<16x160x64xi32, #tpu.memory_space<hbm>> -> memref<1x1x64xi32, #tpu.memory_space<hbm>>
    %dma_start3A_12 = tpu.memref_squeeze %dma_start3A_11 : memref<1x1x64xi32, #tpu.memory_space<hbm>> -> memref<64xi32, #tpu.memory_space<hbm>>
    %dma_start3A_13 = arith.constant 0 : i32
    %dma_start3A_14 = tpu.memref_slice %arg5[%arg1, %dma_start3A_9, %dma_start3A_13] : memref<16x160x64xi32, #tpu.memory_space<hbm>> -> memref<1x1x64xi32, #tpu.memory_space<hbm>>
    %dma_start3A_15 = tpu.memref_squeeze %dma_start3A_14 : memref<1x1x64xi32, #tpu.memory_space<hbm>> -> memref<64xi32, #tpu.memory_space<hbm>>
    tpu.enqueue_dma source(%dma_start3A_15 : memref<64xi32, #tpu.memory_space<hbm>>) target(%arg13 : memref<64xi32, #tpu.memory_space<vmem>>) target_semaphore(%arg30 : memref<!tpu.dma_semaphore, #tpu.memory_space<semaphore_mem>>)
    %dma_start3A_16 = arith.constant 1 : i32
    %dma_start3A_17 = arith.constant 0 : i32
    %dma_start3A_18 = tpu.memref_slice %arg4[%arg1, %dma_start3A_16, %dma_start3A_17] : memref<16x160x64xi32, #tpu.memory_space<hbm>> -> memref<1x1x64xi32, #tpu.memory_space<hbm>>
    %dma_start3A_19 = tpu.memref_squeeze %dma_start3A_18 : memref<1x1x64xi32, #tpu.memory_space<hbm>> -> memref<64xi32, #tpu.memory_space<hbm>>
    %dma_start3A_20 = arith.constant 0 : i32
    %dma_start3A_21 = tpu.memref_slice %arg4[%arg1, %dma_start3A_16, %dma_start3A_20] : memref<16x160x64xi32, #tpu.memory_space<hbm>> -> memref<1x1x64xi32, #tpu.memory_space<hbm>>
    %dma_start3A_22 = tpu.memref_squeeze %dma_start3A_21 : memref<1x1x64xi32, #tpu.memory_space<hbm>> -> memref<64xi32, #tpu.memory_space<hbm>>
    tpu.enqueue_dma source(%dma_start3A_22 : memref<64xi32, #tpu.memory_space<hbm>>) target(%arg10 : memref<64xi32, #tpu.memory_space<vmem>>) target_semaphore(%arg27 : memref<!tpu.dma_semaphore, #tpu.memory_space<semaphore_mem>>)
    %dma_start3A_23 = arith.constant 1 : i32
    %dma_start3A_24 = arith.constant 0 : i32
    %dma_start3A_25 = tpu.memref_slice %arg5[%arg1, %dma_start3A_23, %dma_start3A_24] : memref<16x160x64xi32, #tpu.memory_space<hbm>> -> memref<1x1x64xi32, #tpu.memory_space<hbm>>
    %dma_start3A_26 = tpu.memref_squeeze %dma_start3A_25 : memref<1x1x64xi32, #tpu.memory_space<hbm>> -> memref<64xi32, #tpu.memory_space<hbm>>
    %dma_start3A_27 = arith.constant 0 : i32
    %dma_start3A_28 = tpu.memref_slice %arg5[%arg1, %dma_start3A_23, %dma_start3A_27] : memref<16x160x64xi32, #tpu.memory_space<hbm>> -> memref<1x1x64xi32, #tpu.memory_space<hbm>>
    %dma_start3A_29 = tpu.memref_squeeze %dma_start3A_28 : memref<1x1x64xi32, #tpu.memory_space<hbm>> -> memref<64xi32, #tpu.memory_space<hbm>>
    tpu.enqueue_dma source(%dma_start3A_29 : memref<64xi32, #tpu.memory_space<hbm>>) target(%arg14 : memref<64xi32, #tpu.memory_space<vmem>>) target_semaphore(%arg31 : memref<!tpu.dma_semaphore, #tpu.memory_space<semaphore_mem>>)
    %dma_start3A_30 = arith.constant 2 : i32
    %dma_start3A_31 = arith.constant 0 : i32
    %dma_start3A_32 = tpu.memref_slice %arg4[%arg1, %dma_start3A_30, %dma_start3A_31] : memref<16x160x64xi32, #tpu.memory_space<hbm>> -> memref<1x1x64xi32, #tpu.memory_space<hbm>>
    %dma_start3A_33 = tpu.memref_squeeze %dma_start3A_32 : memref<1x1x64xi32, #tpu.memory_space<hbm>> -> memref<64xi32, #tpu.memory_space<hbm>>
    %dma_start3A_34 = arith.constant 0 : i32
    %dma_start3A_35 = tpu.memref_slice %arg4[%arg1, %dma_start3A_30, %dma_start3A_34] : memref<16x160x64xi32, #tpu.memory_space<hbm>> -> memref<1x1x64xi32, #tpu.memory_space<hbm>>
    %dma_start3A_36 = tpu.memref_squeeze %dma_start3A_35 : memref<1x1x64xi32, #tpu.memory_space<hbm>> -> memref<64xi32, #tpu.memory_space<hbm>>
    tpu.enqueue_dma source(%dma_start3A_36 : memref<64xi32, #tpu.memory_space<hbm>>) target(%arg11 : memref<64xi32, #tpu.memory_space<vmem>>) target_semaphore(%arg28 : memref<!tpu.dma_semaphore, #tpu.memory_space<semaphore_mem>>)
    %dma_start3A_37 = arith.constant 2 : i32
    %dma_start3A_38 = arith.constant 0 : i32
    %dma_start3A_39 = tpu.memref_slice %arg5[%arg1, %dma_start3A_37, %dma_start3A_38] : memref<16x160x64xi32, #tpu.memory_space<hbm>> -> memref<1x1x64xi32, #tpu.memory_space<hbm>>
    %dma_start3A_40 = tpu.memref_squeeze %dma_start3A_39 : memref<1x1x64xi32, #tpu.memory_space<hbm>> -> memref<64xi32, #tpu.memory_space<hbm>>
    %dma_start3A_41 = arith.constant 0 : i32
    %dma_start3A_42 = tpu.memref_slice %arg5[%arg1, %dma_start3A_37, %dma_start3A_41] : memref<16x160x64xi32, #tpu.memory_space<hbm>> -> memref<1x1x64xi32, #tpu.memory_space<hbm>>
    %dma_start3A_43 = tpu.memref_squeeze %dma_start3A_42 : memref<1x1x64xi32, #tpu.memory_space<hbm>> -> memref<64xi32, #tpu.memory_space<hbm>>
    tpu.enqueue_dma source(%dma_start3A_43 : memref<64xi32, #tpu.memory_space<hbm>>) target(%arg15 : memref<64xi32, #tpu.memory_space<vmem>>) target_semaphore(%arg32 : memref<!tpu.dma_semaphore, #tpu.memory_space<semaphore_mem>>)
    %dma_start3A_44 = arith.constant 3 : i32
    %dma_start3A_45 = arith.constant 0 : i32
    %dma_start3A_46 = tpu.memref_slice %arg4[%arg1, %dma_start3A_44, %dma_start3A_45] : memref<16x160x64xi32, #tpu.memory_space<hbm>> -> memref<1x1x64xi32, #tpu.memory_space<hbm>>
    %dma_start3A_47 = tpu.memref_squeeze %dma_start3A_46 : memref<1x1x64xi32, #tpu.memory_space<hbm>> -> memref<64xi32, #tpu.memory_space<hbm>>
    %dma_start3A_48 = arith.constant 0 : i32
    %dma_start3A_49 = tpu.memref_slice %arg4[%arg1, %dma_start3A_44, %dma_start3A_48] : memref<16x160x64xi32, #tpu.memory_space<hbm>> -> memref<1x1x64xi32, #tpu.memory_space<hbm>>
    %dma_start3A_50 = tpu.memref_squeeze %dma_start3A_49 : memref<1x1x64xi32, #tpu.memory_space<hbm>> -> memref<64xi32, #tpu.memory_space<hbm>>
    tpu.enqueue_dma source(%dma_start3A_50 : memref<64xi32, #tpu.memory_space<hbm>>) target(%arg12 : memref<64xi32, #tpu.memory_space<vmem>>) target_semaphore(%arg29 : memref<!tpu.dma_semaphore, #tpu.memory_space<semaphore_mem>>)
    %dma_start3A_51 = arith.constant 3 : i32
    %dma_start3A_52 = arith.constant 0 : i32
    %dma_start3A_53 = tpu.memref_slice %arg5[%arg1, %dma_start3A_51, %dma_start3A_52] : memref<16x160x64xi32, #tpu.memory_space<hbm>> -> memref<1x1x64xi32, #tpu.memory_space<hbm>>
    %dma_start3A_54 = tpu.memref_squeeze %dma_start3A_53 : memref<1x1x64xi32, #tpu.memory_space<hbm>> -> memref<64xi32, #tpu.memory_space<hbm>>
    %dma_start3A_55 = arith.constant 0 : i32
    %dma_start3A_56 = tpu.memref_slice %arg5[%arg1, %dma_start3A_51, %dma_start3A_55] : memref<16x160x64xi32, #tpu.memory_space<hbm>> -> memref<1x1x64xi32, #tpu.memory_space<hbm>>
    %dma_start3A_57 = tpu.memref_squeeze %dma_start3A_56 : memref<1x1x64xi32, #tpu.memory_space<hbm>> -> memref<64xi32, #tpu.memory_space<hbm>>
    tpu.enqueue_dma source(%dma_start3A_57 : memref<64xi32, #tpu.memory_space<hbm>>) target(%arg16 : memref<64xi32, #tpu.memory_space<vmem>>) target_semaphore(%arg33 : memref<!tpu.dma_semaphore, #tpu.memory_space<semaphore_mem>>)
    %dma_wait3A = arith.constant 0 : i32
    %dma_wait3A_58 = arith.constant 0 : i32
    %dma_wait3A_59 = tpu.memref_slice %arg4[%arg1, %dma_wait3A, %dma_wait3A_58] : memref<16x160x64xi32, #tpu.memory_space<hbm>> -> memref<1x1x64xi32, #tpu.memory_space<hbm>>
    %dma_wait3A_60 = tpu.memref_squeeze %dma_wait3A_59 : memref<1x1x64xi32, #tpu.memory_space<hbm>> -> memref<64xi32, #tpu.memory_space<hbm>>
    %dma_wait3A_61 = arith.constant 0 : i32
    %dma_wait3A_62 = tpu.memref_slice %arg4[%arg1, %dma_wait3A, %dma_wait3A_61] : memref<16x160x64xi32, #tpu.memory_space<hbm>> -> memref<1x1x64xi32, #tpu.memory_space<hbm>>
    %dma_wait3A_63 = tpu.memref_squeeze %dma_wait3A_62 : memref<1x1x64xi32, #tpu.memory_space<hbm>> -> memref<64xi32, #tpu.memory_space<hbm>>
    tpu.wait_dma2 semaphore(%arg26 : memref<!tpu.dma_semaphore, #tpu.memory_space<semaphore_mem>>) src(%dma_wait3A_63 : memref<64xi32, #tpu.memory_space<hbm>>) dst(%arg9 : memref<64xi32, #tpu.memory_space<vmem>>)
    %eq3A = arith.constant 0 : i32
    %eq3A_64 = arith.cmpi eq, %arg0, %eq3A : i32
    %convert_element_type3A = arith.extui %eq3A_64 : i1 to i32
    %cond3A = arith.constant 0 : i32
    %cond3A_65 = arith.cmpi ne, %convert_element_type3A, %cond3A : i32
    scf.if %cond3A_65 {
      %dma_start3A_177 = arith.constant 0 : i32
      %dma_start3A_178 = arith.constant 0 : i32
      %dma_start3A_179 = tpu.memref_slice %arg2[%dma_start3A_177, %dma_start3A_178] : memref<10240x128xf32, #tpu.memory_space<hbm>> -> memref<10240x128xf32, #tpu.memory_space<hbm>>
      tpu.enqueue_indirect_dma source(%dma_start3A_179 : memref<10240x128xf32, #tpu.memory_space<hbm>>) target(%arg17 : memref<64x128xf32, #tpu.memory_space<vmem>>) offsets(%arg9 : memref<64xi32, #tpu.memory_space<vmem>>) semaphore(%arg22 : memref<!tpu.dma_semaphore, #tpu.memory_space<semaphore_mem>>)
    } else {
    }
    %eq3A_66 = arith.constant 1 : i32
    %eq3A_67 = arith.cmpi eq, %arg0, %eq3A_66 : i32
    %convert_element_type3A_68 = arith.extui %eq3A_67 : i1 to i32
    %cond3A_69 = arith.constant 0 : i32
    %cond3A_70 = arith.cmpi ne, %convert_element_type3A_68, %cond3A_69 : i32
    scf.if %cond3A_70 {
      %dma_start3A_177 = arith.constant 0 : i32
      %dma_start3A_178 = arith.constant 0 : i32
      %dma_start3A_179 = tpu.memref_slice %arg3[%dma_start3A_177, %dma_start3A_178] : memref<10240x128xf32, #tpu.memory_space<hbm>> -> memref<10240x128xf32, #tpu.memory_space<hbm>>
      tpu.enqueue_indirect_dma source(%dma_start3A_179 : memref<10240x128xf32, #tpu.memory_space<hbm>>) target(%arg17 : memref<64x128xf32, #tpu.memory_space<vmem>>) offsets(%arg9 : memref<64xi32, #tpu.memory_space<vmem>>) semaphore(%arg22 : memref<!tpu.dma_semaphore, #tpu.memory_space<semaphore_mem>>)
    } else {
    }
    %dma_wait3A_71 = arith.constant 1 : i32
    %dma_wait3A_72 = arith.constant 0 : i32
    %dma_wait3A_73 = tpu.memref_slice %arg4[%arg1, %dma_wait3A_71, %dma_wait3A_72] : memref<16x160x64xi32, #tpu.memory_space<hbm>> -> memref<1x1x64xi32, #tpu.memory_space<hbm>>
    %dma_wait3A_74 = tpu.memref_squeeze %dma_wait3A_73 : memref<1x1x64xi32, #tpu.memory_space<hbm>> -> memref<64xi32, #tpu.memory_space<hbm>>
    %dma_wait3A_75 = arith.constant 0 : i32
    %dma_wait3A_76 = tpu.memref_slice %arg4[%arg1, %dma_wait3A_71, %dma_wait3A_75] : memref<16x160x64xi32, #tpu.memory_space<hbm>> -> memref<1x1x64xi32, #tpu.memory_space<hbm>>
    %dma_wait3A_77 = tpu.memref_squeeze %dma_wait3A_76 : memref<1x1x64xi32, #tpu.memory_space<hbm>> -> memref<64xi32, #tpu.memory_space<hbm>>
    tpu.wait_dma2 semaphore(%arg27 : memref<!tpu.dma_semaphore, #tpu.memory_space<semaphore_mem>>) src(%dma_wait3A_77 : memref<64xi32, #tpu.memory_space<hbm>>) dst(%arg10 : memref<64xi32, #tpu.memory_space<vmem>>)
    %eq3A_78 = arith.constant 0 : i32
    %eq3A_79 = arith.cmpi eq, %arg0, %eq3A_78 : i32
    %convert_element_type3A_80 = arith.extui %eq3A_79 : i1 to i32
    %cond3A_81 = arith.constant 0 : i32
    %cond3A_82 = arith.cmpi ne, %convert_element_type3A_80, %cond3A_81 : i32
    scf.if %cond3A_82 {
      %dma_start3A_177 = arith.constant 0 : i32
      %dma_start3A_178 = arith.constant 0 : i32
      %dma_start3A_179 = tpu.memref_slice %arg2[%dma_start3A_177, %dma_start3A_178] : memref<10240x128xf32, #tpu.memory_space<hbm>> -> memref<10240x128xf32, #tpu.memory_space<hbm>>
      tpu.enqueue_indirect_dma source(%dma_start3A_179 : memref<10240x128xf32, #tpu.memory_space<hbm>>) target(%arg18 : memref<64x128xf32, #tpu.memory_space<vmem>>) offsets(%arg10 : memref<64xi32, #tpu.memory_space<vmem>>) semaphore(%arg23 : memref<!tpu.dma_semaphore, #tpu.memory_space<semaphore_mem>>)
    } else {
    }
    %eq3A_83 = arith.constant 1 : i32
    %eq3A_84 = arith.cmpi eq, %arg0, %eq3A_83 : i32
    %convert_element_type3A_85 = arith.extui %eq3A_84 : i1 to i32
    %cond3A_86 = arith.constant 0 : i32
    %cond3A_87 = arith.cmpi ne, %convert_element_type3A_85, %cond3A_86 : i32
    scf.if %cond3A_87 {
      %dma_start3A_177 = arith.constant 0 : i32
      %dma_start3A_178 = arith.constant 0 : i32
      %dma_start3A_179 = tpu.memref_slice %arg3[%dma_start3A_177, %dma_start3A_178] : memref<10240x128xf32, #tpu.memory_space<hbm>> -> memref<10240x128xf32, #tpu.memory_space<hbm>>
      tpu.enqueue_indirect_dma source(%dma_start3A_179 : memref<10240x128xf32, #tpu.memory_space<hbm>>) target(%arg18 : memref<64x128xf32, #tpu.memory_space<vmem>>) offsets(%arg10 : memref<64xi32, #tpu.memory_space<vmem>>) semaphore(%arg23 : memref<!tpu.dma_semaphore, #tpu.memory_space<semaphore_mem>>)
    } else {
    }
    %dma_wait3A_88 = arith.constant 2 : i32
    %dma_wait3A_89 = arith.constant 0 : i32
    %dma_wait3A_90 = tpu.memref_slice %arg4[%arg1, %dma_wait3A_88, %dma_wait3A_89] : memref<16x160x64xi32, #tpu.memory_space<hbm>> -> memref<1x1x64xi32, #tpu.memory_space<hbm>>
    %dma_wait3A_91 = tpu.memref_squeeze %dma_wait3A_90 : memref<1x1x64xi32, #tpu.memory_space<hbm>> -> memref<64xi32, #tpu.memory_space<hbm>>
    %dma_wait3A_92 = arith.constant 0 : i32
    %dma_wait3A_93 = tpu.memref_slice %arg4[%arg1, %dma_wait3A_88, %dma_wait3A_92] : memref<16x160x64xi32, #tpu.memory_space<hbm>> -> memref<1x1x64xi32, #tpu.memory_space<hbm>>
    %dma_wait3A_94 = tpu.memref_squeeze %dma_wait3A_93 : memref<1x1x64xi32, #tpu.memory_space<hbm>> -> memref<64xi32, #tpu.memory_space<hbm>>
    tpu.wait_dma2 semaphore(%arg28 : memref<!tpu.dma_semaphore, #tpu.memory_space<semaphore_mem>>) src(%dma_wait3A_94 : memref<64xi32, #tpu.memory_space<hbm>>) dst(%arg11 : memref<64xi32, #tpu.memory_space<vmem>>)
    %eq3A_95 = arith.constant 0 : i32
    %eq3A_96 = arith.cmpi eq, %arg0, %eq3A_95 : i32
    %convert_element_type3A_97 = arith.extui %eq3A_96 : i1 to i32
    %cond3A_98 = arith.constant 0 : i32
    %cond3A_99 = arith.cmpi ne, %convert_element_type3A_97, %cond3A_98 : i32
    scf.if %cond3A_99 {
      %dma_start3A_177 = arith.constant 0 : i32
      %dma_start3A_178 = arith.constant 0 : i32
      %dma_start3A_179 = tpu.memref_slice %arg2[%dma_start3A_177, %dma_start3A_178] : memref<10240x128xf32, #tpu.memory_space<hbm>> -> memref<10240x128xf32, #tpu.memory_space<hbm>>
      tpu.enqueue_indirect_dma source(%dma_start3A_179 : memref<10240x128xf32, #tpu.memory_space<hbm>>) target(%arg19 : memref<64x128xf32, #tpu.memory_space<vmem>>) offsets(%arg11 : memref<64xi32, #tpu.memory_space<vmem>>) semaphore(%arg24 : memref<!tpu.dma_semaphore, #tpu.memory_space<semaphore_mem>>)
    } else {
    }
    %eq3A_100 = arith.constant 1 : i32
    %eq3A_101 = arith.cmpi eq, %arg0, %eq3A_100 : i32
    %convert_element_type3A_102 = arith.extui %eq3A_101 : i1 to i32
    %cond3A_103 = arith.constant 0 : i32
    %cond3A_104 = arith.cmpi ne, %convert_element_type3A_102, %cond3A_103 : i32
    scf.if %cond3A_104 {
      %dma_start3A_177 = arith.constant 0 : i32
      %dma_start3A_178 = arith.constant 0 : i32
      %dma_start3A_179 = tpu.memref_slice %arg3[%dma_start3A_177, %dma_start3A_178] : memref<10240x128xf32, #tpu.memory_space<hbm>> -> memref<10240x128xf32, #tpu.memory_space<hbm>>
      tpu.enqueue_indirect_dma source(%dma_start3A_179 : memref<10240x128xf32, #tpu.memory_space<hbm>>) target(%arg19 : memref<64x128xf32, #tpu.memory_space<vmem>>) offsets(%arg11 : memref<64xi32, #tpu.memory_space<vmem>>) semaphore(%arg24 : memref<!tpu.dma_semaphore, #tpu.memory_space<semaphore_mem>>)
    } else {
    }
    %dma_wait3A_105 = arith.constant 3 : i32
    %dma_wait3A_106 = arith.constant 0 : i32
    %dma_wait3A_107 = tpu.memref_slice %arg4[%arg1, %dma_wait3A_105, %dma_wait3A_106] : memref<16x160x64xi32, #tpu.memory_space<hbm>> -> memref<1x1x64xi32, #tpu.memory_space<hbm>>
    %dma_wait3A_108 = tpu.memref_squeeze %dma_wait3A_107 : memref<1x1x64xi32, #tpu.memory_space<hbm>> -> memref<64xi32, #tpu.memory_space<hbm>>
    %dma_wait3A_109 = arith.constant 0 : i32
    %dma_wait3A_110 = tpu.memref_slice %arg4[%arg1, %dma_wait3A_105, %dma_wait3A_109] : memref<16x160x64xi32, #tpu.memory_space<hbm>> -> memref<1x1x64xi32, #tpu.memory_space<hbm>>
    %dma_wait3A_111 = tpu.memref_squeeze %dma_wait3A_110 : memref<1x1x64xi32, #tpu.memory_space<hbm>> -> memref<64xi32, #tpu.memory_space<hbm>>
    tpu.wait_dma2 semaphore(%arg29 : memref<!tpu.dma_semaphore, #tpu.memory_space<semaphore_mem>>) src(%dma_wait3A_111 : memref<64xi32, #tpu.memory_space<hbm>>) dst(%arg12 : memref<64xi32, #tpu.memory_space<vmem>>)
    %eq3A_112 = arith.constant 0 : i32
    %eq3A_113 = arith.cmpi eq, %arg0, %eq3A_112 : i32
    %convert_element_type3A_114 = arith.extui %eq3A_113 : i1 to i32
    %cond3A_115 = arith.constant 0 : i32
    %cond3A_116 = arith.cmpi ne, %convert_element_type3A_114, %cond3A_115 : i32
    scf.if %cond3A_116 {
      %dma_start3A_177 = arith.constant 0 : i32
      %dma_start3A_178 = arith.constant 0 : i32
      %dma_start3A_179 = tpu.memref_slice %arg2[%dma_start3A_177, %dma_start3A_178] : memref<10240x128xf32, #tpu.memory_space<hbm>> -> memref<10240x128xf32, #tpu.memory_space<hbm>>
      tpu.enqueue_indirect_dma source(%dma_start3A_179 : memref<10240x128xf32, #tpu.memory_space<hbm>>) target(%arg20 : memref<64x128xf32, #tpu.memory_space<vmem>>) offsets(%arg12 : memref<64xi32, #tpu.memory_space<vmem>>) semaphore(%arg25 : memref<!tpu.dma_semaphore, #tpu.memory_space<semaphore_mem>>)
    } else {
    }
    %eq3A_117 = arith.constant 1 : i32
    %eq3A_118 = arith.cmpi eq, %arg0, %eq3A_117 : i32
    %convert_element_type3A_119 = arith.extui %eq3A_118 : i1 to i32
    %cond3A_120 = arith.constant 0 : i32
    %cond3A_121 = arith.cmpi ne, %convert_element_type3A_119, %cond3A_120 : i32
    scf.if %cond3A_121 {
      %dma_start3A_177 = arith.constant 0 : i32
      %dma_start3A_178 = arith.constant 0 : i32
      %dma_start3A_179 = tpu.memref_slice %arg3[%dma_start3A_177, %dma_start3A_178] : memref<10240x128xf32, #tpu.memory_space<hbm>> -> memref<10240x128xf32, #tpu.memory_space<hbm>>
      tpu.enqueue_indirect_dma source(%dma_start3A_179 : memref<10240x128xf32, #tpu.memory_space<hbm>>) target(%arg20 : memref<64x128xf32, #tpu.memory_space<vmem>>) offsets(%arg12 : memref<64xi32, #tpu.memory_space<vmem>>) semaphore(%arg25 : memref<!tpu.dma_semaphore, #tpu.memory_space<semaphore_mem>>)
    } else {
    }
    %scan3A = arith.constant 0 : i32
    %scan3A_122 = arith.constant 40 : i32
    %scan3A_123 = arith.addi %scan3A, %scan3A_122 : i32
    %scan3A_124 = arith.constant 1 : i32
    scf.for %scan3A_177 = %scan3A to %scan3A_123 step %scan3A_124  : i32 {
      %mul3A_178 = arith.constant 4 : i32
      %mul3A_179 = arith.muli %scan3A_177, %mul3A_178 : i32
      %add3A = arith.constant 0 : i32
      %add3A_180 = arith.addi %add3A, %mul3A_179 : i32
      %add3A_181 = arith.constant 0 : i32
      %add3A_182 = arith.addi %add3A_180, %add3A_181 : i32
      %dma_wait3A_183 = arith.constant 0 : i32
      %dma_wait3A_184 = arith.constant 0 : i32
      %dma_wait3A_185 = tpu.memref_slice %arg2[%dma_wait3A_183, %dma_wait3A_184] : memref<10240x128xf32, #tpu.memory_space<hbm>> -> memref<10240x128xf32, #tpu.memory_space<hbm>>
      tpu.wait_indirect_dma semaphore(%arg22 : memref<!tpu.dma_semaphore, #tpu.memory_space<semaphore_mem>>) src(%dma_wait3A_185 : memref<10240x128xf32, #tpu.memory_space<hbm>>) dst(%arg17 : memref<64x128xf32, #tpu.memory_space<vmem>>)
      %add3A_186 = arith.constant 4 : i32
      %add3A_187 = arith.addi %add3A_182, %add3A_186 : i32
      %lt3A = arith.constant 160 : i32
      %lt3A_188 = arith.cmpi slt, %add3A_187, %lt3A : i32
      %sub3A = arith.constant 160 : i32
      %sub3A_189 = arith.subi %add3A_187, %sub3A : i32
      %select_n3A = arith.select %lt3A_188, %add3A_187, %sub3A_189 : i32
      %dma_start3A_190 = arith.constant 0 : i32
      %dma_start3A_191 = tpu.memref_slice %arg4[%arg1, %select_n3A, %dma_start3A_190] : memref<16x160x64xi32, #tpu.memory_space<hbm>> -> memref<1x1x64xi32, #tpu.memory_space<hbm>>
      %dma_start3A_192 = tpu.memref_squeeze %dma_start3A_191 : memref<1x1x64xi32, #tpu.memory_space<hbm>> -> memref<64xi32, #tpu.memory_space<hbm>>
      %dma_start3A_193 = arith.constant 0 : i32
      %dma_start3A_194 = tpu.memref_slice %arg4[%arg1, %select_n3A, %dma_start3A_193] : memref<16x160x64xi32, #tpu.memory_space<hbm>> -> memref<1x1x64xi32, #tpu.memory_space<hbm>>
      %dma_start3A_195 = tpu.memref_squeeze %dma_start3A_194 : memref<1x1x64xi32, #tpu.memory_space<hbm>> -> memref<64xi32, #tpu.memory_space<hbm>>
      tpu.enqueue_dma source(%dma_start3A_195 : memref<64xi32, #tpu.memory_space<hbm>>) target(%arg9 : memref<64xi32, #tpu.memory_space<vmem>>) target_semaphore(%arg26 : memref<!tpu.dma_semaphore, #tpu.memory_space<semaphore_mem>>)
      %dma_wait3A_196 = arith.constant 0 : i32
      %dma_wait3A_197 = tpu.memref_slice %arg5[%arg1, %add3A_182, %dma_wait3A_196] : memref<16x160x64xi32, #tpu.memory_space<hbm>> -> memref<1x1x64xi32, #tpu.memory_space<hbm>>
      %dma_wait3A_198 = tpu.memref_squeeze %dma_wait3A_197 : memref<1x1x64xi32, #tpu.memory_space<hbm>> -> memref<64xi32, #tpu.memory_space<hbm>>
      %dma_wait3A_199 = arith.constant 0 : i32
      %dma_wait3A_200 = tpu.memref_slice %arg5[%arg1, %add3A_182, %dma_wait3A_199] : memref<16x160x64xi32, #tpu.memory_space<hbm>> -> memref<1x1x64xi32, #tpu.memory_space<hbm>>
      %dma_wait3A_201 = tpu.memref_squeeze %dma_wait3A_200 : memref<1x1x64xi32, #tpu.memory_space<hbm>> -> memref<64xi32, #tpu.memory_space<hbm>>
      tpu.wait_dma2 semaphore(%arg30 : memref<!tpu.dma_semaphore, #tpu.memory_space<semaphore_mem>>) src(%dma_wait3A_201 : memref<64xi32, #tpu.memory_space<hbm>>) dst(%arg13 : memref<64xi32, #tpu.memory_space<vmem>>)
      "tpu.region"() ({
        %run_scoped3A = tpu.sem_alloc : memref<!tpu.dma_semaphore, #tpu.memory_space<semaphore_mem>>
        %dma_start3A_362 = arith.constant 0 : i32
        %dma_start3A_363 = arith.constant 0 : i32
        %dma_start3A_364 = tpu.memref_slice %arg21[%dma_start3A_362, %dma_start3A_363] : memref<10240x128xf32, #tpu.memory_space<vmem_shared>> -> memref<10240x128xf32, #tpu.memory_space<vmem_shared>>
        tpu.enqueue_indirect_dma source(%arg17 : memref<64x128xf32, #tpu.memory_space<vmem>>) target(%dma_start3A_364 : memref<10240x128xf32, #tpu.memory_space<vmem_shared>>) offsets(%arg13 : memref<64xi32, #tpu.memory_space<vmem>>) semaphore(%run_scoped3A : memref<!tpu.dma_semaphore, #tpu.memory_space<semaphore_mem>>) {add = true}
        %dma_wait3A_365 = arith.constant 0 : i32
        %dma_wait3A_366 = arith.constant 0 : i32
        %dma_wait3A_367 = tpu.memref_slice %arg21[%dma_wait3A_365, %dma_wait3A_366] : memref<10240x128xf32, #tpu.memory_space<vmem_shared>> -> memref<10240x128xf32, #tpu.memory_space<vmem_shared>>
        tpu.wait_indirect_dma semaphore(%run_scoped3A : memref<!tpu.dma_semaphore, #tpu.memory_space<semaphore_mem>>) src(%arg17 : memref<64x128xf32, #tpu.memory_space<vmem>>) dst(%dma_wait3A_367 : memref<10240x128xf32, #tpu.memory_space<vmem_shared>>)
        tpu.yield
      }) : () -> ()
      %dma_start3A_202 = arith.constant 0 : i32
      %dma_start3A_203 = tpu.memref_slice %arg5[%arg1, %select_n3A, %dma_start3A_202] : memref<16x160x64xi32, #tpu.memory_space<hbm>> -> memref<1x1x64xi32, #tpu.memory_space<hbm>>
      %dma_start3A_204 = tpu.memref_squeeze %dma_start3A_203 : memref<1x1x64xi32, #tpu.memory_space<hbm>> -> memref<64xi32, #tpu.memory_space<hbm>>
      %dma_start3A_205 = arith.constant 0 : i32
      %dma_start3A_206 = tpu.memref_slice %arg5[%arg1, %select_n3A, %dma_start3A_205] : memref<16x160x64xi32, #tpu.memory_space<hbm>> -> memref<1x1x64xi32, #tpu.memory_space<hbm>>
      %dma_start3A_207 = tpu.memref_squeeze %dma_start3A_206 : memref<1x1x64xi32, #tpu.memory_space<hbm>> -> memref<64xi32, #tpu.memory_space<hbm>>
      tpu.enqueue_dma source(%dma_start3A_207 : memref<64xi32, #tpu.memory_space<hbm>>) target(%arg13 : memref<64xi32, #tpu.memory_space<vmem>>) target_semaphore(%arg30 : memref<!tpu.dma_semaphore, #tpu.memory_space<semaphore_mem>>)
      %dma_wait3A_208 = arith.constant 0 : i32
      %dma_wait3A_209 = tpu.memref_slice %arg4[%arg1, %add3A_182, %dma_wait3A_208] : memref<16x160x64xi32, #tpu.memory_space<hbm>> -> memref<1x1x64xi32, #tpu.memory_space<hbm>>
      %dma_wait3A_210 = tpu.memref_squeeze %dma_wait3A_209 : memref<1x1x64xi32, #tpu.memory_space<hbm>> -> memref<64xi32, #tpu.memory_space<hbm>>
      %dma_wait3A_211 = arith.constant 0 : i32
      %dma_wait3A_212 = tpu.memref_slice %arg4[%arg1, %add3A_182, %dma_wait3A_211] : memref<16x160x64xi32, #tpu.memory_space<hbm>> -> memref<1x1x64xi32, #tpu.memory_space<hbm>>
      %dma_wait3A_213 = tpu.memref_squeeze %dma_wait3A_212 : memref<1x1x64xi32, #tpu.memory_space<hbm>> -> memref<64xi32, #tpu.memory_space<hbm>>
      tpu.wait_dma2 semaphore(%arg26 : memref<!tpu.dma_semaphore, #tpu.memory_space<semaphore_mem>>) src(%dma_wait3A_213 : memref<64xi32, #tpu.memory_space<hbm>>) dst(%arg9 : memref<64xi32, #tpu.memory_space<vmem>>)
      %eq3A_214 = arith.constant 0 : i32
      %eq3A_215 = arith.cmpi eq, %arg0, %eq3A_214 : i32
      %convert_element_type3A_216 = arith.extui %eq3A_215 : i1 to i32
      %cond3A_217 = arith.constant 0 : i32
      %cond3A_218 = arith.cmpi ne, %convert_element_type3A_216, %cond3A_217 : i32
      scf.if %cond3A_218 {
        %dma_start3A_362 = arith.constant 0 : i32
        %dma_start3A_363 = arith.constant 0 : i32
        %dma_start3A_364 = tpu.memref_slice %arg2[%dma_start3A_362, %dma_start3A_363] : memref<10240x128xf32, #tpu.memory_space<hbm>> -> memref<10240x128xf32, #tpu.memory_space<hbm>>
        tpu.enqueue_indirect_dma source(%dma_start3A_364 : memref<10240x128xf32, #tpu.memory_space<hbm>>) target(%arg17 : memref<64x128xf32, #tpu.memory_space<vmem>>) offsets(%arg9 : memref<64xi32, #tpu.memory_space<vmem>>) semaphore(%arg22 : memref<!tpu.dma_semaphore, #tpu.memory_space<semaphore_mem>>)
      } else {
      }
      %eq3A_219 = arith.constant 1 : i32
      %eq3A_220 = arith.cmpi eq, %arg0, %eq3A_219 : i32
      %convert_element_type3A_221 = arith.extui %eq3A_220 : i1 to i32
      %cond3A_222 = arith.constant 0 : i32
      %cond3A_223 = arith.cmpi ne, %convert_element_type3A_221, %cond3A_222 : i32
      scf.if %cond3A_223 {
        %dma_start3A_362 = arith.constant 0 : i32
        %dma_start3A_363 = arith.constant 0 : i32
        %dma_start3A_364 = tpu.memref_slice %arg3[%dma_start3A_362, %dma_start3A_363] : memref<10240x128xf32, #tpu.memory_space<hbm>> -> memref<10240x128xf32, #tpu.memory_space<hbm>>
        tpu.enqueue_indirect_dma source(%dma_start3A_364 : memref<10240x128xf32, #tpu.memory_space<hbm>>) target(%arg17 : memref<64x128xf32, #tpu.memory_space<vmem>>) offsets(%arg9 : memref<64xi32, #tpu.memory_space<vmem>>) semaphore(%arg22 : memref<!tpu.dma_semaphore, #tpu.memory_space<semaphore_mem>>)
      } else {
      }
      %add3A_224 = arith.constant 1 : i32
      %add3A_225 = arith.addi %add3A_180, %add3A_224 : i32
      %dma_wait3A_226 = arith.constant 0 : i32
      %dma_wait3A_227 = arith.constant 0 : i32
      %dma_wait3A_228 = tpu.memref_slice %arg2[%dma_wait3A_226, %dma_wait3A_227] : memref<10240x128xf32, #tpu.memory_space<hbm>> -> memref<10240x128xf32, #tpu.memory_space<hbm>>
      tpu.wait_indirect_dma semaphore(%arg23 : memref<!tpu.dma_semaphore, #tpu.memory_space<semaphore_mem>>) src(%dma_wait3A_228 : memref<10240x128xf32, #tpu.memory_space<hbm>>) dst(%arg18 : memref<64x128xf32, #tpu.memory_space<vmem>>)
      %add3A_229 = arith.constant 4 : i32
      %add3A_230 = arith.addi %add3A_225, %add3A_229 : i32
      %lt3A_231 = arith.constant 160 : i32
      %lt3A_232 = arith.cmpi slt, %add3A_230, %lt3A_231 : i32
      %sub3A_233 = arith.constant 160 : i32
      %sub3A_234 = arith.subi %add3A_230, %sub3A_233 : i32
      %select_n3A_235 = arith.select %lt3A_232, %add3A_230, %sub3A_234 : i32
      %dma_start3A_236 = arith.constant 0 : i32
      %dma_start3A_237 = tpu.memref_slice %arg4[%arg1, %select_n3A_235, %dma_start3A_236] : memref<16x160x64xi32, #tpu.memory_space<hbm>> -> memref<1x1x64xi32, #tpu.memory_space<hbm>>
      %dma_start3A_238 = tpu.memref_squeeze %dma_start3A_237 : memref<1x1x64xi32, #tpu.memory_space<hbm>> -> memref<64xi32, #tpu.memory_space<hbm>>
      %dma_start3A_239 = arith.constant 0 : i32
      %dma_start3A_240 = tpu.memref_slice %arg4[%arg1, %select_n3A_235, %dma_start3A_239] : memref<16x160x64xi32, #tpu.memory_space<hbm>> -> memref<1x1x64xi32, #tpu.memory_space<hbm>>
      %dma_start3A_241 = tpu.memref_squeeze %dma_start3A_240 : memref<1x1x64xi32, #tpu.memory_space<hbm>> -> memref<64xi32, #tpu.memory_space<hbm>>
      tpu.enqueue_dma source(%dma_start3A_241 : memref<64xi32, #tpu.memory_space<hbm>>) target(%arg10 : memref<64xi32, #tpu.memory_space<vmem>>) target_semaphore(%arg27 : memref<!tpu.dma_semaphore, #tpu.memory_space<semaphore_mem>>)
      %dma_wait3A_242 = arith.constant 0 : i32
      %dma_wait3A_243 = tpu.memref_slice %arg5[%arg1, %add3A_225, %dma_wait3A_242] : memref<16x160x64xi32, #tpu.memory_space<hbm>> -> memref<1x1x64xi32, #tpu.memory_space<hbm>>
      %dma_wait3A_244 = tpu.memref_squeeze %dma_wait3A_243 : memref<1x1x64xi32, #tpu.memory_space<hbm>> -> memref<64xi32, #tpu.memory_space<hbm>>
      %dma_wait3A_245 = arith.constant 0 : i32
      %dma_wait3A_246 = tpu.memref_slice %arg5[%arg1, %add3A_225, %dma_wait3A_245] : memref<16x160x64xi32, #tpu.memory_space<hbm>> -> memref<1x1x64xi32, #tpu.memory_space<hbm>>
      %dma_wait3A_247 = tpu.memref_squeeze %dma_wait3A_246 : memref<1x1x64xi32, #tpu.memory_space<hbm>> -> memref<64xi32, #tpu.memory_space<hbm>>
      tpu.wait_dma2 semaphore(%arg31 : memref<!tpu.dma_semaphore, #tpu.memory_space<semaphore_mem>>) src(%dma_wait3A_247 : memref<64xi32, #tpu.memory_space<hbm>>) dst(%arg14 : memref<64xi32, #tpu.memory_space<vmem>>)
      "tpu.region"() ({
        %run_scoped3A = tpu.sem_alloc : memref<!tpu.dma_semaphore, #tpu.memory_space<semaphore_mem>>
        %dma_start3A_362 = arith.constant 0 : i32
        %dma_start3A_363 = arith.constant 0 : i32
        %dma_start3A_364 = tpu.memref_slice %arg21[%dma_start3A_362, %dma_start3A_363] : memref<10240x128xf32, #tpu.memory_space<vmem_shared>> -> memref<10240x128xf32, #tpu.memory_space<vmem_shared>>
        tpu.enqueue_indirect_dma source(%arg18 : memref<64x128xf32, #tpu.memory_space<vmem>>) target(%dma_start3A_364 : memref<10240x128xf32, #tpu.memory_space<vmem_shared>>) offsets(%arg14 : memref<64xi32, #tpu.memory_space<vmem>>) semaphore(%run_scoped3A : memref<!tpu.dma_semaphore, #tpu.memory_space<semaphore_mem>>) {add = true}
        %dma_wait3A_365 = arith.constant 0 : i32
        %dma_wait3A_366 = arith.constant 0 : i32
        %dma_wait3A_367 = tpu.memref_slice %arg21[%dma_wait3A_365, %dma_wait3A_366] : memref<10240x128xf32, #tpu.memory_space<vmem_shared>> -> memref<10240x128xf32, #tpu.memory_space<vmem_shared>>
        tpu.wait_indirect_dma semaphore(%run_scoped3A : memref<!tpu.dma_semaphore, #tpu.memory_space<semaphore_mem>>) src(%arg18 : memref<64x128xf32, #tpu.memory_space<vmem>>) dst(%dma_wait3A_367 : memref<10240x128xf32, #tpu.memory_space<vmem_shared>>)
        tpu.yield
      }) : () -> ()
      %dma_start3A_248 = arith.constant 0 : i32
      %dma_start3A_249 = tpu.memref_slice %arg5[%arg1, %select_n3A_235, %dma_start3A_248] : memref<16x160x64xi32, #tpu.memory_space<hbm>> -> memref<1x1x64xi32, #tpu.memory_space<hbm>>
      %dma_start3A_250 = tpu.memref_squeeze %dma_start3A_249 : memref<1x1x64xi32, #tpu.memory_space<hbm>> -> memref<64xi32, #tpu.memory_space<hbm>>
      %dma_start3A_251 = arith.constant 0 : i32
      %dma_start3A_252 = tpu.memref_slice %arg5[%arg1, %select_n3A_235, %dma_start3A_251] : memref<16x160x64xi32, #tpu.memory_space<hbm>> -> memref<1x1x64xi32, #tpu.memory_space<hbm>>
      %dma_start3A_253 = tpu.memref_squeeze %dma_start3A_252 : memref<1x1x64xi32, #tpu.memory_space<hbm>> -> memref<64xi32, #tpu.memory_space<hbm>>
      tpu.enqueue_dma source(%dma_start3A_253 : memref<64xi32, #tpu.memory_space<hbm>>) target(%arg14 : memref<64xi32, #tpu.memory_space<vmem>>) target_semaphore(%arg31 : memref<!tpu.dma_semaphore, #tpu.memory_space<semaphore_mem>>)
      %dma_wait3A_254 = arith.constant 0 : i32
      %dma_wait3A_255 = tpu.memref_slice %arg4[%arg1, %add3A_225, %dma_wait3A_254] : memref<16x160x64xi32, #tpu.memory_space<hbm>> -> memref<1x1x64xi32, #tpu.memory_space<hbm>>
      %dma_wait3A_256 = tpu.memref_squeeze %dma_wait3A_255 : memref<1x1x64xi32, #tpu.memory_space<hbm>> -> memref<64xi32, #tpu.memory_space<hbm>>
      %dma_wait3A_257 = arith.constant 0 : i32
      %dma_wait3A_258 = tpu.memref_slice %arg4[%arg1, %add3A_225, %dma_wait3A_257] : memref<16x160x64xi32, #tpu.memory_space<hbm>> -> memref<1x1x64xi32, #tpu.memory_space<hbm>>
      %dma_wait3A_259 = tpu.memref_squeeze %dma_wait3A_258 : memref<1x1x64xi32, #tpu.memory_space<hbm>> -> memref<64xi32, #tpu.memory_space<hbm>>
      tpu.wait_dma2 semaphore(%arg27 : memref<!tpu.dma_semaphore, #tpu.memory_space<semaphore_mem>>) src(%dma_wait3A_259 : memref<64xi32, #tpu.memory_space<hbm>>) dst(%arg10 : memref<64xi32, #tpu.memory_space<vmem>>)
      %eq3A_260 = arith.constant 0 : i32
      %eq3A_261 = arith.cmpi eq, %arg0, %eq3A_260 : i32
      %convert_element_type3A_262 = arith.extui %eq3A_261 : i1 to i32
      %cond3A_263 = arith.constant 0 : i32
      %cond3A_264 = arith.cmpi ne, %convert_element_type3A_262, %cond3A_263 : i32
      scf.if %cond3A_264 {
        %dma_start3A_362 = arith.constant 0 : i32
        %dma_start3A_363 = arith.constant 0 : i32
        %dma_start3A_364 = tpu.memref_slice %arg2[%dma_start3A_362, %dma_start3A_363] : memref<10240x128xf32, #tpu.memory_space<hbm>> -> memref<10240x128xf32, #tpu.memory_space<hbm>>
        tpu.enqueue_indirect_dma source(%dma_start3A_364 : memref<10240x128xf32, #tpu.memory_space<hbm>>) target(%arg18 : memref<64x128xf32, #tpu.memory_space<vmem>>) offsets(%arg10 : memref<64xi32, #tpu.memory_space<vmem>>) semaphore(%arg23 : memref<!tpu.dma_semaphore, #tpu.memory_space<semaphore_mem>>)
      } else {
      }
      %eq3A_265 = arith.constant 1 : i32
      %eq3A_266 = arith.cmpi eq, %arg0, %eq3A_265 : i32
      %convert_element_type3A_267 = arith.extui %eq3A_266 : i1 to i32
      %cond3A_268 = arith.constant 0 : i32
      %cond3A_269 = arith.cmpi ne, %convert_element_type3A_267, %cond3A_268 : i32
      scf.if %cond3A_269 {
        %dma_start3A_362 = arith.constant 0 : i32
        %dma_start3A_363 = arith.constant 0 : i32
        %dma_start3A_364 = tpu.memref_slice %arg3[%dma_start3A_362, %dma_start3A_363] : memref<10240x128xf32, #tpu.memory_space<hbm>> -> memref<10240x128xf32, #tpu.memory_space<hbm>>
        tpu.enqueue_indirect_dma source(%dma_start3A_364 : memref<10240x128xf32, #tpu.memory_space<hbm>>) target(%arg18 : memref<64x128xf32, #tpu.memory_space<vmem>>) offsets(%arg10 : memref<64xi32, #tpu.memory_space<vmem>>) semaphore(%arg23 : memref<!tpu.dma_semaphore, #tpu.memory_space<semaphore_mem>>)
      } else {
      }
      %add3A_270 = arith.constant 2 : i32
      %add3A_271 = arith.addi %add3A_180, %add3A_270 : i32
      %dma_wait3A_272 = arith.constant 0 : i32
      %dma_wait3A_273 = arith.constant 0 : i32
      %dma_wait3A_274 = tpu.memref_slice %arg2[%dma_wait3A_272, %dma_wait3A_273] : memref<10240x128xf32, #tpu.memory_space<hbm>> -> memref<10240x128xf32, #tpu.memory_space<hbm>>
      tpu.wait_indirect_dma semaphore(%arg24 : memref<!tpu.dma_semaphore, #tpu.memory_space<semaphore_mem>>) src(%dma_wait3A_274 : memref<10240x128xf32, #tpu.memory_space<hbm>>) dst(%arg19 : memref<64x128xf32, #tpu.memory_space<vmem>>)
      %add3A_275 = arith.constant 4 : i32
      %add3A_276 = arith.addi %add3A_271, %add3A_275 : i32
      %lt3A_277 = arith.constant 160 : i32
      %lt3A_278 = arith.cmpi slt, %add3A_276, %lt3A_277 : i32
      %sub3A_279 = arith.constant 160 : i32
      %sub3A_280 = arith.subi %add3A_276, %sub3A_279 : i32
      %select_n3A_281 = arith.select %lt3A_278, %add3A_276, %sub3A_280 : i32
      %dma_start3A_282 = arith.constant 0 : i32
      %dma_start3A_283 = tpu.memref_slice %arg4[%arg1, %select_n3A_281, %dma_start3A_282] : memref<16x160x64xi32, #tpu.memory_space<hbm>> -> memref<1x1x64xi32, #tpu.memory_space<hbm>>
      %dma_start3A_284 = tpu.memref_squeeze %dma_start3A_283 : memref<1x1x64xi32, #tpu.memory_space<hbm>> -> memref<64xi32, #tpu.memory_space<hbm>>
      %dma_start3A_285 = arith.constant 0 : i32
      %dma_start3A_286 = tpu.memref_slice %arg4[%arg1, %select_n3A_281, %dma_start3A_285] : memref<16x160x64xi32, #tpu.memory_space<hbm>> -> memref<1x1x64xi32, #tpu.memory_space<hbm>>
      %dma_start3A_287 = tpu.memref_squeeze %dma_start3A_286 : memref<1x1x64xi32, #tpu.memory_space<hbm>> -> memref<64xi32, #tpu.memory_space<hbm>>
      tpu.enqueue_dma source(%dma_start3A_287 : memref<64xi32, #tpu.memory_space<hbm>>) target(%arg11 : memref<64xi32, #tpu.memory_space<vmem>>) target_semaphore(%arg28 : memref<!tpu.dma_semaphore, #tpu.memory_space<semaphore_mem>>)
      %dma_wait3A_288 = arith.constant 0 : i32
      %dma_wait3A_289 = tpu.memref_slice %arg5[%arg1, %add3A_271, %dma_wait3A_288] : memref<16x160x64xi32, #tpu.memory_space<hbm>> -> memref<1x1x64xi32, #tpu.memory_space<hbm>>
      %dma_wait3A_290 = tpu.memref_squeeze %dma_wait3A_289 : memref<1x1x64xi32, #tpu.memory_space<hbm>> -> memref<64xi32, #tpu.memory_space<hbm>>
      %dma_wait3A_291 = arith.constant 0 : i32
      %dma_wait3A_292 = tpu.memref_slice %arg5[%arg1, %add3A_271, %dma_wait3A_291] : memref<16x160x64xi32, #tpu.memory_space<hbm>> -> memref<1x1x64xi32, #tpu.memory_space<hbm>>
      %dma_wait3A_293 = tpu.memref_squeeze %dma_wait3A_292 : memref<1x1x64xi32, #tpu.memory_space<hbm>> -> memref<64xi32, #tpu.memory_space<hbm>>
      tpu.wait_dma2 semaphore(%arg32 : memref<!tpu.dma_semaphore, #tpu.memory_space<semaphore_mem>>) src(%dma_wait3A_293 : memref<64xi32, #tpu.memory_space<hbm>>) dst(%arg15 : memref<64xi32, #tpu.memory_space<vmem>>)
      "tpu.region"() ({
        %run_scoped3A = tpu.sem_alloc : memref<!tpu.dma_semaphore, #tpu.memory_space<semaphore_mem>>
        %dma_start3A_362 = arith.constant 0 : i32
        %dma_start3A_363 = arith.constant 0 : i32
        %dma_start3A_364 = tpu.memref_slice %arg21[%dma_start3A_362, %dma_start3A_363] : memref<10240x128xf32, #tpu.memory_space<vmem_shared>> -> memref<10240x128xf32, #tpu.memory_space<vmem_shared>>
        tpu.enqueue_indirect_dma source(%arg19 : memref<64x128xf32, #tpu.memory_space<vmem>>) target(%dma_start3A_364 : memref<10240x128xf32, #tpu.memory_space<vmem_shared>>) offsets(%arg15 : memref<64xi32, #tpu.memory_space<vmem>>) semaphore(%run_scoped3A : memref<!tpu.dma_semaphore, #tpu.memory_space<semaphore_mem>>) {add = true}
        %dma_wait3A_365 = arith.constant 0 : i32
        %dma_wait3A_366 = arith.constant 0 : i32
        %dma_wait3A_367 = tpu.memref_slice %arg21[%dma_wait3A_365, %dma_wait3A_366] : memref<10240x128xf32, #tpu.memory_space<vmem_shared>> -> memref<10240x128xf32, #tpu.memory_space<vmem_shared>>
        tpu.wait_indirect_dma semaphore(%run_scoped3A : memref<!tpu.dma_semaphore, #tpu.memory_space<semaphore_mem>>) src(%arg19 : memref<64x128xf32, #tpu.memory_space<vmem>>) dst(%dma_wait3A_367 : memref<10240x128xf32, #tpu.memory_space<vmem_shared>>)
        tpu.yield
      }) : () -> ()
      %dma_start3A_294 = arith.constant 0 : i32
      %dma_start3A_295 = tpu.memref_slice %arg5[%arg1, %select_n3A_281, %dma_start3A_294] : memref<16x160x64xi32, #tpu.memory_space<hbm>> -> memref<1x1x64xi32, #tpu.memory_space<hbm>>
      %dma_start3A_296 = tpu.memref_squeeze %dma_start3A_295 : memref<1x1x64xi32, #tpu.memory_space<hbm>> -> memref<64xi32, #tpu.memory_space<hbm>>
      %dma_start3A_297 = arith.constant 0 : i32
      %dma_start3A_298 = tpu.memref_slice %arg5[%arg1, %select_n3A_281, %dma_start3A_297] : memref<16x160x64xi32, #tpu.memory_space<hbm>> -> memref<1x1x64xi32, #tpu.memory_space<hbm>>
      %dma_start3A_299 = tpu.memref_squeeze %dma_start3A_298 : memref<1x1x64xi32, #tpu.memory_space<hbm>> -> memref<64xi32, #tpu.memory_space<hbm>>
      tpu.enqueue_dma source(%dma_start3A_299 : memref<64xi32, #tpu.memory_space<hbm>>) target(%arg15 : memref<64xi32, #tpu.memory_space<vmem>>) target_semaphore(%arg32 : memref<!tpu.dma_semaphore, #tpu.memory_space<semaphore_mem>>)
      %dma_wait3A_300 = arith.constant 0 : i32
      %dma_wait3A_301 = tpu.memref_slice %arg4[%arg1, %add3A_271, %dma_wait3A_300] : memref<16x160x64xi32, #tpu.memory_space<hbm>> -> memref<1x1x64xi32, #tpu.memory_space<hbm>>
      %dma_wait3A_302 = tpu.memref_squeeze %dma_wait3A_301 : memref<1x1x64xi32, #tpu.memory_space<hbm>> -> memref<64xi32, #tpu.memory_space<hbm>>
      %dma_wait3A_303 = arith.constant 0 : i32
      %dma_wait3A_304 = tpu.memref_slice %arg4[%arg1, %add3A_271, %dma_wait3A_303] : memref<16x160x64xi32, #tpu.memory_space<hbm>> -> memref<1x1x64xi32, #tpu.memory_space<hbm>>
      %dma_wait3A_305 = tpu.memref_squeeze %dma_wait3A_304 : memref<1x1x64xi32, #tpu.memory_space<hbm>> -> memref<64xi32, #tpu.memory_space<hbm>>
      tpu.wait_dma2 semaphore(%arg28 : memref<!tpu.dma_semaphore, #tpu.memory_space<semaphore_mem>>) src(%dma_wait3A_305 : memref<64xi32, #tpu.memory_space<hbm>>) dst(%arg11 : memref<64xi32, #tpu.memory_space<vmem>>)
      %eq3A_306 = arith.constant 0 : i32
      %eq3A_307 = arith.cmpi eq, %arg0, %eq3A_306 : i32
      %convert_element_type3A_308 = arith.extui %eq3A_307 : i1 to i32
      %cond3A_309 = arith.constant 0 : i32
      %cond3A_310 = arith.cmpi ne, %convert_element_type3A_308, %cond3A_309 : i32
      scf.if %cond3A_310 {
        %dma_start3A_362 = arith.constant 0 : i32
        %dma_start3A_363 = arith.constant 0 : i32
        %dma_start3A_364 = tpu.memref_slice %arg2[%dma_start3A_362, %dma_start3A_363] : memref<10240x128xf32, #tpu.memory_space<hbm>> -> memref<10240x128xf32, #tpu.memory_space<hbm>>
        tpu.enqueue_indirect_dma source(%dma_start3A_364 : memref<10240x128xf32, #tpu.memory_space<hbm>>) target(%arg19 : memref<64x128xf32, #tpu.memory_space<vmem>>) offsets(%arg11 : memref<64xi32, #tpu.memory_space<vmem>>) semaphore(%arg24 : memref<!tpu.dma_semaphore, #tpu.memory_space<semaphore_mem>>)
      } else {
      }
      %eq3A_311 = arith.constant 1 : i32
      %eq3A_312 = arith.cmpi eq, %arg0, %eq3A_311 : i32
      %convert_element_type3A_313 = arith.extui %eq3A_312 : i1 to i32
      %cond3A_314 = arith.constant 0 : i32
      %cond3A_315 = arith.cmpi ne, %convert_element_type3A_313, %cond3A_314 : i32
      scf.if %cond3A_315 {
        %dma_start3A_362 = arith.constant 0 : i32
        %dma_start3A_363 = arith.constant 0 : i32
        %dma_start3A_364 = tpu.memref_slice %arg3[%dma_start3A_362, %dma_start3A_363] : memref<10240x128xf32, #tpu.memory_space<hbm>> -> memref<10240x128xf32, #tpu.memory_space<hbm>>
        tpu.enqueue_indirect_dma source(%dma_start3A_364 : memref<10240x128xf32, #tpu.memory_space<hbm>>) target(%arg19 : memref<64x128xf32, #tpu.memory_space<vmem>>) offsets(%arg11 : memref<64xi32, #tpu.memory_space<vmem>>) semaphore(%arg24 : memref<!tpu.dma_semaphore, #tpu.memory_space<semaphore_mem>>)
      } else {
      }
      %add3A_316 = arith.constant 3 : i32
      %add3A_317 = arith.addi %add3A_180, %add3A_316 : i32
      %dma_wait3A_318 = arith.constant 0 : i32
      %dma_wait3A_319 = arith.constant 0 : i32
      %dma_wait3A_320 = tpu.memref_slice %arg2[%dma_wait3A_318, %dma_wait3A_319] : memref<10240x128xf32, #tpu.memory_space<hbm>> -> memref<10240x128xf32, #tpu.memory_space<hbm>>
      tpu.wait_indirect_dma semaphore(%arg25 : memref<!tpu.dma_semaphore, #tpu.memory_space<semaphore_mem>>) src(%dma_wait3A_320 : memref<10240x128xf32, #tpu.memory_space<hbm>>) dst(%arg20 : memref<64x128xf32, #tpu.memory_space<vmem>>)
      %add3A_321 = arith.constant 4 : i32
      %add3A_322 = arith.addi %add3A_317, %add3A_321 : i32
      %lt3A_323 = arith.constant 160 : i32
      %lt3A_324 = arith.cmpi slt, %add3A_322, %lt3A_323 : i32
      %sub3A_325 = arith.constant 160 : i32
      %sub3A_326 = arith.subi %add3A_322, %sub3A_325 : i32
      %select_n3A_327 = arith.select %lt3A_324, %add3A_322, %sub3A_326 : i32
      %dma_start3A_328 = arith.constant 0 : i32
      %dma_start3A_329 = tpu.memref_slice %arg4[%arg1, %select_n3A_327, %dma_start3A_328] : memref<16x160x64xi32, #tpu.memory_space<hbm>> -> memref<1x1x64xi32, #tpu.memory_space<hbm>>
      %dma_start3A_330 = tpu.memref_squeeze %dma_start3A_329 : memref<1x1x64xi32, #tpu.memory_space<hbm>> -> memref<64xi32, #tpu.memory_space<hbm>>
      %dma_start3A_331 = arith.constant 0 : i32
      %dma_start3A_332 = tpu.memref_slice %arg4[%arg1, %select_n3A_327, %dma_start3A_331] : memref<16x160x64xi32, #tpu.memory_space<hbm>> -> memref<1x1x64xi32, #tpu.memory_space<hbm>>
      %dma_start3A_333 = tpu.memref_squeeze %dma_start3A_332 : memref<1x1x64xi32, #tpu.memory_space<hbm>> -> memref<64xi32, #tpu.memory_space<hbm>>
      tpu.enqueue_dma source(%dma_start3A_333 : memref<64xi32, #tpu.memory_space<hbm>>) target(%arg12 : memref<64xi32, #tpu.memory_space<vmem>>) target_semaphore(%arg29 : memref<!tpu.dma_semaphore, #tpu.memory_space<semaphore_mem>>)
      %dma_wait3A_334 = arith.constant 0 : i32
      %dma_wait3A_335 = tpu.memref_slice %arg5[%arg1, %add3A_317, %dma_wait3A_334] : memref<16x160x64xi32, #tpu.memory_space<hbm>> -> memref<1x1x64xi32, #tpu.memory_space<hbm>>
      %dma_wait3A_336 = tpu.memref_squeeze %dma_wait3A_335 : memref<1x1x64xi32, #tpu.memory_space<hbm>> -> memref<64xi32, #tpu.memory_space<hbm>>
      %dma_wait3A_337 = arith.constant 0 : i32
      %dma_wait3A_338 = tpu.memref_slice %arg5[%arg1, %add3A_317, %dma_wait3A_337] : memref<16x160x64xi32, #tpu.memory_space<hbm>> -> memref<1x1x64xi32, #tpu.memory_space<hbm>>
      %dma_wait3A_339 = tpu.memref_squeeze %dma_wait3A_338 : memref<1x1x64xi32, #tpu.memory_space<hbm>> -> memref<64xi32, #tpu.memory_space<hbm>>
      tpu.wait_dma2 semaphore(%arg33 : memref<!tpu.dma_semaphore, #tpu.memory_space<semaphore_mem>>) src(%dma_wait3A_339 : memref<64xi32, #tpu.memory_space<hbm>>) dst(%arg16 : memref<64xi32, #tpu.memory_space<vmem>>)
      "tpu.region"() ({
        %run_scoped3A = tpu.sem_alloc : memref<!tpu.dma_semaphore, #tpu.memory_space<semaphore_mem>>
        %dma_start3A_362 = arith.constant 0 : i32
        %dma_start3A_363 = arith.constant 0 : i32
        %dma_start3A_364 = tpu.memref_slice %arg21[%dma_start3A_362, %dma_start3A_363] : memref<10240x128xf32, #tpu.memory_space<vmem_shared>> -> memref<10240x128xf32, #tpu.memory_space<vmem_shared>>
        tpu.enqueue_indirect_dma source(%arg20 : memref<64x128xf32, #tpu.memory_space<vmem>>) target(%dma_start3A_364 : memref<10240x128xf32, #tpu.memory_space<vmem_shared>>) offsets(%arg16 : memref<64xi32, #tpu.memory_space<vmem>>) semaphore(%run_scoped3A : memref<!tpu.dma_semaphore, #tpu.memory_space<semaphore_mem>>) {add = true}
        %dma_wait3A_365 = arith.constant 0 : i32
        %dma_wait3A_366 = arith.constant 0 : i32
        %dma_wait3A_367 = tpu.memref_slice %arg21[%dma_wait3A_365, %dma_wait3A_366] : memref<10240x128xf32, #tpu.memory_space<vmem_shared>> -> memref<10240x128xf32, #tpu.memory_space<vmem_shared>>
        tpu.wait_indirect_dma semaphore(%run_scoped3A : memref<!tpu.dma_semaphore, #tpu.memory_space<semaphore_mem>>) src(%arg20 : memref<64x128xf32, #tpu.memory_space<vmem>>) dst(%dma_wait3A_367 : memref<10240x128xf32, #tpu.memory_space<vmem_shared>>)
        tpu.yield
      }) : () -> ()
      %dma_start3A_340 = arith.constant 0 : i32
      %dma_start3A_341 = tpu.memref_slice %arg5[%arg1, %select_n3A_327, %dma_start3A_340] : memref<16x160x64xi32, #tpu.memory_space<hbm>> -> memref<1x1x64xi32, #tpu.memory_space<hbm>>
      %dma_start3A_342 = tpu.memref_squeeze %dma_start3A_341 : memref<1x1x64xi32, #tpu.memory_space<hbm>> -> memref<64xi32, #tpu.memory_space<hbm>>
      %dma_start3A_343 = arith.constant 0 : i32
      %dma_start3A_344 = tpu.memref_slice %arg5[%arg1, %select_n3A_327, %dma_start3A_343] : memref<16x160x64xi32, #tpu.memory_space<hbm>> -> memref<1x1x64xi32, #tpu.memory_space<hbm>>
      %dma_start3A_345 = tpu.memref_squeeze %dma_start3A_344 : memref<1x1x64xi32, #tpu.memory_space<hbm>> -> memref<64xi32, #tpu.memory_space<hbm>>
      tpu.enqueue_dma source(%dma_start3A_345 : memref<64xi32, #tpu.memory_space<hbm>>) target(%arg16 : memref<64xi32, #tpu.memory_space<vmem>>) target_semaphore(%arg33 : memref<!tpu.dma_semaphore, #tpu.memory_space<semaphore_mem>>)
      %dma_wait3A_346 = arith.constant 0 : i32
      %dma_wait3A_347 = tpu.memref_slice %arg4[%arg1, %add3A_317, %dma_wait3A_346] : memref<16x160x64xi32, #tpu.memory_space<hbm>> -> memref<1x1x64xi32, #tpu.memory_space<hbm>>
      %dma_wait3A_348 = tpu.memref_squeeze %dma_wait3A_347 : memref<1x1x64xi32, #tpu.memory_space<hbm>> -> memref<64xi32, #tpu.memory_space<hbm>>
      %dma_wait3A_349 = arith.constant 0 : i32
      %dma_wait3A_350 = tpu.memref_slice %arg4[%arg1, %add3A_317, %dma_wait3A_349] : memref<16x160x64xi32, #tpu.memory_space<hbm>> -> memref<1x1x64xi32, #tpu.memory_space<hbm>>
      %dma_wait3A_351 = tpu.memref_squeeze %dma_wait3A_350 : memref<1x1x64xi32, #tpu.memory_space<hbm>> -> memref<64xi32, #tpu.memory_space<hbm>>
      tpu.wait_dma2 semaphore(%arg29 : memref<!tpu.dma_semaphore, #tpu.memory_space<semaphore_mem>>) src(%dma_wait3A_351 : memref<64xi32, #tpu.memory_space<hbm>>) dst(%arg12 : memref<64xi32, #tpu.memory_space<vmem>>)
      %eq3A_352 = arith.constant 0 : i32
      %eq3A_353 = arith.cmpi eq, %arg0, %eq3A_352 : i32
      %convert_element_type3A_354 = arith.extui %eq3A_353 : i1 to i32
      %cond3A_355 = arith.constant 0 : i32
      %cond3A_356 = arith.cmpi ne, %convert_element_type3A_354, %cond3A_355 : i32
      scf.if %cond3A_356 {
        %dma_start3A_362 = arith.constant 0 : i32
        %dma_start3A_363 = arith.constant 0 : i32
        %dma_start3A_364 = tpu.memref_slice %arg2[%dma_start3A_362, %dma_start3A_363] : memref<10240x128xf32, #tpu.memory_space<hbm>> -> memref<10240x128xf32, #tpu.memory_space<hbm>>
        tpu.enqueue_indirect_dma source(%dma_start3A_364 : memref<10240x128xf32, #tpu.memory_space<hbm>>) target(%arg20 : memref<64x128xf32, #tpu.memory_space<vmem>>) offsets(%arg12 : memref<64xi32, #tpu.memory_space<vmem>>) semaphore(%arg25 : memref<!tpu.dma_semaphore, #tpu.memory_space<semaphore_mem>>)
      } else {
      }
      %eq3A_357 = arith.constant 1 : i32
      %eq3A_358 = arith.cmpi eq, %arg0, %eq3A_357 : i32
      %convert_element_type3A_359 = arith.extui %eq3A_358 : i1 to i32
      %cond3A_360 = arith.constant 0 : i32
      %cond3A_361 = arith.cmpi ne, %convert_element_type3A_359, %cond3A_360 : i32
      scf.if %cond3A_361 {
        %dma_start3A_362 = arith.constant 0 : i32
        %dma_start3A_363 = arith.constant 0 : i32
        %dma_start3A_364 = tpu.memref_slice %arg3[%dma_start3A_362, %dma_start3A_363] : memref<10240x128xf32, #tpu.memory_space<hbm>> -> memref<10240x128xf32, #tpu.memory_space<hbm>>
        tpu.enqueue_indirect_dma source(%dma_start3A_364 : memref<10240x128xf32, #tpu.memory_space<hbm>>) target(%arg20 : memref<64x128xf32, #tpu.memory_space<vmem>>) offsets(%arg12 : memref<64xi32, #tpu.memory_space<vmem>>) semaphore(%arg25 : memref<!tpu.dma_semaphore, #tpu.memory_space<semaphore_mem>>)
      } else {
      }
    }
    %scan3A_125 = arith.constant 40 : i32
    %dma_wait3A_126 = arith.constant 0 : i32
    %dma_wait3A_127 = arith.constant 0 : i32
    %dma_wait3A_128 = tpu.memref_slice %arg2[%dma_wait3A_126, %dma_wait3A_127] : memref<10240x128xf32, #tpu.memory_space<hbm>> -> memref<10240x128xf32, #tpu.memory_space<hbm>>
    tpu.wait_indirect_dma semaphore(%arg22 : memref<!tpu.dma_semaphore, #tpu.memory_space<semaphore_mem>>) src(%dma_wait3A_128 : memref<10240x128xf32, #tpu.memory_space<hbm>>) dst(%arg17 : memref<64x128xf32, #tpu.memory_space<vmem>>)
    %dma_wait3A_129 = arith.constant 0 : i32
    %dma_wait3A_130 = arith.constant 0 : i32
    %dma_wait3A_131 = tpu.memref_slice %arg5[%arg1, %dma_wait3A_129, %dma_wait3A_130] : memref<16x160x64xi32, #tpu.memory_space<hbm>> -> memref<1x1x64xi32, #tpu.memory_space<hbm>>
    %dma_wait3A_132 = tpu.memref_squeeze %dma_wait3A_131 : memref<1x1x64xi32, #tpu.memory_space<hbm>> -> memref<64xi32, #tpu.memory_space<hbm>>
    %dma_wait3A_133 = arith.constant 0 : i32
    %dma_wait3A_134 = tpu.memref_slice %arg5[%arg1, %dma_wait3A_129, %dma_wait3A_133] : memref<16x160x64xi32, #tpu.memory_space<hbm>> -> memref<1x1x64xi32, #tpu.memory_space<hbm>>
    %dma_wait3A_135 = tpu.memref_squeeze %dma_wait3A_134 : memref<1x1x64xi32, #tpu.memory_space<hbm>> -> memref<64xi32, #tpu.memory_space<hbm>>
    tpu.wait_dma2 semaphore(%arg30 : memref<!tpu.dma_semaphore, #tpu.memory_space<semaphore_mem>>) src(%dma_wait3A_135 : memref<64xi32, #tpu.memory_space<hbm>>) dst(%arg13 : memref<64xi32, #tpu.memory_space<vmem>>)
    %dma_wait3A_136 = arith.constant 0 : i32
    %dma_wait3A_137 = arith.constant 0 : i32
    %dma_wait3A_138 = tpu.memref_slice %arg2[%dma_wait3A_136, %dma_wait3A_137] : memref<10240x128xf32, #tpu.memory_space<hbm>> -> memref<10240x128xf32, #tpu.memory_space<hbm>>
    tpu.wait_indirect_dma semaphore(%arg23 : memref<!tpu.dma_semaphore, #tpu.memory_space<semaphore_mem>>) src(%dma_wait3A_138 : memref<10240x128xf32, #tpu.memory_space<hbm>>) dst(%arg18 : memref<64x128xf32, #tpu.memory_space<vmem>>)
    %dma_wait3A_139 = arith.constant 0 : i32
    %dma_wait3A_140 = arith.constant 0 : i32
    %dma_wait3A_141 = tpu.memref_slice %arg5[%arg1, %dma_wait3A_139, %dma_wait3A_140] : memref<16x160x64xi32, #tpu.memory_space<hbm>> -> memref<1x1x64xi32, #tpu.memory_space<hbm>>
    %dma_wait3A_142 = tpu.memref_squeeze %dma_wait3A_141 : memref<1x1x64xi32, #tpu.memory_space<hbm>> -> memref<64xi32, #tpu.memory_space<hbm>>
    %dma_wait3A_143 = arith.constant 0 : i32
    %dma_wait3A_144 = tpu.memref_slice %arg5[%arg1, %dma_wait3A_139, %dma_wait3A_143] : memref<16x160x64xi32, #tpu.memory_space<hbm>> -> memref<1x1x64xi32, #tpu.memory_space<hbm>>
    %dma_wait3A_145 = tpu.memref_squeeze %dma_wait3A_144 : memref<1x1x64xi32, #tpu.memory_space<hbm>> -> memref<64xi32, #tpu.memory_space<hbm>>
    tpu.wait_dma2 semaphore(%arg31 : memref<!tpu.dma_semaphore, #tpu.memory_space<semaphore_mem>>) src(%dma_wait3A_145 : memref<64xi32, #tpu.memory_space<hbm>>) dst(%arg14 : memref<64xi32, #tpu.memory_space<vmem>>)
    %dma_wait3A_146 = arith.constant 0 : i32
    %dma_wait3A_147 = arith.constant 0 : i32
    %dma_wait3A_148 = tpu.memref_slice %arg2[%dma_wait3A_146, %dma_wait3A_147] : memref<10240x128xf32, #tpu.memory_space<hbm>> -> memref<10240x128xf32, #tpu.memory_space<hbm>>
    tpu.wait_indirect_dma semaphore(%arg24 : memref<!tpu.dma_semaphore, #tpu.memory_space<semaphore_mem>>) src(%dma_wait3A_148 : memref<10240x128xf32, #tpu.memory_space<hbm>>) dst(%arg19 : memref<64x128xf32, #tpu.memory_space<vmem>>)
    %dma_wait3A_149 = arith.constant 0 : i32
    %dma_wait3A_150 = arith.constant 0 : i32
    %dma_wait3A_151 = tpu.memref_slice %arg5[%arg1, %dma_wait3A_149, %dma_wait3A_150] : memref<16x160x64xi32, #tpu.memory_space<hbm>> -> memref<1x1x64xi32, #tpu.memory_space<hbm>>
    %dma_wait3A_152 = tpu.memref_squeeze %dma_wait3A_151 : memref<1x1x64xi32, #tpu.memory_space<hbm>> -> memref<64xi32, #tpu.memory_space<hbm>>
    %dma_wait3A_153 = arith.constant 0 : i32
    %dma_wait3A_154 = tpu.memref_slice %arg5[%arg1, %dma_wait3A_149, %dma_wait3A_153] : memref<16x160x64xi32, #tpu.memory_space<hbm>> -> memref<1x1x64xi32, #tpu.memory_space<hbm>>
    %dma_wait3A_155 = tpu.memref_squeeze %dma_wait3A_154 : memref<1x1x64xi32, #tpu.memory_space<hbm>> -> memref<64xi32, #tpu.memory_space<hbm>>
    tpu.wait_dma2 semaphore(%arg32 : memref<!tpu.dma_semaphore, #tpu.memory_space<semaphore_mem>>) src(%dma_wait3A_155 : memref<64xi32, #tpu.memory_space<hbm>>) dst(%arg15 : memref<64xi32, #tpu.memory_space<vmem>>)
    %dma_wait3A_156 = arith.constant 0 : i32
    %dma_wait3A_157 = arith.constant 0 : i32
    %dma_wait3A_158 = tpu.memref_slice %arg2[%dma_wait3A_156, %dma_wait3A_157] : memref<10240x128xf32, #tpu.memory_space<hbm>> -> memref<10240x128xf32, #tpu.memory_space<hbm>>
    tpu.wait_indirect_dma semaphore(%arg25 : memref<!tpu.dma_semaphore, #tpu.memory_space<semaphore_mem>>) src(%dma_wait3A_158 : memref<10240x128xf32, #tpu.memory_space<hbm>>) dst(%arg20 : memref<64x128xf32, #tpu.memory_space<vmem>>)
    %dma_wait3A_159 = arith.constant 0 : i32
    %dma_wait3A_160 = arith.constant 0 : i32
    %dma_wait3A_161 = tpu.memref_slice %arg5[%arg1, %dma_wait3A_159, %dma_wait3A_160] : memref<16x160x64xi32, #tpu.memory_space<hbm>> -> memref<1x1x64xi32, #tpu.memory_space<hbm>>
    %dma_wait3A_162 = tpu.memref_squeeze %dma_wait3A_161 : memref<1x1x64xi32, #tpu.memory_space<hbm>> -> memref<64xi32, #tpu.memory_space<hbm>>
    %dma_wait3A_163 = arith.constant 0 : i32
    %dma_wait3A_164 = tpu.memref_slice %arg5[%arg1, %dma_wait3A_159, %dma_wait3A_163] : memref<16x160x64xi32, #tpu.memory_space<hbm>> -> memref<1x1x64xi32, #tpu.memory_space<hbm>>
    %dma_wait3A_165 = tpu.memref_squeeze %dma_wait3A_164 : memref<1x1x64xi32, #tpu.memory_space<hbm>> -> memref<64xi32, #tpu.memory_space<hbm>>
    tpu.wait_dma2 semaphore(%arg33 : memref<!tpu.dma_semaphore, #tpu.memory_space<semaphore_mem>>) src(%dma_wait3A_165 : memref<64xi32, #tpu.memory_space<hbm>>) dst(%arg16 : memref<64xi32, #tpu.memory_space<vmem>>)
    %barrier3A_166 = arith.constant 0 : index
    tpu.barrier barrier_id(%barrier3A_166)
    %eq3A_167 = arith.constant 0 : i32
    %eq3A_168 = arith.cmpi eq, %arg0, %eq3A_167 : i32
    %convert_element_type3A_169 = arith.extui %eq3A_168 : i1 to i32
    %cond3A_170 = arith.constant 0 : i32
    %cond3A_171 = arith.cmpi ne, %convert_element_type3A_169, %cond3A_170 : i32
    scf.if %cond3A_171 {
      %mul3A_177 = arith.constant 640 : i32
      %mul3A_178 = arith.muli %arg1, %mul3A_177 : i32
      %mul3A_179 = arith.constant 640 : i32
      %mul3A_180 = arith.muli %arg1, %mul3A_179 : i32
      "tpu.region"() ({
        %run_scoped3A = tpu.sem_alloc : memref<!tpu.dma_semaphore, #tpu.memory_space<semaphore_mem>>
        %dma_start3A_181 = arith.constant 0 : i32
        %dma_start3A_182 = tpu.memref_slice %arg7[%mul3A_180, %dma_start3A_181] : memref<10240x128xf32, #tpu.memory_space<hbm>> -> memref<640x128xf32, #tpu.memory_space<hbm>>
        %dma_start3A_183 = arith.constant 0 : i32
        %dma_start3A_184 = tpu.memref_slice %arg21[%mul3A_178, %dma_start3A_183] : memref<10240x128xf32, #tpu.memory_space<vmem_shared>> -> memref<640x128xf32, #tpu.memory_space<vmem_shared>>
        tpu.enqueue_dma source(%dma_start3A_184 : memref<640x128xf32, #tpu.memory_space<vmem_shared>>) target(%dma_start3A_182 : memref<640x128xf32, #tpu.memory_space<hbm>>) target_semaphore(%run_scoped3A : memref<!tpu.dma_semaphore, #tpu.memory_space<semaphore_mem>>)
        %dma_wait3A_185 = arith.constant 0 : i32
        %dma_wait3A_186 = tpu.memref_slice %arg7[%mul3A_180, %dma_wait3A_185] : memref<10240x128xf32, #tpu.memory_space<hbm>> -> memref<640x128xf32, #tpu.memory_space<hbm>>
        %dma_wait3A_187 = arith.constant 0 : i32
        %dma_wait3A_188 = tpu.memref_slice %arg21[%mul3A_178, %dma_wait3A_187] : memref<10240x128xf32, #tpu.memory_space<vmem_shared>> -> memref<640x128xf32, #tpu.memory_space<vmem_shared>>
        tpu.wait_dma2 semaphore(%run_scoped3A : memref<!tpu.dma_semaphore, #tpu.memory_space<semaphore_mem>>) src(%dma_wait3A_188 : memref<640x128xf32, #tpu.memory_space<vmem_shared>>) dst(%dma_wait3A_186 : memref<640x128xf32, #tpu.memory_space<hbm>>)
        tpu.yield
      }) : () -> ()
    } else {
    }
    %eq3A_172 = arith.constant 1 : i32
    %eq3A_173 = arith.cmpi eq, %arg0, %eq3A_172 : i32
    %convert_element_type3A_174 = arith.extui %eq3A_173 : i1 to i32
    %cond3A_175 = arith.constant 0 : i32
    %cond3A_176 = arith.cmpi ne, %convert_element_type3A_174, %cond3A_175 : i32
    scf.if %cond3A_176 {
      %mul3A_177 = arith.constant 640 : i32
      %mul3A_178 = arith.muli %arg1, %mul3A_177 : i32
      %mul3A_179 = arith.constant 640 : i32
      %mul3A_180 = arith.muli %arg1, %mul3A_179 : i32
      "tpu.region"() ({
        %run_scoped3A = tpu.sem_alloc : memref<!tpu.dma_semaphore, #tpu.memory_space<semaphore_mem>>
        %dma_start3A_181 = arith.constant 0 : i32
        %dma_start3A_182 = tpu.memref_slice %arg8[%mul3A_180, %dma_start3A_181] : memref<10240x128xf32, #tpu.memory_space<hbm>> -> memref<640x128xf32, #tpu.memory_space<hbm>>
        %dma_start3A_183 = arith.constant 0 : i32
        %dma_start3A_184 = tpu.memref_slice %arg21[%mul3A_178, %dma_start3A_183] : memref<10240x128xf32, #tpu.memory_space<vmem_shared>> -> memref<640x128xf32, #tpu.memory_space<vmem_shared>>
        tpu.enqueue_dma source(%dma_start3A_184 : memref<640x128xf32, #tpu.memory_space<vmem_shared>>) target(%dma_start3A_182 : memref<640x128xf32, #tpu.memory_space<hbm>>) target_semaphore(%run_scoped3A : memref<!tpu.dma_semaphore, #tpu.memory_space<semaphore_mem>>)
        %dma_wait3A_185 = arith.constant 0 : i32
        %dma_wait3A_186 = tpu.memref_slice %arg8[%mul3A_180, %dma_wait3A_185] : memref<10240x128xf32, #tpu.memory_space<hbm>> -> memref<640x128xf32, #tpu.memory_space<hbm>>
        %dma_wait3A_187 = arith.constant 0 : i32
        %dma_wait3A_188 = tpu.memref_slice %arg21[%mul3A_178, %dma_wait3A_187] : memref<10240x128xf32, #tpu.memory_space<vmem_shared>> -> memref<640x128xf32, #tpu.memory_space<vmem_shared>>
        tpu.wait_dma2 semaphore(%run_scoped3A : memref<!tpu.dma_semaphore, #tpu.memory_space<semaphore_mem>>) src(%dma_wait3A_188 : memref<640x128xf32, #tpu.memory_space<vmem_shared>>) dst(%dma_wait3A_186 : memref<640x128xf32, #tpu.memory_space<hbm>>)
        tpu.yield
      }) : () -> ()
    } else {
    }
    return
  }
}

module attributes {stable_mosaic.version = 14 : i64} {
  func.func @_mm1_body(%arg0: i32, %arg1: memref<256x256xf32, #tpu.memory_space<vmem>>, %arg2: memref<256x256xf32, #tpu.memory_space<vmem>>, %arg3: memref<256x1xf32, #tpu.memory_space<vmem>>, %arg4: memref<256x1xf32, #tpu.memory_space<vmem>>, %arg5: memref<256x128xf32, #tpu.memory_space<vmem>>, %arg6: memref<256x128xf32, #tpu.memory_space<vmem>>, %arg7: memref<256x1xf32, #tpu.memory_space<vmem>>) attributes {dimension_semantics = [#tpu.dimension_semantics<arbitrary>], iteration_bounds = array<i64: 40>, scalar_prefetch = 0 : i64, scratch_operands = 0 : i64, tpu.core_type = #tpu.core_type<tc>, window_params = [{transform_indices = @transform_0, window_bounds = array<i64: 256, 256>}, {pipeline_mode = #tpu.pipeline_mode<synchronous>, transform_indices = @transform_1, window_bounds = array<i64: 256, 256>}, {transform_indices = @transform_2, window_bounds = array<i64: 256, 1>}, {transform_indices = @transform_3, window_bounds = array<i64: 256, 1>}, {transform_indices = @transform_4, window_bounds = array<i64: 256, 128>}, {transform_indices = @transform_5, window_bounds = array<i64: 256, 128>}, {transform_indices = @transform_6, window_bounds = array<i64: 256, 1>}]} {
    %get3A = arith.constant 0 : index
    %get3A_0 = arith.constant 0 : index
    %get3A_1 = vector.load %arg3[%get3A, %get3A_0] : memref<256x1xf32, #tpu.memory_space<vmem>>, vector<256x1xf32>
    %get3A_2 = arith.constant 0 : index
    %get3A_3 = arith.constant 0 : index
    %get3A_4 = vector.load %arg4[%get3A_2, %get3A_3] : memref<256x1xf32, #tpu.memory_space<vmem>>, vector<256x1xf32>
    %add3A = arith.addf %get3A_1, %get3A_4 : vector<256x1xf32>
    %add3A_5 = arith.constant 1.000000e+00 : f32
    %add3A_6 = vector.broadcast %add3A_5 : f32 to vector<256x1xf32>
    %add3A_7 = arith.addf %add3A, %add3A_6 : vector<256x1xf32>
    %mul3A = arith.constant 256 : i32
    %mul3A_8 = arith.muli %arg0, %mul3A : i32
    %iota3A = tpu.iota {dimensions = array<i32: 0>} : vector<256x1xi32>
    %add3A_9 = vector.broadcast %mul3A_8 : i32 to vector<256x1xi32>
    %add3A_10 = arith.addi %add3A_9, %iota3A : vector<256x1xi32>
    %lt3A = arith.constant 10000 : i32
    %lt3A_11 = vector.broadcast %lt3A : i32 to vector<256x1xi32>
    %lt3A_12 = arith.cmpi slt, %add3A_10, %lt3A_11 : vector<256x1xi32>
    %rsqrt3A = math.rsqrt %add3A_7 : vector<256x1xf32>
    %jit3A = arith.constant 0.000000e+00 : f32
    %broadcast_in_dim3A = vector.broadcast %jit3A : f32 to vector<256x1xf32>
    %select_n3A = arith.select %lt3A_12, %rsqrt3A, %broadcast_in_dim3A : vector<256x1xi1>, vector<256x1xf32>
    %swap3A = arith.constant 0 : index
    %swap3A_13 = arith.constant 0 : index
    %swap3A_14 = vector.load %arg7[%swap3A, %swap3A_13] : memref<256x1xf32, #tpu.memory_space<vmem>>, vector<256x1xf32>
    tpu.vector_store %arg7[%swap3A, %swap3A_13], %select_n3A {strides = array<i32>} : memref<256x1xf32, #tpu.memory_space<vmem>>, vector<256x1xf32>,
    %get3A_15 = arith.constant 0 : index
    %get3A_16 = arith.constant 0 : index
    %get3A_17 = vector.load %arg1[%get3A_15, %get3A_16] : memref<256x256xf32, #tpu.memory_space<vmem>>, vector<256x256xf32>
    %get3A_18 = arith.constant 0 : index
    %get3A_19 = arith.constant 0 : index
    %get3A_20 = vector.load %arg2[%get3A_18, %get3A_19] : memref<256x256xf32, #tpu.memory_space<vmem>>, vector<256x256xf32>
    %dot_general3A = arith.constant dense<0.000000e+00> : vector<256x256xf32>
    %dot_general3A_21 = tpu.matmul %get3A_17, %get3A_20, %dot_general3A {dimension_numbers = #tpu.dot_dimension_numbers<[1], [0], [0], [1], [0, 0, 1, 1], [], []>, transpose_lhs_hint = false} : vector<256x256xf32>, vector<256x256xf32>, vector<256x256xf32> -> vector<256x256xf32>
    %mul3A_22 = vector.broadcast %select_n3A : vector<256x1xf32> to vector<256x256xf32>
    %mul3A_23 = arith.mulf %dot_general3A_21, %mul3A_22 : vector<256x256xf32>
    %slice3A = vector.extract_strided_slice %mul3A_23 {offsets = [0, 0], sizes = [256, 128], strides = [1, 1]} : vector<256x256xf32> to vector<256x128xf32>
    %swap3A_24 = arith.constant 0 : index
    %swap3A_25 = arith.constant 0 : index
    %swap3A_26 = vector.load %arg5[%swap3A_24, %swap3A_25] : memref<256x128xf32, #tpu.memory_space<vmem>>, vector<256x128xf32>
    tpu.vector_store %arg5[%swap3A_24, %swap3A_25], %slice3A {strides = array<i32>} : memref<256x128xf32, #tpu.memory_space<vmem>>, vector<256x128xf32>,
    %slice3A_27 = vector.extract_strided_slice %mul3A_23 {offsets = [0, 128], sizes = [256, 128], strides = [1, 1]} : vector<256x256xf32> to vector<256x128xf32>
    %swap3A_28 = arith.constant 0 : index
    %swap3A_29 = arith.constant 0 : index
    %swap3A_30 = vector.load %arg6[%swap3A_28, %swap3A_29] : memref<256x128xf32, #tpu.memory_space<vmem>>, vector<256x128xf32>
    tpu.vector_store %arg6[%swap3A_28, %swap3A_29], %slice3A_27 {strides = array<i32>} : memref<256x128xf32, #tpu.memory_space<vmem>>, vector<256x128xf32>,
    return
  }
  func.func @transform_0(%arg0: i32) -> (i32, i32) {
    %c0_i32 = arith.constant 0 : i32
    %c0_i32_0 = arith.constant 0 : i32
    return %arg0, %c0_i32 : i32, i32
  }
  func.func @transform_1(%arg0: i32) -> (i32, i32) {
    %c0_i32 = arith.constant 0 : i32
    %c0_i32_0 = arith.constant 0 : i32
    %c0_i32_1 = arith.constant 0 : i32
    return %c0_i32, %c0_i32_0 : i32, i32
  }
  func.func @transform_2(%arg0: i32) -> (i32, i32) {
    %c0_i32 = arith.constant 0 : i32
    %c0_i32_0 = arith.constant 0 : i32
    return %arg0, %c0_i32 : i32, i32
  }
  func.func @transform_3(%arg0: i32) -> (i32, i32) {
    %c0_i32 = arith.constant 0 : i32
    %c0_i32_0 = arith.constant 0 : i32
    return %arg0, %c0_i32 : i32, i32
  }
  func.func @transform_4(%arg0: i32) -> (i32, i32) {
    %c0_i32 = arith.constant 0 : i32
    %c0_i32_0 = arith.constant 0 : i32
    return %arg0, %c0_i32 : i32, i32
  }
  func.func @transform_5(%arg0: i32) -> (i32, i32) {
    %c0_i32 = arith.constant 0 : i32
    %c0_i32_0 = arith.constant 0 : i32
    return %arg0, %c0_i32 : i32, i32
  }
  func.func @transform_6(%arg0: i32) -> (i32, i32) {
    %c0_i32 = arith.constant 0 : i32
    %c0_i32_0 = arith.constant 0 : i32
    return %arg0, %c0_i32 : i32, i32
  }
}

module attributes {stable_mosaic.version = 14 : i64} {
  func.func @_mm2_body(%arg0: i32, %arg1: memref<256x128xf32, #tpu.memory_space<vmem>>, %arg2: memref<256x128xf32, #tpu.memory_space<vmem>>, %arg3: memref<256x128xf32, #tpu.memory_space<vmem>>, %arg4: memref<256x128xf32, #tpu.memory_space<vmem>>, %arg5: memref<256x1xf32, #tpu.memory_space<vmem>>, %arg6: memref<1x256xf32, #tpu.memory_space<vmem>>, %arg7: memref<256x256xf32, #tpu.memory_space<vmem>>, %arg8: memref<256x128xf32, #tpu.memory_space<vmem>>, %arg9: memref<256x128xf32, #tpu.memory_space<vmem>>) attributes {dimension_semantics = [#tpu.dimension_semantics<arbitrary>], iteration_bounds = array<i64: 40>, scalar_prefetch = 0 : i64, scratch_operands = 0 : i64, tpu.core_type = #tpu.core_type<tc>, window_params = [{transform_indices = @transform_0, window_bounds = array<i64: 256, 128>}, {transform_indices = @transform_1, window_bounds = array<i64: 256, 128>}, {transform_indices = @transform_2, window_bounds = array<i64: 256, 128>}, {transform_indices = @transform_3, window_bounds = array<i64: 256, 128>}, {transform_indices = @transform_4, window_bounds = array<i64: 256, 1>}, {pipeline_mode = #tpu.pipeline_mode<synchronous>, transform_indices = @transform_5, window_bounds = array<i64: 1, 256>}, {pipeline_mode = #tpu.pipeline_mode<synchronous>, transform_indices = @transform_6, window_bounds = array<i64: 256, 256>}, {transform_indices = @transform_7, window_bounds = array<i64: 256, 128>}, {transform_indices = @transform_8, window_bounds = array<i64: 256, 128>}]} {
    %get3A = arith.constant 0 : index
    %get3A_0 = arith.constant 0 : index
    %get3A_1 = vector.load %arg5[%get3A, %get3A_0] : memref<256x1xf32, #tpu.memory_space<vmem>>, vector<256x1xf32>
    %get3A_2 = arith.constant 0 : index
    %get3A_3 = arith.constant 0 : index
    %get3A_4 = vector.load %arg1[%get3A_2, %get3A_3] : memref<256x128xf32, #tpu.memory_space<vmem>>, vector<256x128xf32>
    %get3A_5 = arith.constant 0 : index
    %get3A_6 = arith.constant 0 : index
    %get3A_7 = vector.load %arg3[%get3A_5, %get3A_6] : memref<256x128xf32, #tpu.memory_space<vmem>>, vector<256x128xf32>
    %add3A = arith.addf %get3A_4, %get3A_7 : vector<256x128xf32>
    %get3A_8 = arith.constant 0 : index
    %get3A_9 = arith.constant 0 : index
    %get3A_10 = vector.load %arg2[%get3A_8, %get3A_9] : memref<256x128xf32, #tpu.memory_space<vmem>>, vector<256x128xf32>
    %get3A_11 = arith.constant 0 : index
    %get3A_12 = arith.constant 0 : index
    %get3A_13 = vector.load %arg4[%get3A_11, %get3A_12] : memref<256x128xf32, #tpu.memory_space<vmem>>, vector<256x128xf32>
    %add3A_14 = arith.addf %get3A_10, %get3A_13 : vector<256x128xf32>
    %concatenate3A = tpu.concatenate %add3A, %add3A_14 in 1 : vector<256x128xf32>, vector<256x128xf32> -> vector<256x256xf32>
    %mul3A = vector.broadcast %get3A_1 : vector<256x1xf32> to vector<256x256xf32>
    %mul3A_15 = arith.mulf %concatenate3A, %mul3A : vector<256x256xf32>
    %get3A_16 = arith.constant 0 : index
    %get3A_17 = arith.constant 0 : index
    %get3A_18 = vector.load %arg6[%get3A_16, %get3A_17] : memref<1x256xf32, #tpu.memory_space<vmem>>, vector<1x256xf32>
    %add3A_19 = vector.broadcast %get3A_18 : vector<1x256xf32> to vector<256x256xf32>
    %add3A_20 = arith.addf %mul3A_15, %add3A_19 : vector<256x256xf32>
    %max3A = arith.constant 0.000000e+00 : f32
    %max3A_21 = vector.broadcast %max3A : f32 to vector<256x256xf32>
    %max3A_22 = arith.maximumf %add3A_20, %max3A_21 : vector<256x256xf32>
    %get3A_23 = arith.constant 0 : index
    %get3A_24 = arith.constant 0 : index
    %get3A_25 = vector.load %arg7[%get3A_23, %get3A_24] : memref<256x256xf32, #tpu.memory_space<vmem>>, vector<256x256xf32>
    %dot_general3A = arith.constant dense<0.000000e+00> : vector<256x256xf32>
    %dot_general3A_26 = tpu.matmul %max3A_22, %get3A_25, %dot_general3A {dimension_numbers = #tpu.dot_dimension_numbers<[1], [0], [0], [1], [0, 0, 1, 1], [], []>, transpose_lhs_hint = false} : vector<256x256xf32>, vector<256x256xf32>, vector<256x256xf32> -> vector<256x256xf32>
    %mul3A_27 = vector.broadcast %get3A_1 : vector<256x1xf32> to vector<256x256xf32>
    %mul3A_28 = arith.mulf %dot_general3A_26, %mul3A_27 : vector<256x256xf32>
    %slice3A = vector.extract_strided_slice %mul3A_28 {offsets = [0, 0], sizes = [256, 128], strides = [1, 1]} : vector<256x256xf32> to vector<256x128xf32>
    %swap3A = arith.constant 0 : index
    %swap3A_29 = arith.constant 0 : index
    %swap3A_30 = vector.load %arg8[%swap3A, %swap3A_29] : memref<256x128xf32, #tpu.memory_space<vmem>>, vector<256x128xf32>
    tpu.vector_store %arg8[%swap3A, %swap3A_29], %slice3A {strides = array<i32>} : memref<256x128xf32, #tpu.memory_space<vmem>>, vector<256x128xf32>,
    %slice3A_31 = vector.extract_strided_slice %mul3A_28 {offsets = [0, 128], sizes = [256, 128], strides = [1, 1]} : vector<256x256xf32> to vector<256x128xf32>
    %swap3A_32 = arith.constant 0 : index
    %swap3A_33 = arith.constant 0 : index
    %swap3A_34 = vector.load %arg9[%swap3A_32, %swap3A_33] : memref<256x128xf32, #tpu.memory_space<vmem>>, vector<256x128xf32>
    tpu.vector_store %arg9[%swap3A_32, %swap3A_33], %slice3A_31 {strides = array<i32>} : memref<256x128xf32, #tpu.memory_space<vmem>>, vector<256x128xf32>,
    return
  }
  func.func @transform_0(%arg0: i32) -> (i32, i32) {
    %c0_i32 = arith.constant 0 : i32
    %c0_i32_0 = arith.constant 0 : i32
    return %arg0, %c0_i32 : i32, i32
  }
  func.func @transform_1(%arg0: i32) -> (i32, i32) {
    %c0_i32 = arith.constant 0 : i32
    %c0_i32_0 = arith.constant 0 : i32
    return %arg0, %c0_i32 : i32, i32
  }
  func.func @transform_2(%arg0: i32) -> (i32, i32) {
    %c0_i32 = arith.constant 0 : i32
    %c0_i32_0 = arith.constant 0 : i32
    return %arg0, %c0_i32 : i32, i32
  }
  func.func @transform_3(%arg0: i32) -> (i32, i32) {
    %c0_i32 = arith.constant 0 : i32
    %c0_i32_0 = arith.constant 0 : i32
    return %arg0, %c0_i32 : i32, i32
  }
  func.func @transform_4(%arg0: i32) -> (i32, i32) {
    %c0_i32 = arith.constant 0 : i32
    %c0_i32_0 = arith.constant 0 : i32
    return %arg0, %c0_i32 : i32, i32
  }
  func.func @transform_5(%arg0: i32) -> (i32, i32) {
    %c0_i32 = arith.constant 0 : i32
    %c0_i32_0 = arith.constant 0 : i32
    %c0_i32_1 = arith.constant 0 : i32
    return %c0_i32, %c0_i32_0 : i32, i32
  }
  func.func @transform_6(%arg0: i32) -> (i32, i32) {
    %c0_i32 = arith.constant 0 : i32
    %c0_i32_0 = arith.constant 0 : i32
    %c0_i32_1 = arith.constant 0 : i32
    return %c0_i32, %c0_i32_0 : i32, i32
  }
  func.func @transform_7(%arg0: i32) -> (i32, i32) {
    %c0_i32 = arith.constant 0 : i32
    %c0_i32_0 = arith.constant 0 : i32
    return %arg0, %c0_i32 : i32, i32
  }
  func.func @transform_8(%arg0: i32) -> (i32, i32) {
    %c0_i32 = arith.constant 0 : i32
    %c0_i32_0 = arith.constant 0 : i32
    return %arg0, %c0_i32 : i32, i32
  }
}

module attributes {stable_mosaic.version = 14 : i64} {
  func.func @_mm3_body(%arg0: i32, %arg1: memref<256x128xf32, #tpu.memory_space<vmem>>, %arg2: memref<256x128xf32, #tpu.memory_space<vmem>>, %arg3: memref<256x128xf32, #tpu.memory_space<vmem>>, %arg4: memref<256x128xf32, #tpu.memory_space<vmem>>, %arg5: memref<256x1xf32, #tpu.memory_space<vmem>>, %arg6: memref<1x256xf32, #tpu.memory_space<vmem>>, %arg7: memref<256x128xf32, #tpu.memory_space<vmem>>, %arg8: memref<1x128xf32, #tpu.memory_space<vmem>>, %arg9: memref<1x128xf32, #tpu.memory_space<vmem>>, %arg10: memref<1x256xf32, #tpu.memory_space<vmem>>) attributes {dimension_semantics = [#tpu.dimension_semantics<arbitrary>], iteration_bounds = array<i64: 40>, scalar_prefetch = 0 : i64, scratch_operands = 1 : i64, tpu.core_type = #tpu.core_type<tc>, window_params = [{transform_indices = @transform_0, window_bounds = array<i64: 256, 128>}, {transform_indices = @transform_1, window_bounds = array<i64: 256, 128>}, {transform_indices = @transform_2, window_bounds = array<i64: 256, 128>}, {transform_indices = @transform_3, window_bounds = array<i64: 256, 128>}, {transform_indices = @transform_4, window_bounds = array<i64: 256, 1>}, {pipeline_mode = #tpu.pipeline_mode<synchronous>, transform_indices = @transform_5, window_bounds = array<i64: 1, 256>}, {pipeline_mode = #tpu.pipeline_mode<synchronous>, transform_indices = @transform_6, window_bounds = array<i64: 256, 128>}, {pipeline_mode = #tpu.pipeline_mode<synchronous>, transform_indices = @transform_7, window_bounds = array<i64: 1, 128>}, {pipeline_mode = #tpu.pipeline_mode<synchronous>, transform_indices = @transform_8, window_bounds = array<i64: 1, 128>}]} {
    %get3A = arith.constant 0 : index
    %get3A_0 = arith.constant 0 : index
    %get3A_1 = vector.load %arg5[%get3A, %get3A_0] : memref<256x1xf32, #tpu.memory_space<vmem>>, vector<256x1xf32>
    %get3A_2 = arith.constant 0 : index
    %get3A_3 = arith.constant 0 : index
    %get3A_4 = vector.load %arg1[%get3A_2, %get3A_3] : memref<256x128xf32, #tpu.memory_space<vmem>>, vector<256x128xf32>
    %get3A_5 = arith.constant 0 : index
    %get3A_6 = arith.constant 0 : index
    %get3A_7 = vector.load %arg3[%get3A_5, %get3A_6] : memref<256x128xf32, #tpu.memory_space<vmem>>, vector<256x128xf32>
    %add3A = arith.addf %get3A_4, %get3A_7 : vector<256x128xf32>
    %get3A_8 = arith.constant 0 : index
    %get3A_9 = arith.constant 0 : index
    %get3A_10 = vector.load %arg2[%get3A_8, %get3A_9] : memref<256x128xf32, #tpu.memory_space<vmem>>, vector<256x128xf32>
    %get3A_11 = arith.constant 0 : index
    %get3A_12 = arith.constant 0 : index
    %get3A_13 = vector.load %arg4[%get3A_11, %get3A_12] : memref<256x128xf32, #tpu.memory_space<vmem>>, vector<256x128xf32>
    %add3A_14 = arith.addf %get3A_10, %get3A_13 : vector<256x128xf32>
    %concatenate3A = tpu.concatenate %add3A, %add3A_14 in 1 : vector<256x128xf32>, vector<256x128xf32> -> vector<256x256xf32>
    %mul3A = vector.broadcast %get3A_1 : vector<256x1xf32> to vector<256x256xf32>
    %mul3A_15 = arith.mulf %concatenate3A, %mul3A : vector<256x256xf32>
    %get3A_16 = arith.constant 0 : index
    %get3A_17 = arith.constant 0 : index
    %get3A_18 = vector.load %arg6[%get3A_16, %get3A_17] : memref<1x256xf32, #tpu.memory_space<vmem>>, vector<1x256xf32>
    %add3A_19 = vector.broadcast %get3A_18 : vector<1x256xf32> to vector<256x256xf32>
    %add3A_20 = arith.addf %mul3A_15, %add3A_19 : vector<256x256xf32>
    %max3A = arith.constant 0.000000e+00 : f32
    %max3A_21 = vector.broadcast %max3A : f32 to vector<256x256xf32>
    %max3A_22 = arith.maximumf %add3A_20, %max3A_21 : vector<256x256xf32>
    %mul3A_23 = arith.constant 256 : i32
    %mul3A_24 = arith.muli %arg0, %mul3A_23 : i32
    %iota3A = tpu.iota {dimensions = array<i32: 0>} : vector<256x1xi32>
    %add3A_25 = vector.broadcast %mul3A_24 : i32 to vector<256x1xi32>
    %add3A_26 = arith.addi %add3A_25, %iota3A : vector<256x1xi32>
    %lt3A = arith.constant 10000 : i32
    %lt3A_27 = vector.broadcast %lt3A : i32 to vector<256x1xi32>
    %lt3A_28 = arith.cmpi slt, %add3A_26, %lt3A_27 : vector<256x1xi32>
    %jit3A = arith.constant 0.000000e+00 : f32
    %broadcast_in_dim3A = vector.shape_cast %lt3A_28 : vector<256x1xi1> to vector<256x1xi1>
    %broadcast_in_dim3A_29 = vector.broadcast %broadcast_in_dim3A : vector<256x1xi1> to vector<256x256xi1>
    %broadcast_in_dim3A_30 = vector.broadcast %jit3A : f32 to vector<256x256xf32>
    %select_n3A = arith.select %broadcast_in_dim3A_29, %max3A_22, %broadcast_in_dim3A_30 : vector<256x256xi1>, vector<256x256xf32>
    %reduce_sum3A = arith.constant dense<0.000000e+00> : vector<256xf32>
    %reduce_sum3A_31 = vector.multi_reduction <add>, %select_n3A, %reduce_sum3A [0] : vector<256x256xf32> to vector<256xf32>
    %broadcast_in_dim3A_32 = vector.shape_cast %reduce_sum3A_31 : vector<256xf32> to vector<1x256xf32>
    %eq3A = arith.constant 0 : i32
    %eq3A_33 = arith.cmpi eq, %arg0, %eq3A : i32
    %convert_element_type3A = arith.extui %eq3A_33 : i1 to i32
    %cond3A = arith.constant 0 : i32
    %cond3A_34 = arith.cmpi ne, %convert_element_type3A, %cond3A : i32
    scf.if %cond3A_34 {
      %swap3A = arith.constant 0 : index
      %swap3A_44 = arith.constant 0 : index
      %swap3A_45 = vector.load %arg10[%swap3A, %swap3A_44] : memref<1x256xf32, #tpu.memory_space<vmem>>, vector<1x256xf32>
      tpu.vector_store %arg10[%swap3A, %swap3A_44], %broadcast_in_dim3A_32 {strides = array<i32>} : memref<1x256xf32, #tpu.memory_space<vmem>>, vector<1x256xf32>,
    } else {
    }
    %gt3A = arith.constant 0 : i32
    %gt3A_35 = arith.cmpi sgt, %arg0, %gt3A : i32
    %convert_element_type3A_36 = arith.extui %gt3A_35 : i1 to i32
    %cond3A_37 = arith.constant 0 : i32
    %cond3A_38 = arith.cmpi ne, %convert_element_type3A_36, %cond3A_37 : i32
    scf.if %cond3A_38 {
      %get3A_44 = arith.constant 0 : index
      %get3A_45 = arith.constant 0 : index
      %get3A_46 = vector.load %arg10[%get3A_44, %get3A_45] : memref<1x256xf32, #tpu.memory_space<vmem>>, vector<1x256xf32>
      %add3A_47 = arith.addf %get3A_46, %broadcast_in_dim3A_32 : vector<1x256xf32>
      %swap3A = arith.constant 0 : index
      %swap3A_48 = arith.constant 0 : index
      %swap3A_49 = vector.load %arg10[%swap3A, %swap3A_48] : memref<1x256xf32, #tpu.memory_space<vmem>>, vector<1x256xf32>
      tpu.vector_store %arg10[%swap3A, %swap3A_48], %add3A_47 {strides = array<i32>} : memref<1x256xf32, #tpu.memory_space<vmem>>, vector<1x256xf32>,
    } else {
    }
    %eq3A_39 = arith.constant 39 : i32
    %eq3A_40 = arith.cmpi eq, %arg0, %eq3A_39 : i32
    %convert_element_type3A_41 = arith.extui %eq3A_40 : i1 to i32
    %cond3A_42 = arith.constant 0 : i32
    %cond3A_43 = arith.cmpi ne, %convert_element_type3A_41, %cond3A_42 : i32
    scf.if %cond3A_43 {
      %get3A_44 = arith.constant 0 : index
      %get3A_45 = arith.constant 0 : index
      %get3A_46 = vector.load %arg10[%get3A_44, %get3A_45] : memref<1x256xf32, #tpu.memory_space<vmem>>, vector<1x256xf32>
      %mul3A_47 = arith.constant 9.99999974E-5 : f32
      %mul3A_48 = vector.broadcast %mul3A_47 : f32 to vector<1x256xf32>
      %mul3A_49 = arith.mulf %get3A_46, %mul3A_48 : vector<1x256xf32>
      %get3A_50 = arith.constant 0 : index
      %get3A_51 = arith.constant 0 : index
      %get3A_52 = vector.load %arg7[%get3A_50, %get3A_51] : memref<256x128xf32, #tpu.memory_space<vmem>>, vector<256x128xf32>
      %dot_general3A = arith.constant dense<0.000000e+00> : vector<1x128xf32>
      %dot_general3A_53 = tpu.matmul %mul3A_49, %get3A_52, %dot_general3A {dimension_numbers = #tpu.dot_dimension_numbers<[1], [0], [0], [1], [0, 0, 1, 1], [], []>, transpose_lhs_hint = false} : vector<1x256xf32>, vector<256x128xf32>, vector<1x128xf32> -> vector<1x128xf32>
      %get3A_54 = arith.constant 0 : index
      %get3A_55 = arith.constant 0 : index
      %get3A_56 = vector.load %arg8[%get3A_54, %get3A_55] : memref<1x128xf32, #tpu.memory_space<vmem>>, vector<1x128xf32>
      %add3A_57 = arith.addf %dot_general3A_53, %get3A_56 : vector<1x128xf32>
      %swap3A = arith.constant 0 : index
      %swap3A_58 = arith.constant 0 : index
      %swap3A_59 = vector.load %arg9[%swap3A, %swap3A_58] : memref<1x128xf32, #tpu.memory_space<vmem>>, vector<1x128xf32>
      tpu.vector_store %arg9[%swap3A, %swap3A_58], %add3A_57 {strides = array<i32>} : memref<1x128xf32, #tpu.memory_space<vmem>>, vector<1x128xf32>,
    } else {
    }
    return
  }
  func.func @transform_0(%arg0: i32) -> (i32, i32) {
    %c0_i32 = arith.constant 0 : i32
    %c0_i32_0 = arith.constant 0 : i32
    return %arg0, %c0_i32 : i32, i32
  }
  func.func @transform_1(%arg0: i32) -> (i32, i32) {
    %c0_i32 = arith.constant 0 : i32
    %c0_i32_0 = arith.constant 0 : i32
    return %arg0, %c0_i32 : i32, i32
  }
  func.func @transform_2(%arg0: i32) -> (i32, i32) {
    %c0_i32 = arith.constant 0 : i32
    %c0_i32_0 = arith.constant 0 : i32
    return %arg0, %c0_i32 : i32, i32
  }
  func.func @transform_3(%arg0: i32) -> (i32, i32) {
    %c0_i32 = arith.constant 0 : i32
    %c0_i32_0 = arith.constant 0 : i32
    return %arg0, %c0_i32 : i32, i32
  }
  func.func @transform_4(%arg0: i32) -> (i32, i32) {
    %c0_i32 = arith.constant 0 : i32
    %c0_i32_0 = arith.constant 0 : i32
    return %arg0, %c0_i32 : i32, i32
  }
  func.func @transform_5(%arg0: i32) -> (i32, i32) {
    %c0_i32 = arith.constant 0 : i32
    %c0_i32_0 = arith.constant 0 : i32
    %c0_i32_1 = arith.constant 0 : i32
    return %c0_i32, %c0_i32_0 : i32, i32
  }
  func.func @transform_6(%arg0: i32) -> (i32, i32) {
    %c0_i32 = arith.constant 0 : i32
    %c0_i32_0 = arith.constant 0 : i32
    %c0_i32_1 = arith.constant 0 : i32
    return %c0_i32, %c0_i32_0 : i32, i32
  }
  func.func @transform_7(%arg0: i32) -> (i32, i32) {
    %c0_i32 = arith.constant 0 : i32
    %c0_i32_0 = arith.constant 0 : i32
    %c0_i32_1 = arith.constant 0 : i32
    return %c0_i32, %c0_i32_0 : i32, i32
  }
  func.func @transform_8(%arg0: i32) -> (i32, i32) {
    %c0_i32 = arith.constant 0 : i32
    %c0_i32_0 = arith.constant 0 : i32
    %c0_i32_1 = arith.constant 0 : i32
    return %c0_i32, %c0_i32_0 : i32, i32
  }
}

</mosaic_0001>

<sc_bundles>
// kernel: kernel.11.cloned.1.call-start
scs
__scs_entry_jumppad:
0x0: {  	(pc) =	sbr.rel $0x88, $3  }
0x1: {  	(tag) =	ssettag $0x0;
	lr =	simm.s32 $0x1  }
0x2: {  	[smem:$0x3F99] =	sst lr;
	_ =	strace $0xD0000000  }
0x3: {  	_ = 	snop  }
0x4: {  	_ = 	snop  }
0x5: {  	_ = 	snop  }
0x6: {  	_ = 	snop  }
0x7: {  	_ = 	snop  }
__scs_overlays_trampoline_lowered:
0x8: {  	[smem:$0x3FA8] =	sst s0  }
0x9: {  	[smem:$0x3FA9] =	sst s1  }
0xa: {  	[smem:$0x3FAA] =	sst s2  }
0xb: {  	[smem:$0x3FAB] =	sst s3  }
0xc: {  	[smem:$0x3FAC] =	sst s4  }
0xd: {  	[smem:$0x3FAD] =	sst s5  }
0xe: {  	[smem:$0x3FAE] =	sst s6  }
0xf: {  	[smem:$0x3FAF] =	sst s7  }
0x10: {  	[smem:$0x3FB0] =	sst s8  }
0x11: {  	[smem:$0x3FB1] =	sst s9;
	s0 =	simm.s32 @!p0 $0x0  }
0x12: {  	s1 =	sld [smem:$0x3F97];
	s0 =	simm.s32 @p0 $0x1  }
0x13: {  	[smem:$0x3FB2] =	sst s0;
	s0 =	simm.s32 @!p1 $0x0  }
0x14: {  	s2 =	sld [smem:$0x3F96];
	s0 =	simm.s32 @p1 $0x1  }
0x15: {  	[smem:$0x3FB3] =	sst s0;
	s0 =	simm.s32 @!p2 $0x0  }
0x16: {  	s3 =	sld [smem:$0x3FDB];
	s0 =	simm.s32 @p2 $0x1  }
0x17: {  	s4 =	simm.s32 $0x1BF5;
	[smem:$0x3FB5] =	sst s0  }
0x18: {  	s0 =	sld [smem:$0x3F98];
	_ =	swait.ge [sflag:s4], $0x0  }
0x19: {  	s7 =	sld [smem:$0x3F99]  }
0x1a: {  	s8 =	sadd.s32 $0xFFFFE003, lr  }
0x1b: {  	s9 =	sadd.s32 $0xFFFFFEF7, lr;
	s5 =	simm.s32 $0xFFFFFFFF;
	p2 =	slt.u32 s8, $0xFFFFF086  }
0x1c: {  	p1 =	slt.u32 s9, $0xF7A;
	s5 =	simm.s32 @!p2 $0x0  }
0x1d: {  	s5 =	simm.s32 @p1 $0x1;
	p0 =	seq.s32 s7, s2  }
0x1e: {  	s7 =	smul.u32 @!p0 $0xF7A, s2;
	p2 =	seq.s32 @!p0 s5, $0x0  }
0x1f: {  	s9 =	smul.u32 $0xF7A, s1;
	s8 =	simm.s32 @!p0 $0x1BF5;
	p2 =	por !p2, p0  }
0x20: {  	[sflag:s8] =	ssyncset.s32 @!p0 $0xFFFFF086;
	s6 =	sadd.s32 @!p0 s3, s7;
	s7 =	simm.s32 @!p0 $0x108  }
0x21: {  	s3 =	sadd.s32 s3, s9;
	s6 =	sadd.s32 @!p0 $0x88, s6;
	s7 =	simm.s32 @p2 $0x1082  }
0x22: {  	[simem:s7], [sflag:s8] =	dma.local @!p0 [hbm:s6], $0xF7A  }
0x23: {  	s9 =	sor.u32 $0xD0000000, s2;
	s6 =	simm.s32 $0x108;
	_ =	swait.ge @!p0 [sflag:s8], $0x0  }
0x24: {  	s3 =	sadd.s32 $0x88, s3;
	s6 =	simm.s32 @!p1 $0x1082;
	[sflag:s4] =	ssyncset.s32 $0xFFFFF086  }
0x25: {  	[simem:s6], [sflag:s4] =	dma.local [hbm:s3], $0xF7A  }
0x26: {  	[smem:$0x3F99] =	sst s1;
	(tag) =	ssettag s2;
	_ =	strace s9  }
0x27: {  	s1 =	sld [smem:$0x3FA9]  }
0x28: {  	s2 =	sld [smem:$0x3FAA]  }
0x29: {  	s4 =	sld [smem:$0x3FAC]  }
0x2a: {  	p0 =	seq.s32 s5, $0x0;
	s5 =	sld [smem:$0x3FAD]  }
0x2b: {  	s6 =	sld [smem:$0x3FAE]  }
0x2c: {  	s7 =	sld [smem:$0x3FAF]  }
0x2d: {  	s3 =	simm.s32 $0x108;
	s8 =	sld [smem:$0x3FB0]  }
0x2e: {  	s3 =	simm.s32 @!p0 $0x1082;
	s9 =	sld [smem:$0x3FB1]  }
0x2f: {  	lr =	sadd.s32 s0, s3;
	s0 =	sld [smem:$0x3FA8]  }
0x30: {  	s3 =	sld [smem:$0x3FAB]  }
0x31: {  	[smem:$0x3FB4] =	sst s10  }
0x32: {  	s10 =	sld [smem:$0x3FB2];
	_ =	sdelay $0x3  }
0x33: {  	p0 =	seq.s32 s10, $0x1;
	s10 =	sld [smem:$0x3FB4];
	_ =	sdelay $0x3  }
0x34: {  	[smem:$0x3FB4] =	sst s10  }
0x35: {  	s10 =	sld [smem:$0x3FB3];
	_ =	sdelay $0x3  }
0x36: {  	p1 =	seq.s32 s10, $0x1;
	s10 =	sld [smem:$0x3FB4];
	_ =	sdelay $0x3  }
0x37: {  	[smem:$0x3FB4] =	sst s10  }
0x38: {  	s10 =	sld [smem:$0x3FB5]  }
0x39: {  	_ = 	snop;
	(pc) =	sbr.ind lr, $3  }
0x3a: {  	_ = 	snop  }
0x3b: {  	_ = 	snop  }
0x3c: {  	p2 =	seq.s32 s10, $0x1;
	s10 =	sld [smem:$0x3FB4]  }
0x3d: {  	_ =	shalt  }
0x3e: {  	_ =	shalt  }
0x3f: {  	_ =	shalt  }
0x40: {  	_ =	shalt  }
0x41: {  	_ =	shalt  }
0x42: {  	_ =	shalt  }
0x43: {  	_ =	shalt  }
0x44: {  	_ =	shalt  }
0x45: {  	_ =	shalt  }
0x46: {  	_ =	shalt  }
0x47: {  	_ =	shalt  }
0x48: {  	_ =	shalt  }
0x49: {  	_ =	shalt  }
0x4a: {  	_ =	shalt  }
0x4b: {  	_ =	shalt  }
0x4c: {  	_ =	shalt  }
0x4d: {  	_ =	shalt  }
0x4e: {  	_ =	shalt  }
0x4f: {  	_ =	shalt  }
0x50: {  	_ =	shalt  }
0x51: {  	_ =	shalt  }
0x52: {  	_ =	shalt  }
0x53: {  	_ =	shalt  }
0x54: {  	_ =	shalt  }
0x55: {  	_ =	shalt  }
0x56: {  	_ =	shalt  }
0x57: {  	_ =	shalt  }
0x58: {  	_ =	shalt  }
0x59: {  	_ =	shalt  }
0x5a: {  	_ =	shalt  }
0x5b: {  	_ =	shalt  }
0x5c: {  	_ =	shalt  }
0x5d: {  	_ =	shalt  }
0x5e: {  	_ =	shalt  }
0x5f: {  	_ =	shalt  }
0x60: {  	_ =	shalt  }
0x61: {  	_ =	shalt  }
0x62: {  	_ =	shalt  }
0x63: {  	_ =	shalt  }
0x64: {  	_ =	shalt  }
0x65: {  	_ =	shalt  }
0x66: {  	_ =	shalt  }
0x67: {  	_ =	shalt  }
0x68: {  	_ =	shalt  }
0x69: {  	_ =	shalt  }
0x6a: {  	_ =	shalt  }
0x6b: {  	_ =	shalt  }
0x6c: {  	_ =	shalt  }
0x6d: {  	_ =	shalt  }
0x6e: {  	_ =	shalt  }
0x6f: {  	_ =	shalt  }
0x70: {  	_ =	shalt  }
0x71: {  	_ =	shalt  }
0x72: {  	_ =	shalt  }
0x73: {  	_ =	shalt  }
0x74: {  	_ =	shalt  }
0x75: {  	_ =	shalt  }
0x76: {  	_ =	shalt  }
0x77: {  	_ =	shalt  }
0x78: {  	_ =	shalt  }
0x79: {  	_ =	shalt  }
0x7a: {  	_ =	shalt  }
0x7b: {  	_ =	shalt  }
0x7c: {  	_ =	shalt  }
0x7d: {  	_ =	shalt  }
0x7e: {  	_ =	shalt  }
0x7f: {  	_ =	shalt  }
0x80: {  	_ =	shalt  }
0x81: {  	_ =	shalt  }
0x82: {  	_ =	shalt  }
0x83: {  	_ =	shalt  }
0x84: {  	_ =	shalt  }
0x85: {  	_ =	shalt  }
0x86: {  	_ =	shalt  }
0x87: {  	_ =	shalt  }
.Lfunc_end0:
.L_simem_size_0:
called_computation.1_lowered:
.L_overlay_start_0:
0x88: {  	s2 =	sld [smem:$0x3FD9]  }
0x89: {  	s3 =	sld [smem:$0x3FFE];
	_ =	sdelay $0x1  }
0x8a: {  	s1 =	srdreg.scid  }
0x8b: {  	s0 =	sand.u32 $0x1, s1  }
0x8c: {  	s16 =	sshll.u32 s0, $0xA;
	s2 =	sadd.s32 s3, s2  }
0x8d: {  	s2 =	sadd.s32 s2, s16  }
0x8e: {  	[smem:$0x3FC0] =	sst s2  }
0x8f: {  	_ = 	snop  }
0x90: {  	(tm) =	ssettm $0x1  }
0x91: {  	s17 =	sld [smem:$0x3FFB];
	_ =	sdelay $0x3  }
0x92: {  	_ =	strace s17  }
0x93: {  	s2 =	sld [smem:$0x3FFC];
	_ =	sdelay $0x3  }
0x94: {  	_ =	strace s2  }
0x95: {  	s2 =	sld [smem:$0x3FFD];
	_ =	sdelay $0x3  }
0x96: {  	_ =	strace s2  }
0x97: {  	_ =	strace $0x8FFFFFFF  }
0x98: {  	s18 =	sld [smem:$0x3FDB];
	_ =	sdelay $0x1  }
0x99: {  	s19 =	simm.s32 $_scs_section_size  }
0x9a: {  	s4 =	simm.s32 $_size__tile_overlayer_lowered;
	s5 =	simm.s32 $_tile_overlayer_lowered  }
0x9b: {  	s22 =	simm.s32 $0x1BFF;
	s21 =	sshll.u32 s5, $0x1;
	s2 =	sadd.s32 s19, s18  }
0x9c: {  	s6 =	simm.s32 $0x0;
	s20 =	sshll.u32 s4, $0x1;
	s4 =	sadd.s32 s21, s2  }
0x9d: {  	[timem:s6], [sflag:s22] =	dma.local [hbm:s4], s20  }
0x9e: {  	_ =	swait.ge [sflag:s22], s20  }
0x9f: {  	s3 =	ssub.s32 $0x0, s20;
	[sflag:s22] =	ssyncset.done $0x0  }
0xa0: {  	[sflag:s22] =	ssyncadd.s32 s3;
	_ =	sdelay $0x1  }
0xa1: {  	s23 =	simm.s32 $0x1B8B  }
0xa2: {  	_ =	swait.ge [sflag:s23], $0x1  }
0xa3: {  	[sflag:s23] =	ssyncset.done $0x0  }
0xa4: {  	s25 =	simm.s32 $0x1B8E;
	s24 =	sld [smem:$0x3FFE];
	[sflag:s23] =	ssyncadd.s32 $0xFFFFFFFF  }
0xa5: {  	s26 =	simm.s32 $execute0_lowered;
	[smem:$0x3FD2] =	sst s25  }
0xa6: {  	s4 =	sshll.u32 s26, $0x1;
	_ =	strace $0x80000049;
	[dreg:$0x1] =	wrdreg $0xFFFFFFFF  }
0xa7: {  	s28 =	simm.s32 $_size_execute0_lowered;
	s2 =	sadd.s32 s2, s4;
	[dreg:$0x0] =	wrdreg $0x0  }
0xa8: {  	s4 =	sshll.u32 s28, $0x1;
	[dreg:$0x2] =	wrdreg s2  }
0xa9: {  	[dreg:$0x3] =	wrdreg s4  }
0xaa: {  	[dreg:$0x4] =	wrdreg $0xC0  }
0xab: {  	_ =	task [dreg:s6], $0x5FFFF  }
0xac: {  	[dreg:$0x1] =	wrdreg $0xFFFFFFFF  }
0xad: {  	[dreg:$0x0] =	wrdreg $0x60  }
0xae: {  	[dreg:$0x2] =	wrdreg s24  }
0xaf: {  	[dreg:$0x3] =	wrdreg $0x84000  }
0xb0: {  	[dreg:$0x4] =	wrdreg $0x9  }
0xb1: {  	_ =	task.clear_ibuf [dreg:s6], $0x5FFFF;
	_ =	strace $0x90000049  }
0xb2: {  	s29 =	simm.s32 $0x9;
	_ =	strace $0x8000004B  }
0xb3: {  	_ =	swait.ge [sflag:s29], $0x1  }
0xb4: {  	[sflag:s29] =	ssyncadd.s32 $0xFFFFFFFF  }
0xb5: {  	_ =	strace $0x9000004B  }
0xb6: {  	_ =	sfence  }
0xb7: {  	s30 =	sld [smem:$0x0];
	_ =	sdelay $0x2  }
0xb8: {  	s31 =	sshll.u32 s1, $0xD;
	s1 =	sshrl.u32 s1, $0x2  }
0xb9: {  	s3 =	sand.u32 $0x4000, s31;
	s1 =	sadd.s32 s1, s30  }
0xba: {  	s0 =	sor.u32 s3, s0;
	s1 =	sshll.u32 s1, $0x11  }
0xbb: {  	s0 =	sor.u32 s1, s0  }
0xbc: {  	s0 =	sadd.s32 $0x8F2B, s0  }
0xbd: {  	[sflag:s0] =	ssyncadd.remote.s32 $0x1  }
0xbe: {  	_ =	sfence.sel $0xFFFF  }
0xbf: {  	[dreg:$0x0] =	wrdreg $0xFFFFFFFF;
	(pc) =	sbr.abs _section_cstart, $3  }
0xc0: {  	[dreg:$0x1] =	wrdreg $0xFFFFFFFF  }
0xc1: {  	_ =	task.clear_ibuf [dreg:s6], $0x2FFFF;
	_ =	strace $0x9FFFFFFF  }
0xc2: {  	(tm) =	ssettm $0x7FFFFFFF  }
0xc3: {  	_ =	shalt  }
tec
execute0_lowered:
.L_overlay_start_1:
0x0: {  	(tag) =	ssettag $0x1  }
0x1: {  	s0 =	rddreg [dreg:$0x0]  }
0x2: {  	s1 =	rddreg [dreg:$0x1];
	s3 =	simm.s32 $0x0  }
0x3: {  	s15 =	stileid.u32;
	s7 =	srdreg.scid;
	s29 =	simm.s32 $0x5  }
0x4: {  	s30 =	simm.s32 $0x40;
	[smem:$0x7FF] =	sst s3;
	s2 =	sadd.s32 $0x3B400, s0  }
0x5: {  	s4 =	sadd.s32 $0x13400, s0;
	s8 =	smul.u32 $0x2800, s15;
	s5 =	sadd.s32 $0x63400, s0  }
0x6: {  	s6 =	sadd.s32 $0x9400, s0;
	s9 =	sand.u32 $0x1, s7;
	s12 =	smul.u32 $0x50000, s15  }
0x7: {  	s13 =	sadd.s32 $0xBD400, s0;
	s7 =	smul.u32 $0x5000, s15;
	s16 =	sshll.u32 s15, $0x6  }
0x8: {  	s15 =	simm.s32 $0x2;
	_ =	strace $0x8000004A;
	s11 =	ssub.s32 $0x2, s9  }
0x9: {  	s23 =	sor.u32 $0x1C0D, s16;
	p0 =	seq.s32 s9, $0x0;
	s9 =	simm.s32 $0xC  }
0xa: {  	s10 =	sadd.s32 s8, s0;
	s14 =	sshrl.u32 s11, $0x1;
	s0 =	sadd.s32 $0xE5400, s0  }
0xb: {  	s12 =	sshrl.u32 s12, $0x2;
	s17 =	sshrl.u32 s7, $0x3;
	s4 =	smov.u32 @p0 s2  }
0xc: {  	s2 =	simm.s32 $0x0;
	[dreg:$0x4] =	wrdreg s23;
	s11 =	ssub.s32 s11, s14  }
0xd: {  	s12 =	sadd.s32 s12, s1;
	s10 =	sadd.s32 $0x95400, s10;
	s18 =	sadd.s32 s5, s17  }
0xe: {  	s19 =	sadd.s32 s6, s17;
	s20 =	sor.u32 $0x10, s17;
	[dreg:$0x3] =	wrdreg s10  }
0xf: {  	s21 =	sor.u32 $0x20, s17;
	s25 =	sor.u32 $0x30, s17;
	[dreg:$0x5] =	wrdreg s18  }
0x10: {  	s0 =	smov.u32 @p0 s13;
	[dreg:$0x6] =	wrdreg s19;
	s16 =	sadd.s32 s5, s20  }
0x11: {  	s13 =	simm.s32 $0x1;
	s10 =	sadd.s32 s6, s20;
	[dreg:$0x7] =	wrdreg s16  }
0x12: {  	s14 =	simm.s32 $0x9;
	s22 =	sadd.s32 s5, s21;
	[dreg:$0x8] =	wrdreg s10  }
0x13: {  	s17 =	simm.s32 $0x3;
	s24 =	sadd.s32 s6, s21;
	[dreg:$0x9] =	wrdreg s22  }
0x14: {  	s26 =	sadd.s32 s5, s25;
	s28 =	sadd.s32 s6, s25;
	[dreg:$0xa] =	wrdreg s24  }
0x15: {  	s31 =	smax.u32 s11, $0x1;
	s0 =	sadd.s32 s0, s8;
	[dreg:$0xb] =	wrdreg s26  }
0x16: {  	s21 =	simm.s32 $0xD;
	s8 =	simm.s32 $0x7;
	[dreg:$0xc] =	wrdreg s28  }
0x17: {  	s11 =	simm.s32 $0x8;
	s18 =	simm.s32 $0xB;
	[dreg:$0xd] =	wrdreg s31  }
0x18: {  	s19 =	simm.s32 $0x4;
	s20 =	simm.s32 $0x380;
	[dreg:$0xe] =	wrdreg s0  }
0x19: {  	s24 =	sshrl.u32 s12, $0x3;
	s0 =	simm.s32 $0x6;
	s10 =	simm.s32 $0x4400  }
0x1a: {  	s12 =	simm.s32 $0x6400;
	s16 =	simm.s32 $0xA;
	[dreg:$0xf] =	wrdreg s24  }
.LBB2_1:
0x1b: {  	[dreg:$0x10] =	wrdreg s2  }
0x1c: {  	s22 =	rddreg [dreg:$0x3]  }
0x1d: {  	[spmem:s24], [sflag:s23] =	dma.local [hbm:s22], $0x2800  }
0x1e: {  	_ =	swait.ge [sflag:s21], $0x2800  }
0x1f: {  	[sflag:s21] =	ssyncset.done $0x0  }
0x20: {  	[sflag:s21] =	ssyncadd.s32 $0xFFFFD800  }
0x21: {  	[bflag:$0x0] =	sbarrier.arrive $0xFFFF  }
0x22: {  	s2 =	rddreg [dreg:$0x5]  }
0x23: {  	[tilespmem:s3], [sflag:$0x5] =	stream.linear.gather [hbm4b:s2+s3], $0x80, $0x38;
	[tilespmem:$0x1C400] =	vst v63  }
0x24: {  	s25 =	simm.s32 $0x200;
	s23 =	rddreg [dreg:$0x6]  }
0x25: {  	[tilespmem:s25], [sflag:$0x9] =	stream.linear.gather [hbm4b:s23+s3], $0x80, $0x38;
	[tilespmem:$0x1C400] =	vst v63  }
0x26: {  	s26 =	simm.s32 $0x80;
	s24 =	rddreg [dreg:$0x7]  }
0x27: {  	[tilespmem:s26], [sflag:$0x6] =	stream.linear.gather [hbm4b:s24+s3], $0x80, $0x38;
	[tilespmem:$0x1C400] =	vst v63  }
0x28: {  	s28 =	simm.s32 $0x280;
	s31 =	rddreg [dreg:$0x8]  }
0x29: {  	[tilespmem:s28], [sflag:$0xA] =	stream.linear.gather [hbm4b:s31+s3], $0x80, $0x38;
	[tilespmem:$0x1C400] =	vst v63  }
0x2a: {  	s2 =	rddreg [dreg:$0x9];
	s31 =	simm.s32 $0x100  }
0x2b: {  	[tilespmem:s31], [sflag:$0x7] =	stream.linear.gather [hbm4b:s2+s3], $0x80, $0x38;
	[tilespmem:$0x1C400] =	vst v63  }
0x2c: {  	s23 =	rddreg [dreg:$0xa];
	s24 =	simm.s32 $0x300  }
0x2d: {  	[tilespmem:s24], [sflag:$0xB] =	stream.linear.gather [hbm4b:s23+s3], $0x80, $0x38;
	[tilespmem:$0x1C400] =	vst v63  }
0x2e: {  	s2 =	rddreg [dreg:$0xb];
	s23 =	simm.s32 $0x180  }
0x2f: {  	[tilespmem:s23], [sflag:$0x8] =	stream.linear.gather [hbm4b:s2+s3], $0x80, $0x38;
	[tilespmem:$0x1C400] =	vst v63  }
0x30: {  	s24 =	rddreg [dreg:$0xc]  }
0x31: {  	[tilespmem:s20], [sflag:$0xC] =	stream.linear.gather [hbm4b:s24+s3], $0x80, $0x38;
	[tilespmem:$0x1C400] =	vst v63  }
0x32: {  	_ =	swait.ge [sflag:s29], $0x80  }
0x33: {  	[sflag:s29] =	ssyncset.done $0x0  }
0x34: {  	s24 =	simm.s32 $0x400;
	[sflag:s29] =	ssyncadd.s32 $0xFFFFFF80  }
0x35: {  	[tilespmem:s24], [sflag:$0x1] =	stream.indirect.gather [hbm4b:s4+s30], $0x80, s3, s30, $0xb8;
	[tilespmem:$0x1C400] =	vst v63  }
0x36: {  	_ =	swait.ge [sflag:s0], $0x80  }
0x37: {  	[sflag:s0] =	ssyncset.done $0x0  }
0x38: {  	s2 =	simm.s32 $0x2400;
	[sflag:s0] =	ssyncadd.s32 $0xFFFFFF80  }
0x39: {  	[tilespmem:s2], [sflag:$0x2] =	stream.indirect.gather [hbm4b:s4+s30], $0x80, s26, s30, $0xb8;
	[tilespmem:$0x1C400] =	vst v63  }
0x3a: {  	_ =	swait.ge [sflag:s8], $0x80  }
0x3b: {  	[sflag:s8] =	ssyncset.done $0x0  }
0x3c: {  	[sflag:s8] =	ssyncadd.s32 $0xFFFFFF80  }
0x3d: {  	[tilespmem:s10], [sflag:$0x3] =	stream.indirect.gather [hbm4b:s4+s30], $0x80, s31, s30, $0xb8;
	[tilespmem:$0x1C400] =	vst v63  }
0x3e: {  	_ =	swait.ge [sflag:s11], $0x80  }
0x3f: {  	p0 =	por $0x0, $0x0;
	s22 =	simm.s32 $0x200;
	[sflag:s11] =	ssyncset.done $0x0  }
0x40: {  	s22 =	simm.s32 @p0 $0x0;
	s23 =	simm.s32 $0x180;
	[sflag:s11] =	ssyncadd.s32 $0xFFFFFF80  }
0x41: {  	[tilespmem:s12], [sflag:$0x4] =	stream.indirect.gather [hbm4b:s4+s30], $0x80, s23, s30, $0xb8;
	[tilespmem:$0x1C400] =	vst v63  }
0x42: {  	s23 =	sand.u32 $0xFC00, s22  }
0x43: {  	s22 =	sand.u32 $0x200, s22;
	s23 =	sadd.s32 s7, s23  }
0x44: {  	_ =	swait.ge [sflag:s13], $0x2000;
	s22 =	sor.u32 s22, s23  }
0x45: {  	[sflag:s13] =	ssyncset.done $0x0;
	s22 =	sshrl.u32 s22, $0x3  }
0x46: {  	[sflag:s13] =	ssyncadd.s32 $0xFFFFE000;
	s23 =	sadd.s32 s5, s22  }
0x47: {  	[tilespmem:s3], [sflag:$0x5] =	stream.linear.gather [hbm4b:s23+s3], $0x80, $0x38;
	[tilespmem:$0x1C400] =	vst v63  }
0x48: {  	_ =	swait.ge [sflag:s14], $0x80  }
0x49: {  	[sflag:s14] =	ssyncset.done $0x0  }
0x4a: {  	[sflag:s14] =	ssyncadd.s32 $0xFFFFFF80  }
0x4b: {  	[spmem:s1] =	stream.indirect.scatter.add.f32 [tilespmem:s24], [sflag:$0xD], $0x80, s25, s30, $0xb8;
	[tilespmem:$0x1C400] =	vst v63  }
0x4c: {  	_ =	swait.ge [sflag:s21], $0x2000  }
0x4d: {  	[sflag:s21] =	ssyncset.done $0x0  }
0x4e: {  	s22 =	sadd.s32 s6, s22;
	s23 =	simm.s32 $0x280;
	[sflag:s21] =	ssyncadd.s32 $0xFFFFE000  }
0x4f: {  	[tilespmem:s25], [sflag:$0x9] =	stream.linear.gather [hbm4b:s22+s3], $0x80, $0x38;
	[tilespmem:$0x1C400] =	vst v63  }
0x50: {  	s23 =	simm.s32 @p0 $0x80;
	_ =	swait.ge [sflag:s29], $0x80  }
0x51: {  	s25 =	sand.u32 $0xFC00, s23;
	[sflag:s29] =	ssyncset.done $0x0  }
0x52: {  	s23 =	sand.u32 $0x280, s23;
	s22 =	sadd.s32 s7, s25;
	[sflag:s29] =	ssyncadd.s32 $0xFFFFFF80  }
0x53: {  	[tilespmem:s24], [sflag:$0x1] =	stream.indirect.gather [hbm4b:s4+s30], $0x80, s3, s30, $0xb8;
	[tilespmem:$0x1C400] =	vst v63  }
0x54: {  	s22 =	sor.u32 s23, s22;
	_ =	swait.ge [sflag:s15], $0x2000  }
0x55: {  	s22 =	sshrl.u32 s22, $0x3;
	[sflag:s15] =	ssyncset.done $0x0  }
0x56: {  	s24 =	sadd.s32 s5, s22;
	[sflag:s15] =	ssyncadd.s32 $0xFFFFE000  }
0x57: {  	[tilespmem:s26], [sflag:$0x6] =	stream.linear.gather [hbm4b:s24+s3], $0x80, $0x38;
	[tilespmem:$0x1C400] =	vst v63  }
0x58: {  	_ =	swait.ge [sflag:s16], $0x80  }
0x59: {  	[sflag:s16] =	ssyncset.done $0x0  }
0x5a: {  	[sflag:s16] =	ssyncadd.s32 $0xFFFFFF80  }
0x5b: {  	[spmem:s1] =	stream.indirect.scatter.add.f32 [tilespmem:s2], [sflag:$0xD], $0x80, s28, s30, $0xb8;
	[tilespmem:$0x1C400] =	vst v63  }
0x5c: {  	_ =	swait.ge [sflag:s21], $0x2000  }
0x5d: {  	[sflag:s21] =	ssyncset.done $0x0  }
0x5e: {  	s22 =	sadd.s32 s6, s22;
	[sflag:s21] =	ssyncadd.s32 $0xFFFFE000  }
0x5f: {  	[tilespmem:s28], [sflag:$0xA] =	stream.linear.gather [hbm4b:s22+s3], $0x80, $0x38;
	[tilespmem:$0x1C400] =	vst v63  }
0x60: {  	s22 =	simm.s32 $0x300  }
0x61: {  	_ =	swait.ge [sflag:s0], $0x80;
	s22 =	simm.s32 @p0 $0x100  }
0x62: {  	[sflag:s0] =	ssyncset.done $0x0;
	s25 =	sand.u32 $0xFC00, s22  }
0x63: {  	s22 =	sand.u32 $0x300, s22;
	[sflag:s0] =	ssyncadd.s32 $0xFFFFFF80;
	s23 =	sadd.s32 s7, s25  }
0x64: {  	[tilespmem:s2], [sflag:$0x2] =	stream.indirect.gather [hbm4b:s4+s30], $0x80, s26, s30, $0xb8;
	[tilespmem:$0x1C400] =	vst v63  }
0x65: {  	s22 =	sor.u32 s22, s23;
	_ =	swait.ge [sflag:s17], $0x2000  }
0x66: {  	s22 =	sshrl.u32 s22, $0x3;
	[sflag:s17] =	ssyncset.done $0x0  }
0x67: {  	s2 =	sadd.s32 s5, s22;
	[sflag:s17] =	ssyncadd.s32 $0xFFFFE000  }
0x68: {  	[tilespmem:s31], [sflag:$0x7] =	stream.linear.gather [hbm4b:s2+s3], $0x80, $0x38;
	[tilespmem:$0x1C400] =	vst v63  }
0x69: {  	_ =	swait.ge [sflag:s18], $0x80  }
0x6a: {  	[sflag:s18] =	ssyncset.done $0x0  }
0x6b: {  	s24 =	simm.s32 $0x300;
	[sflag:s18] =	ssyncadd.s32 $0xFFFFFF80  }
0x6c: {  	[spmem:s1] =	stream.indirect.scatter.add.f32 [tilespmem:s10], [sflag:$0xD], $0x80, s24, s30, $0xb8;
	[tilespmem:$0x1C400] =	vst v63  }
0x6d: {  	_ =	swait.ge [sflag:s21], $0x2000  }
0x6e: {  	[sflag:s21] =	ssyncset.done $0x0  }
0x6f: {  	s22 =	sadd.s32 s6, s22;
	[sflag:s21] =	ssyncadd.s32 $0xFFFFE000  }
0x70: {  	[tilespmem:s24], [sflag:$0xB] =	stream.linear.gather [hbm4b:s22+s3], $0x80, $0x38;
	[tilespmem:$0x1C400] =	vst v63  }
0x71: {  	s22 =	simm.s32 $0x380  }
0x72: {  	_ =	swait.ge [sflag:s8], $0x80;
	s22 =	simm.s32 @p0 $0x180  }
0x73: {  	[sflag:s8] =	ssyncset.done $0x0;
	s25 =	sand.u32 $0xFC00, s22  }
0x74: {  	s22 =	sand.u32 $0x380, s22;
	[sflag:s8] =	ssyncadd.s32 $0xFFFFFF80;
	s23 =	sadd.s32 s7, s25  }
0x75: {  	[tilespmem:s10], [sflag:$0x3] =	stream.indirect.gather [hbm4b:s4+s30], $0x80, s31, s30, $0xb8;
	[tilespmem:$0x1C400] =	vst v63  }
0x76: {  	s22 =	sor.u32 s22, s23;
	_ =	swait.ge [sflag:s19], $0x2000  }
0x77: {  	s26 =	sshrl.u32 s22, $0x3;
	[sflag:s19] =	ssyncset.done $0x0  }
0x78: {  	s31 =	simm.s32 $0x180;
	s22 =	sadd.s32 s5, s26;
	[sflag:s19] =	ssyncadd.s32 $0xFFFFE000  }
0x79: {  	[tilespmem:s31], [sflag:$0x8] =	stream.linear.gather [hbm4b:s22+s3], $0x80, $0x38;
	[tilespmem:$0x1C400] =	vst v63  }
0x7a: {  	_ =	swait.ge [sflag:s9], $0x80  }
0x7b: {  	[sflag:s9] =	ssyncset.done $0x0  }
0x7c: {  	p0 =	por $0x0, $0x0;
	s25 =	simm.s32 $0x400;
	[sflag:s9] =	ssyncadd.s32 $0xFFFFFF80  }
0x7d: {  	[spmem:s1] =	stream.indirect.scatter.add.f32 [tilespmem:s12], [sflag:$0xD], $0x80, s20, s30, $0xb8;
	[tilespmem:$0x1C400] =	vst v63  }
0x7e: {  	s23 =	simm.s32 $0x780;
	s25 =	simm.s32 @p0 $0x0;
	_ =	swait.ge [sflag:s21], $0x2000  }
0x7f: {  	s28 =	sadd.s32 s6, s26;
	s22 =	simm.s32 $0x580;
	[sflag:s21] =	ssyncset.done $0x0  }
.LBB2_2:
0x80: {  	s31 =	sand.u32 $0xFC00, s25  }
0x81: {  	[sflag:s21] =	ssyncadd.s32 $0xFFFFE000;
	s24 =	smov.u32 s23;
	s26 =	sadd.s32 $0x200, s23  }
0x82: {  	[tilespmem:s20], [sflag:$0xC] =	stream.linear.gather [hbm4b:s28+s3], $0x80, $0x38;
	[tilespmem:$0x1C400] =	vst v63  }
0x83: {  	s25 =	sand.u32 $0x200, s25;
	s28 =	sadd.s32 s7, s31;
	_ =	swait.ge [sflag:s11], $0x80  }
0x84: {  	p1 =	sne.s32 s23, $0x5180;
	s23 =	sor.u32 s25, s28;
	[sflag:s11] =	ssyncset.done $0x0  }
0x85: {  	s31 =	simm.s32 $0x180;
	[sflag:s11] =	ssyncadd.s32 $0xFFFFFF80  }
0x86: {  	[tilespmem:s12], [sflag:$0x4] =	stream.indirect.gather [hbm4b:s4+s30], $0x80, s31, s30, $0xb8;
	[tilespmem:$0x1C400] =	vst v63  }
0x87: {  	s23 =	sshrl.u32 s23, $0x3;
	_ =	swait.ge [sflag:s13], $0x2000  }
0x88: {  	s25 =	sadd.s32 s5, s23;
	[sflag:s13] =	ssyncset.done $0x0  }
0x89: {  	[sflag:s13] =	ssyncadd.s32 $0xFFFFE000  }
0x8a: {  	[tilespmem:s3], [sflag:$0x5] =	stream.linear.gather [hbm4b:s25+s3], $0x80, $0x38;
	[tilespmem:$0x1C400] =	vst v63  }
0x8b: {  	_ =	swait.ge [sflag:s14], $0x80  }
0x8c: {  	[sflag:s14] =	ssyncset.done $0x0  }
0x8d: {  	s2 =	simm.s32 $0x400;
	s28 =	simm.s32 $0x200;
	[sflag:s14] =	ssyncadd.s32 $0xFFFFFF80  }
0x8e: {  	[spmem:s1] =	stream.indirect.scatter.add.f32 [tilespmem:s2], [sflag:$0xD], $0x80, s28, s30, $0xb8;
	[tilespmem:$0x1C400] =	vst v63  }
0x8f: {  	_ =	swait.ge [sflag:s21], $0x2000  }
0x90: {  	s23 =	sadd.s32 s6, s23;
	[sflag:s21] =	ssyncset.done $0x0  }
0x91: {  	s25 =	sadd.s32 $0xFFFFFF00, s22;
	[sflag:s21] =	ssyncadd.s32 $0xFFFFE000  }
0x92: {  	[tilespmem:s28], [sflag:$0x9] =	stream.linear.gather [hbm4b:s23+s3], $0x80, $0x38;
	[tilespmem:$0x1C400] =	vst v63  }
0x93: {  	s25 =	simm.s32 @p0 $0x80;
	_ =	swait.ge [sflag:s29], $0x80  }
0x94: {  	s23 =	sand.u32 $0xFC00, s25;
	[sflag:s29] =	ssyncset.done $0x0  }
0x95: {  	s25 =	sand.u32 $0x280, s25;
	s23 =	sadd.s32 s7, s23;
	[sflag:s29] =	ssyncadd.s32 $0xFFFFFF80  }
0x96: {  	[tilespmem:s2], [sflag:$0x1] =	stream.indirect.gather [hbm4b:s4+s30], $0x80, s3, s30, $0xb8;
	[tilespmem:$0x1C400] =	vst v63  }
0x97: {  	s23 =	sor.u32 s25, s23;
	_ =	swait.ge [sflag:s15], $0x2000  }
0x98: {  	s23 =	sshrl.u32 s23, $0x3;
	[sflag:s15] =	ssyncset.done $0x0  }
0x99: {  	s28 =	simm.s32 $0x80;
	s25 =	sadd.s32 s5, s23;
	[sflag:s15] =	ssyncadd.s32 $0xFFFFE000  }
0x9a: {  	[tilespmem:s28], [sflag:$0x6] =	stream.linear.gather [hbm4b:s25+s3], $0x80, $0x38;
	[tilespmem:$0x1C400] =	vst v63  }
0x9b: {  	_ =	swait.ge [sflag:s16], $0x80  }
0x9c: {  	[sflag:s16] =	ssyncset.done $0x0  }
0x9d: {  	s2 =	simm.s32 $0x2400;
	s25 =	simm.s32 $0x280;
	[sflag:s16] =	ssyncadd.s32 $0xFFFFFF80  }
0x9e: {  	[spmem:s1] =	stream.indirect.scatter.add.f32 [tilespmem:s2], [sflag:$0xD], $0x80, s25, s30, $0xb8;
	[tilespmem:$0x1C400] =	vst v63  }
0x9f: {  	_ =	swait.ge [sflag:s21], $0x2000  }
0xa0: {  	[sflag:s21] =	ssyncset.done $0x0  }
0xa1: {  	s23 =	sadd.s32 s6, s23;
	[sflag:s21] =	ssyncadd.s32 $0xFFFFE000  }
0xa2: {  	[tilespmem:s25], [sflag:$0xA] =	stream.linear.gather [hbm4b:s23+s3], $0x80, $0x38;
	[tilespmem:$0x1C400] =	vst v63  }
0xa3: {  	s23 =	sadd.s32 $0xFFFFFF80, s22;
	_ =	swait.ge [sflag:s0], $0x80  }
0xa4: {  	s23 =	simm.s32 @p0 $0x100;
	[sflag:s0] =	ssyncset.done $0x0  }
0xa5: {  	s25 =	sand.u32 $0xFC00, s23;
	s23 =	sand.u32 $0x300, s23;
	[sflag:s0] =	ssyncadd.s32 $0xFFFFFF80  }
0xa6: {  	[tilespmem:s2], [sflag:$0x2] =	stream.indirect.gather [hbm4b:s4+s30], $0x80, s28, s30, $0xb8;
	[tilespmem:$0x1C400] =	vst v63  }
0xa7: {  	s25 =	sadd.s32 s7, s25;
	_ =	swait.ge [sflag:s17], $0x2000  }
0xa8: {  	s23 =	sor.u32 s23, s25;
	[sflag:s17] =	ssyncset.done $0x0  }
0xa9: {  	s23 =	sshrl.u32 s23, $0x3;
	[sflag:s17] =	ssyncadd.s32 $0xFFFFE000  }
0xaa: {  	s28 =	simm.s32 $0x100;
	s25 =	sadd.s32 s5, s23  }
0xab: {  	[tilespmem:s28], [sflag:$0x7] =	stream.linear.gather [hbm4b:s25+s3], $0x80, $0x38;
	[tilespmem:$0x1C400] =	vst v63  }
0xac: {  	_ =	swait.ge [sflag:s18], $0x80  }
0xad: {  	[sflag:s18] =	ssyncset.done $0x0  }
0xae: {  	s25 =	simm.s32 $0x300;
	[sflag:s18] =	ssyncadd.s32 $0xFFFFFF80  }
0xaf: {  	[spmem:s1] =	stream.indirect.scatter.add.f32 [tilespmem:s10], [sflag:$0xD], $0x80, s25, s30, $0xb8;
	[tilespmem:$0x1C400] =	vst v63  }
0xb0: {  	_ =	swait.ge [sflag:s21], $0x2000  }
0xb1: {  	s23 =	sadd.s32 s6, s23;
	[sflag:s21] =	ssyncset.done $0x0  }
0xb2: {  	[sflag:s21] =	ssyncadd.s32 $0xFFFFE000  }
0xb3: {  	[tilespmem:s25], [sflag:$0xB] =	stream.linear.gather [hbm4b:s23+s3], $0x80, $0x38;
	[tilespmem:$0x1C400] =	vst v63  }
0xb4: {  	s23 =	smov.u32 s22  }
0xb5: {  	s22 =	smov.u32 s24;
	_ =	swait.ge [sflag:s8], $0x80;
	s23 =	simm.s32 @p0 $0x180  }
0xb6: {  	[sflag:s8] =	ssyncset.done $0x0;
	s24 =	sand.u32 $0xFC00, s23  }
0xb7: {  	s23 =	sand.u32 $0x380, s23;
	[sflag:s8] =	ssyncadd.s32 $0xFFFFFF80;
	s24 =	sadd.s32 s7, s24  }
0xb8: {  	[tilespmem:s10], [sflag:$0x3] =	stream.indirect.gather [hbm4b:s4+s30], $0x80, s28, s30, $0xb8;
	[tilespmem:$0x1C400] =	vst v63  }
0xb9: {  	s23 =	sor.u32 s23, s24;
	_ =	swait.ge [sflag:s19], $0x2000  }
0xba: {  	s23 =	sshrl.u32 s23, $0x3;
	[sflag:s19] =	ssyncset.done $0x0  }
0xbb: {  	s24 =	sadd.s32 s5, s23;
	[sflag:s19] =	ssyncadd.s32 $0xFFFFE000  }
0xbc: {  	[tilespmem:s31], [sflag:$0x8] =	stream.linear.gather [hbm4b:s24+s3], $0x80, $0x38;
	[tilespmem:$0x1C400] =	vst v63  }
0xbd: {  	_ =	swait.ge [sflag:s9], $0x80  }
.Ltmp0:
0xbe: {  	[sflag:s9] =	ssyncset.done $0x0;
	(pc) =	sbr.rel @p1 .LBB2_2-.Ltmp0, $4  }
0xbf: {  	p0 =	seq.s32 s22, $0x5180;
	s25 =	sadd.s32 $0xFFFFFE80, s22;
	[sflag:s9] =	ssyncadd.s32 $0xFFFFFF80  }
0xc0: {  	[spmem:s1] =	stream.indirect.scatter.add.f32 [tilespmem:s12], [sflag:$0xD], $0x80, s20, s30, $0xb8;
	[tilespmem:$0x1C400] =	vst v63  }
0xc1: {  	s25 =	simm.s32 @p0 $0x0;
	_ =	swait.ge [sflag:s21], $0x2000  }
0xc2: {  	s28 =	sadd.s32 s6, s23;
	s23 =	smov.u32 s26;
	[sflag:s21] =	ssyncset.done $0x0  }
0xc3: {  	[sflag:s21] =	ssyncadd.s32 $0xFFFFE000  }
0xc4: {  	[tilespmem:s20], [sflag:$0xC] =	stream.linear.gather [hbm4b:s28+s3], $0x80, $0x38;
	[tilespmem:$0x1C400] =	vst v63  }
0xc5: {  	_ =	swait.ge [sflag:s11], $0x80  }
0xc6: {  	s23 =	sand.u32 $0xFC00, s25;
	s24 =	sand.u32 $0x200, s25;
	[sflag:s11] =	ssyncset.done $0x0  }
0xc7: {  	s26 =	simm.s32 $0x180;
	s23 =	sadd.s32 s7, s23;
	[sflag:s11] =	ssyncadd.s32 $0xFFFFFF80  }
0xc8: {  	[tilespmem:s12], [sflag:$0x4] =	stream.indirect.gather [hbm4b:s4+s30], $0x80, s26, s30, $0xb8;
	[tilespmem:$0x1C400] =	vst v63  }
0xc9: {  	s23 =	sor.u32 s24, s23;
	_ =	swait.ge [sflag:s13], $0x2000  }
0xca: {  	s23 =	sshrl.u32 s23, $0x3;
	[sflag:s13] =	ssyncset.done $0x0  }
0xcb: {  	s28 =	sadd.s32 s5, s23;
	[sflag:s13] =	ssyncadd.s32 $0xFFFFE000  }
0xcc: {  	[tilespmem:s3], [sflag:$0x5] =	stream.linear.gather [hbm4b:s28+s3], $0x80, $0x38;
	[tilespmem:$0x1C400] =	vst v63  }
0xcd: {  	_ =	swait.ge [sflag:s14], $0x80  }
0xce: {  	[sflag:s14] =	ssyncset.done $0x0  }
0xcf: {  	s31 =	simm.s32 $0x200;
	s2 =	simm.s32 $0x400;
	[sflag:s14] =	ssyncadd.s32 $0xFFFFFF80  }
0xd0: {  	[spmem:s1] =	stream.indirect.scatter.add.f32 [tilespmem:s2], [sflag:$0xD], $0x80, s31, s30, $0xb8;
	[tilespmem:$0x1C400] =	vst v63  }
0xd1: {  	_ =	swait.ge [sflag:s21], $0x2000  }
0xd2: {  	[sflag:s21] =	ssyncset.done $0x0  }
0xd3: {  	s24 =	sadd.s32 $0xFFFFFF00, s22;
	s23 =	sadd.s32 s6, s23;
	[sflag:s21] =	ssyncadd.s32 $0xFFFFE000  }
0xd4: {  	[tilespmem:s31], [sflag:$0x9] =	stream.linear.gather [hbm4b:s23+s3], $0x80, $0x38;
	[tilespmem:$0x1C400] =	vst v63  }
0xd5: {  	s24 =	simm.s32 @p0 $0x80;
	_ =	swait.ge [sflag:s29], $0x80  }
0xd6: {  	s28 =	sand.u32 $0xFC00, s24;
	[sflag:s29] =	ssyncset.done $0x0  }
0xd7: {  	s24 =	sand.u32 $0x280, s24;
	s23 =	sadd.s32 s7, s28;
	[sflag:s29] =	ssyncadd.s32 $0xFFFFFF80  }
0xd8: {  	[tilespmem:s2], [sflag:$0x1] =	stream.indirect.gather [hbm4b:s4+s30], $0x80, s3, s30, $0xb8;
	[tilespmem:$0x1C400] =	vst v63  }
0xd9: {  	s23 =	sor.u32 s24, s23;
	_ =	swait.ge [sflag:s15], $0x2000  }
0xda: {  	s23 =	sshrl.u32 s23, $0x3;
	[sflag:s15] =	ssyncset.done $0x0  }
0xdb: {  	s25 =	simm.s32 $0x80;
	s31 =	sadd.s32 s5, s23;
	[sflag:s15] =	ssyncadd.s32 $0xFFFFE000  }
0xdc: {  	[tilespmem:s25], [sflag:$0x6] =	stream.linear.gather [hbm4b:s31+s3], $0x80, $0x38;
	[tilespmem:$0x1C400] =	vst v63  }
0xdd: {  	_ =	swait.ge [sflag:s16], $0x80  }
0xde: {  	[sflag:s16] =	ssyncset.done $0x0  }
0xdf: {  	s28 =	simm.s32 $0x2400;
	s2 =	simm.s32 $0x280;
	[sflag:s16] =	ssyncadd.s32 $0xFFFFFF80  }
0xe0: {  	[spmem:s1] =	stream.indirect.scatter.add.f32 [tilespmem:s28], [sflag:$0xD], $0x80, s2, s30, $0xb8;
	[tilespmem:$0x1C400] =	vst v63  }
0xe1: {  	_ =	swait.ge [sflag:s21], $0x2000  }
0xe2: {  	[sflag:s21] =	ssyncset.done $0x0  }
0xe3: {  	s23 =	sadd.s32 s6, s23;
	[sflag:s21] =	ssyncadd.s32 $0xFFFFE000  }
0xe4: {  	[tilespmem:s2], [sflag:$0xA] =	stream.linear.gather [hbm4b:s23+s3], $0x80, $0x38;
	[tilespmem:$0x1C400] =	vst v63  }
0xe5: {  	s23 =	sadd.s32 $0xFFFFFF80, s22  }
0xe6: {  	_ =	swait.ge [sflag:s0], $0x80;
	s23 =	simm.s32 @p0 $0x100  }
0xe7: {  	[sflag:s0] =	ssyncset.done $0x0;
	s31 =	sand.u32 $0xFC00, s23  }
0xe8: {  	s23 =	sand.u32 $0x300, s23;
	[sflag:s0] =	ssyncadd.s32 $0xFFFFFF80;
	s24 =	sadd.s32 s7, s31  }
0xe9: {  	[tilespmem:s28], [sflag:$0x2] =	stream.indirect.gather [hbm4b:s4+s30], $0x80, s25, s30, $0xb8;
	[tilespmem:$0x1C400] =	vst v63  }
0xea: {  	s23 =	sor.u32 s23, s24;
	_ =	swait.ge [sflag:s17], $0x2000  }
0xeb: {  	s23 =	sshrl.u32 s23, $0x3;
	[sflag:s17] =	ssyncset.done $0x0  }
0xec: {  	s31 =	simm.s32 $0x100;
	s28 =	sadd.s32 s5, s23;
	[sflag:s17] =	ssyncadd.s32 $0xFFFFE000  }
0xed: {  	[tilespmem:s31], [sflag:$0x7] =	stream.linear.gather [hbm4b:s28+s3], $0x80, $0x38;
	[tilespmem:$0x1C400] =	vst v63  }
0xee: {  	_ =	swait.ge [sflag:s18], $0x80  }
0xef: {  	[sflag:s18] =	ssyncset.done $0x0  }
0xf0: {  	s2 =	simm.s32 $0x300;
	[sflag:s18] =	ssyncadd.s32 $0xFFFFFF80  }
0xf1: {  	[spmem:s1] =	stream.indirect.scatter.add.f32 [tilespmem:s10], [sflag:$0xD], $0x80, s2, s30, $0xb8;
	[tilespmem:$0x1C400] =	vst v63  }
0xf2: {  	_ =	swait.ge [sflag:s21], $0x2000  }
0xf3: {  	[sflag:s21] =	ssyncset.done $0x0  }
0xf4: {  	s23 =	sadd.s32 s6, s23;
	[sflag:s21] =	ssyncadd.s32 $0xFFFFE000  }
0xf5: {  	[tilespmem:s2], [sflag:$0xB] =	stream.linear.gather [hbm4b:s23+s3], $0x80, $0x38;
	[tilespmem:$0x1C400] =	vst v63  }
0xf6: {  	s22 =	simm.s32 @p0 $0x180;
	_ =	swait.ge [sflag:s8], $0x80  }
0xf7: {  	s24 =	sand.u32 $0xFC00, s22;
	[sflag:s8] =	ssyncset.done $0x0  }
0xf8: {  	s22 =	sand.u32 $0x380, s22;
	s23 =	sadd.s32 s7, s24;
	[sflag:s8] =	ssyncadd.s32 $0xFFFFFF80  }
0xf9: {  	[tilespmem:s10], [sflag:$0x3] =	stream.indirect.gather [hbm4b:s4+s30], $0x80, s31, s30, $0xb8;
	[tilespmem:$0x1C400] =	vst v63  }
0xfa: {  	s22 =	sor.u32 s22, s23;
	_ =	swait.ge [sflag:s19], $0x2000  }
0xfb: {  	s22 =	sshrl.u32 s22, $0x3;
	[sflag:s19] =	ssyncset.done $0x0  }
0xfc: {  	s25 =	sadd.s32 s5, s22;
	[sflag:s19] =	ssyncadd.s32 $0xFFFFE000  }
0xfd: {  	[tilespmem:s26], [sflag:$0x8] =	stream.linear.gather [hbm4b:s25+s3], $0x80, $0x38;
	[tilespmem:$0x1C400] =	vst v63  }
0xfe: {  	_ =	swait.ge [sflag:s9], $0x80  }
0xff: {  	[sflag:s9] =	ssyncset.done $0x0  }
0x100: {  	[sflag:s9] =	ssyncadd.s32 $0xFFFFFF80  }
0x101: {  	[spmem:s1] =	stream.indirect.scatter.add.f32 [tilespmem:s12], [sflag:$0xD], $0x80, s20, s30, $0xb8;
	[tilespmem:$0x1C400] =	vst v63  }
0x102: {  	_ =	swait.ge [sflag:s21], $0x2000  }
0x103: {  	[sflag:s21] =	ssyncset.done $0x0  }
0x104: {  	s22 =	sadd.s32 s6, s22;
	[sflag:s21] =	ssyncadd.s32 $0xFFFFE000  }
0x105: {  	[tilespmem:s20], [sflag:$0xC] =	stream.linear.gather [hbm4b:s22+s3], $0x80, $0x38;
	[tilespmem:$0x1C400] =	vst v63  }
0x106: {  	_ =	swait.ge [sflag:s11], $0x80  }
0x107: {  	[sflag:s11] =	ssyncset.done $0x0  }
0x108: {  	[sflag:s11] =	ssyncadd.s32 $0xFFFFFF80  }
0x109: {  	[tilespmem:s12], [sflag:$0x4] =	stream.indirect.gather [hbm4b:s4+s30], $0x80, s26, s30, $0xb8;
	[tilespmem:$0x1C400] =	vst v63  }
0x10a: {  	_ =	swait.ge [sflag:s13], $0x2000  }
0x10b: {  	[sflag:s13] =	ssyncset.done $0x0  }
0x10c: {  	[sflag:s13] =	ssyncadd.s32 $0xFFFFE000  }
0x10d: {  	_ =	swait.ge [sflag:s14], $0x80  }
0x10e: {  	[sflag:s14] =	ssyncset.done $0x0  }
0x10f: {  	[sflag:s14] =	ssyncadd.s32 $0xFFFFFF80  }
0x110: {  	_ =	swait.ge [sflag:s15], $0x2000  }
0x111: {  	[sflag:s15] =	ssyncset.done $0x0  }
0x112: {  	[sflag:s15] =	ssyncadd.s32 $0xFFFFE000  }
0x113: {  	_ =	swait.ge [sflag:s16], $0x80  }
0x114: {  	[sflag:s16] =	ssyncset.done $0x0  }
0x115: {  	[sflag:s16] =	ssyncadd.s32 $0xFFFFFF80  }
0x116: {  	_ =	swait.ge [sflag:s17], $0x2000  }
0x117: {  	[sflag:s17] =	ssyncset.done $0x0  }
0x118: {  	[sflag:s17] =	ssyncadd.s32 $0xFFFFE000  }
0x119: {  	_ =	swait.ge [sflag:s18], $0x80  }
0x11a: {  	[sflag:s18] =	ssyncset.done $0x0  }
0x11b: {  	[sflag:s18] =	ssyncadd.s32 $0xFFFFFF80  }
0x11c: {  	_ =	swait.ge [sflag:s19], $0x2000  }
0x11d: {  	[sflag:s19] =	ssyncset.done $0x0  }
0x11e: {  	[sflag:s19] =	ssyncadd.s32 $0xFFFFE000  }
0x11f: {  	_ =	swait.ge [sflag:s9], $0x80  }
0x120: {  	[sflag:s9] =	ssyncset.done $0x0  }
0x121: {  	[sflag:s9] =	ssyncadd.s32 $0xFFFFFF80  }
0x122: {  	[bflag:$0x0] =	sbarrier.arrive $0xFFFF  }
0x123: {  	s23 =	rddreg [dreg:$0x4]  }
0x124: {  	s26 =	rddreg [dreg:$0xe]  }
0x125: {  	s24 =	rddreg [dreg:$0xf]  }
0x126: {  	[hbm:s26], [sflag:s23] =	dma.local [spmem:s24], $0x2800  }
0x127: {  	_ =	swait.ge [sflag:s21], $0x2800  }
0x128: {  	s28 =	rddreg [dreg:$0x10]  }
0x129: {  	s31 =	rddreg [dreg:$0xd];
	s2 =	sadd.s32 $0x1, s28  }
0x12a: {  	p0 =	sne.s32 s2, s31  }
.Ltmp1:
0x12b: {  	_ = 	snop;
	(pc) =	sbr.rel @p0 .LBB2_1-.Ltmp1, $3  }
0x12c: {  	_ =	sdelay $0x1  }
0x12d: {  	[sflag:s21] =	ssyncset.done $0x0  }
0x12e: {  	[sflag:s21] =	ssyncadd.s32 $0xFFFFD800  }
0x12f: {  	_ =	sfence.sel $0x180000  }
0x130: {  	[bflag:$0x0] =	sbarrier.arrive $0xFFFF  }
0x131: {  	_ =	strace $0x9000004A  }
0x132: {  	s0 =	stileid.u32;
	[bflag:$0x2] =	sbarrier.arrive $0xFFFF  }
0x133: {  	p0 =	sne.s32 s0, $0x0;
	s0 =	rddreg [dreg:$0x2]  }
0x134: {  	s0 =	sadd.s32 @!p0 $0x100000, s0  }
0x135: {  	[sflag:s0] =	ssyncadd.tile.s32 @!p0 $0x1;
	_ =	shalt  }
.Lfunc_end2:
_tile_overlayer_lowered:
.L_overlay_start_2:
0x136: {  	(tag) =	ssettag $0x2  }
0x137: {  	s0 =	rddreg [dreg:$0x0];
	s2 =	stileid.u32  }
0x138: {  	s1 =	rddreg [dreg:$0x1];
	p0 =	sne.s32 s2, $0x0  }
0x139: {  	s3 =	rddreg [dreg:$0x2];
	[bflag:$0x3] =	sbarrier.arrive $0xFFFF;
	s2 =	simm.s32 @!p0 $0x1C0D  }
0x13a: {  	[timem:s3], [sflag:s2] =	dma.local @!p0 [hbm:s0], s1  }
0x13b: {  	s0 =	simm.s32 @!p0 $0xD  }
0x13c: {  	_ =	swait.ge @!p0 [sflag:s0], s1  }
0x13d: {  	s1 =	ssub.s32 @!p0 $0x0, s1;
	[sflag:s0] =	ssyncset.done @!p0 $0x0  }
0x13e: {  	[sflag:s0] =	ssyncadd.s32 @!p0 s1  }
0x13f: {  	[bflag:$0x3] =	sbarrier.arrive $0xFFFF  }
0x140: {  	_ =	shalt  }

// kernel: kernel.14.cloned.1.call-start
scs
__scs_entry_jumppad:
0x0: {  	(pc) =	sbr.rel $0x88, $3  }
0x1: {  	(tag) =	ssettag $0x0;
	lr =	simm.s32 $0x1  }
0x2: {  	[smem:$0x3F99] =	sst lr;
	_ =	strace $0xD0000000  }
0x3: {  	_ = 	snop  }
0x4: {  	_ = 	snop  }
0x5: {  	_ = 	snop  }
0x6: {  	_ = 	snop  }
0x7: {  	_ = 	snop  }
__scs_overlays_trampoline_lowered:
0x8: {  	[smem:$0x3FA8] =	sst s0  }
0x9: {  	[smem:$0x3FA9] =	sst s1  }
0xa: {  	[smem:$0x3FAA] =	sst s2  }
0xb: {  	[smem:$0x3FAB] =	sst s3  }
0xc: {  	[smem:$0x3FAC] =	sst s4  }
0xd: {  	[smem:$0x3FAD] =	sst s5  }
0xe: {  	[smem:$0x3FAE] =	sst s6  }
0xf: {  	[smem:$0x3FAF] =	sst s7  }
0x10: {  	[smem:$0x3FB0] =	sst s8  }
0x11: {  	[smem:$0x3FB1] =	sst s9;
	s0 =	simm.s32 @!p0 $0x0  }
0x12: {  	s1 =	sld [smem:$0x3F97];
	s0 =	simm.s32 @p0 $0x1  }
0x13: {  	[smem:$0x3FB2] =	sst s0;
	s0 =	simm.s32 @!p1 $0x0  }
0x14: {  	s2 =	sld [smem:$0x3F96];
	s0 =	simm.s32 @p1 $0x1  }
0x15: {  	[smem:$0x3FB3] =	sst s0;
	s0 =	simm.s32 @!p2 $0x0  }
0x16: {  	s3 =	sld [smem:$0x3FDB];
	s0 =	simm.s32 @p2 $0x1  }
0x17: {  	s4 =	simm.s32 $0x1BF5;
	[smem:$0x3FB5] =	sst s0  }
0x18: {  	s0 =	sld [smem:$0x3F98];
	_ =	swait.ge [sflag:s4], $0x0  }
0x19: {  	s7 =	sld [smem:$0x3F99]  }
0x1a: {  	s8 =	sadd.s32 $0xFFFFE003, lr  }
0x1b: {  	s9 =	sadd.s32 $0xFFFFFEF7, lr;
	s5 =	simm.s32 $0xFFFFFFFF;
	p2 =	slt.u32 s8, $0xFFFFF086  }
0x1c: {  	p1 =	slt.u32 s9, $0xF7A;
	s5 =	simm.s32 @!p2 $0x0  }
0x1d: {  	s5 =	simm.s32 @p1 $0x1;
	p0 =	seq.s32 s7, s2  }
0x1e: {  	s7 =	smul.u32 @!p0 $0xF7A, s2;
	p2 =	seq.s32 @!p0 s5, $0x0  }
0x1f: {  	s9 =	smul.u32 $0xF7A, s1;
	s8 =	simm.s32 @!p0 $0x1BF5;
	p2 =	por !p2, p0  }
0x20: {  	[sflag:s8] =	ssyncset.s32 @!p0 $0xFFFFF086;
	s6 =	sadd.s32 @!p0 s3, s7;
	s7 =	simm.s32 @!p0 $0x108  }
0x21: {  	s3 =	sadd.s32 s3, s9;
	s6 =	sadd.s32 @!p0 $0x88, s6;
	s7 =	simm.s32 @p2 $0x1082  }
0x22: {  	[simem:s7], [sflag:s8] =	dma.local @!p0 [hbm:s6], $0xF7A  }
0x23: {  	s9 =	sor.u32 $0xD0000000, s2;
	s6 =	simm.s32 $0x108;
	_ =	swait.ge @!p0 [sflag:s8], $0x0  }
0x24: {  	s3 =	sadd.s32 $0x88, s3;
	s6 =	simm.s32 @!p1 $0x1082;
	[sflag:s4] =	ssyncset.s32 $0xFFFFF086  }
0x25: {  	[simem:s6], [sflag:s4] =	dma.local [hbm:s3], $0xF7A  }
0x26: {  	[smem:$0x3F99] =	sst s1;
	(tag) =	ssettag s2;
	_ =	strace s9  }
0x27: {  	s1 =	sld [smem:$0x3FA9]  }
0x28: {  	s2 =	sld [smem:$0x3FAA]  }
0x29: {  	s4 =	sld [smem:$0x3FAC]  }
0x2a: {  	p0 =	seq.s32 s5, $0x0;
	s5 =	sld [smem:$0x3FAD]  }
0x2b: {  	s6 =	sld [smem:$0x3FAE]  }
0x2c: {  	s7 =	sld [smem:$0x3FAF]  }
0x2d: {  	s3 =	simm.s32 $0x108;
	s8 =	sld [smem:$0x3FB0]  }
0x2e: {  	s3 =	simm.s32 @!p0 $0x1082;
	s9 =	sld [smem:$0x3FB1]  }
0x2f: {  	lr =	sadd.s32 s0, s3;
	s0 =	sld [smem:$0x3FA8]  }
0x30: {  	s3 =	sld [smem:$0x3FAB]  }
0x31: {  	[smem:$0x3FB4] =	sst s10  }
0x32: {  	s10 =	sld [smem:$0x3FB2];
	_ =	sdelay $0x3  }
0x33: {  	p0 =	seq.s32 s10, $0x1;
	s10 =	sld [smem:$0x3FB4];
	_ =	sdelay $0x3  }
0x34: {  	[smem:$0x3FB4] =	sst s10  }
0x35: {  	s10 =	sld [smem:$0x3FB3];
	_ =	sdelay $0x3  }
0x36: {  	p1 =	seq.s32 s10, $0x1;
	s10 =	sld [smem:$0x3FB4];
	_ =	sdelay $0x3  }
0x37: {  	[smem:$0x3FB4] =	sst s10  }
0x38: {  	s10 =	sld [smem:$0x3FB5]  }
0x39: {  	_ = 	snop;
	(pc) =	sbr.ind lr, $3  }
0x3a: {  	_ = 	snop  }
0x3b: {  	_ = 	snop  }
0x3c: {  	p2 =	seq.s32 s10, $0x1;
	s10 =	sld [smem:$0x3FB4]  }
0x3d: {  	_ =	shalt  }
0x3e: {  	_ =	shalt  }
0x3f: {  	_ =	shalt  }
0x40: {  	_ =	shalt  }
0x41: {  	_ =	shalt  }
0x42: {  	_ =	shalt  }
0x43: {  	_ =	shalt  }
0x44: {  	_ =	shalt  }
0x45: {  	_ =	shalt  }
0x46: {  	_ =	shalt  }
0x47: {  	_ =	shalt  }
0x48: {  	_ =	shalt  }
0x49: {  	_ =	shalt  }
0x4a: {  	_ =	shalt  }
0x4b: {  	_ =	shalt  }
0x4c: {  	_ =	shalt  }
0x4d: {  	_ =	shalt  }
0x4e: {  	_ =	shalt  }
0x4f: {  	_ =	shalt  }
0x50: {  	_ =	shalt  }
0x51: {  	_ =	shalt  }
0x52: {  	_ =	shalt  }
0x53: {  	_ =	shalt  }
0x54: {  	_ =	shalt  }
0x55: {  	_ =	shalt  }
0x56: {  	_ =	shalt  }
0x57: {  	_ =	shalt  }
0x58: {  	_ =	shalt  }
0x59: {  	_ =	shalt  }
0x5a: {  	_ =	shalt  }
0x5b: {  	_ =	shalt  }
0x5c: {  	_ =	shalt  }
0x5d: {  	_ =	shalt  }
0x5e: {  	_ =	shalt  }
0x5f: {  	_ =	shalt  }
0x60: {  	_ =	shalt  }
0x61: {  	_ =	shalt  }
0x62: {  	_ =	shalt  }
0x63: {  	_ =	shalt  }
0x64: {  	_ =	shalt  }
0x65: {  	_ =	shalt  }
0x66: {  	_ =	shalt  }
0x67: {  	_ =	shalt  }
0x68: {  	_ =	shalt  }
0x69: {  	_ =	shalt  }
0x6a: {  	_ =	shalt  }
0x6b: {  	_ =	shalt  }
0x6c: {  	_ =	shalt  }
0x6d: {  	_ =	shalt  }
0x6e: {  	_ =	shalt  }
0x6f: {  	_ =	shalt  }
0x70: {  	_ =	shalt  }
0x71: {  	_ =	shalt  }
0x72: {  	_ =	shalt  }
0x73: {  	_ =	shalt  }
0x74: {  	_ =	shalt  }
0x75: {  	_ =	shalt  }
0x76: {  	_ =	shalt  }
0x77: {  	_ =	shalt  }
0x78: {  	_ =	shalt  }
0x79: {  	_ =	shalt  }
0x7a: {  	_ =	shalt  }
0x7b: {  	_ =	shalt  }
0x7c: {  	_ =	shalt  }
0x7d: {  	_ =	shalt  }
0x7e: {  	_ =	shalt  }
0x7f: {  	_ =	shalt  }
0x80: {  	_ =	shalt  }
0x81: {  	_ =	shalt  }
0x82: {  	_ =	shalt  }
0x83: {  	_ =	shalt  }
0x84: {  	_ =	shalt  }
0x85: {  	_ =	shalt  }
0x86: {  	_ =	shalt  }
0x87: {  	_ =	shalt  }
.Lfunc_end0:
.L_simem_size_0:
called_computation.2_lowered:
.L_overlay_start_0:
0x88: {  	s2 =	sld [smem:$0x3FD9]  }
0x89: {  	s3 =	sld [smem:$0x3FFE];
	_ =	sdelay $0x1  }
0x8a: {  	s1 =	srdreg.scid  }
0x8b: {  	s0 =	sand.u32 $0x1, s1  }
0x8c: {  	s16 =	sshll.u32 s0, $0xA;
	s2 =	sadd.s32 s3, s2  }
0x8d: {  	s2 =	sadd.s32 s2, s16  }
0x8e: {  	[smem:$0x3FC0] =	sst s2  }
0x8f: {  	_ = 	snop  }
0x90: {  	(tm) =	ssettm $0x1  }
0x91: {  	s17 =	sld [smem:$0x3FFB];
	_ =	sdelay $0x3  }
0x92: {  	_ =	strace s17  }
0x93: {  	s2 =	sld [smem:$0x3FFC];
	_ =	sdelay $0x3  }
0x94: {  	_ =	strace s2  }
0x95: {  	s2 =	sld [smem:$0x3FFD];
	_ =	sdelay $0x3  }
0x96: {  	_ =	strace s2  }
0x97: {  	_ =	strace $0x8FFFFFFF  }
0x98: {  	s18 =	sld [smem:$0x3FDB];
	_ =	sdelay $0x1  }
0x99: {  	s19 =	simm.s32 $_scs_section_size  }
0x9a: {  	s4 =	simm.s32 $_size__tile_overlayer_lowered;
	s5 =	simm.s32 $_tile_overlayer_lowered  }
0x9b: {  	s22 =	simm.s32 $0x1BFF;
	s21 =	sshll.u32 s5, $0x1;
	s2 =	sadd.s32 s19, s18  }
0x9c: {  	s6 =	simm.s32 $0x0;
	s20 =	sshll.u32 s4, $0x1;
	s4 =	sadd.s32 s21, s2  }
0x9d: {  	[timem:s6], [sflag:s22] =	dma.local [hbm:s4], s20  }
0x9e: {  	_ =	swait.ge [sflag:s22], s20  }
0x9f: {  	s3 =	ssub.s32 $0x0, s20;
	[sflag:s22] =	ssyncset.done $0x0  }
0xa0: {  	[sflag:s22] =	ssyncadd.s32 s3;
	_ =	sdelay $0x1  }
0xa1: {  	s23 =	simm.s32 $0x1B8B  }
0xa2: {  	_ =	swait.ge [sflag:s23], $0x1  }
0xa3: {  	[sflag:s23] =	ssyncset.done $0x0  }
0xa4: {  	s25 =	simm.s32 $0x1B8E;
	s24 =	sld [smem:$0x3FFE];
	[sflag:s23] =	ssyncadd.s32 $0xFFFFFFFF  }
0xa5: {  	s26 =	simm.s32 $execute0_lowered;
	[smem:$0x3FD2] =	sst s25  }
0xa6: {  	s4 =	sshll.u32 s26, $0x1;
	_ =	strace $0x8000004C;
	[dreg:$0x1] =	wrdreg $0xFFFFFFFF  }
0xa7: {  	s28 =	simm.s32 $_size_execute0_lowered;
	s2 =	sadd.s32 s2, s4;
	[dreg:$0x0] =	wrdreg $0x0  }
0xa8: {  	s4 =	sshll.u32 s28, $0x1;
	[dreg:$0x2] =	wrdreg s2  }
0xa9: {  	[dreg:$0x3] =	wrdreg s4  }
0xaa: {  	[dreg:$0x4] =	wrdreg $0xC0  }
0xab: {  	_ =	task [dreg:s6], $0x5FFFF  }
0xac: {  	[dreg:$0x1] =	wrdreg $0xFFFFFFFF  }
0xad: {  	[dreg:$0x0] =	wrdreg $0x60  }
0xae: {  	[dreg:$0x2] =	wrdreg s24  }
0xaf: {  	[dreg:$0x3] =	wrdreg $0x84000  }
0xb0: {  	[dreg:$0x4] =	wrdreg $0x9  }
0xb1: {  	_ =	task.clear_ibuf [dreg:s6], $0x5FFFF;
	_ =	strace $0x9000004C  }
0xb2: {  	s29 =	simm.s32 $0x9;
	_ =	strace $0x8000004E  }
0xb3: {  	_ =	swait.ge [sflag:s29], $0x1  }
0xb4: {  	[sflag:s29] =	ssyncadd.s32 $0xFFFFFFFF  }
0xb5: {  	_ =	strace $0x9000004E  }
0xb6: {  	_ =	sfence  }
0xb7: {  	s30 =	sld [smem:$0x0];
	_ =	sdelay $0x2  }
0xb8: {  	s31 =	sshll.u32 s1, $0xD;
	s1 =	sshrl.u32 s1, $0x2  }
0xb9: {  	s3 =	sand.u32 $0x4000, s31;
	s1 =	sadd.s32 s1, s30  }
0xba: {  	s0 =	sor.u32 s3, s0;
	s1 =	sshll.u32 s1, $0x11  }
0xbb: {  	s0 =	sor.u32 s1, s0  }
0xbc: {  	s0 =	sadd.s32 $0x8F2B, s0  }
0xbd: {  	[sflag:s0] =	ssyncadd.remote.s32 $0x1  }
0xbe: {  	_ =	sfence.sel $0xFFFF  }
0xbf: {  	[dreg:$0x0] =	wrdreg $0xFFFFFFFF;
	(pc) =	sbr.abs _section_cstart, $3  }
0xc0: {  	[dreg:$0x1] =	wrdreg $0xFFFFFFFF  }
0xc1: {  	_ =	task.clear_ibuf [dreg:s6], $0x2FFFF;
	_ =	strace $0x9FFFFFFF  }
0xc2: {  	(tm) =	ssettm $0x7FFFFFFF  }
0xc3: {  	_ =	shalt  }
tec
execute0_lowered:
.L_overlay_start_1:
0x0: {  	(tag) =	ssettag $0x1  }
0x1: {  	s0 =	rddreg [dreg:$0x0]  }
0x2: {  	s1 =	rddreg [dreg:$0x1];
	s3 =	simm.s32 $0x0  }
0x3: {  	s15 =	stileid.u32;
	s7 =	srdreg.scid;
	s29 =	simm.s32 $0x5  }
0x4: {  	s30 =	simm.s32 $0x40;
	[smem:$0x7FF] =	sst s3;
	s2 =	sadd.s32 $0x13400, s0  }
0x5: {  	s4 =	sadd.s32 $0x3B400, s0;
	s8 =	smul.u32 $0x2800, s15;
	s5 =	sadd.s32 $0x63400, s0  }
0x6: {  	s6 =	sadd.s32 $0x9400, s0;
	s9 =	sand.u32 $0x1, s7;
	s12 =	smul.u32 $0x50000, s15  }
0x7: {  	s13 =	sadd.s32 $0xBD400, s0;
	s7 =	smul.u32 $0x5000, s15;
	s16 =	sshll.u32 s15, $0x6  }
0x8: {  	s15 =	simm.s32 $0x2;
	_ =	strace $0x8000004D;
	s11 =	ssub.s32 $0x2, s9  }
0x9: {  	s23 =	sor.u32 $0x1C0D, s16;
	p0 =	seq.s32 s9, $0x0;
	s9 =	simm.s32 $0xC  }
0xa: {  	s10 =	sadd.s32 s8, s0;
	s14 =	sshrl.u32 s11, $0x1;
	s0 =	sadd.s32 $0xE5400, s0  }
0xb: {  	s12 =	sshrl.u32 s12, $0x2;
	s17 =	sshrl.u32 s7, $0x3;
	s4 =	smov.u32 @p0 s2  }
0xc: {  	s2 =	simm.s32 $0x0;
	[dreg:$0x4] =	wrdreg s23;
	s11 =	ssub.s32 s11, s14  }
0xd: {  	s12 =	sadd.s32 s12, s1;
	s10 =	sadd.s32 $0x95400, s10;
	s18 =	sadd.s32 s5, s17  }
0xe: {  	s19 =	sadd.s32 s6, s17;
	s20 =	sor.u32 $0x10, s17;
	[dreg:$0x3] =	wrdreg s10  }
0xf: {  	s21 =	sor.u32 $0x20, s17;
	s25 =	sor.u32 $0x30, s17;
	[dreg:$0x5] =	wrdreg s18  }
0x10: {  	s0 =	smov.u32 @p0 s13;
	[dreg:$0x6] =	wrdreg s19;
	s16 =	sadd.s32 s5, s20  }
0x11: {  	s13 =	simm.s32 $0x1;
	s10 =	sadd.s32 s6, s20;
	[dreg:$0x7] =	wrdreg s16  }
0x12: {  	s14 =	simm.s32 $0x9;
	s22 =	sadd.s32 s5, s21;
	[dreg:$0x8] =	wrdreg s10  }
0x13: {  	s17 =	simm.s32 $0x3;
	s24 =	sadd.s32 s6, s21;
	[dreg:$0x9] =	wrdreg s22  }
0x14: {  	s26 =	sadd.s32 s5, s25;
	s28 =	sadd.s32 s6, s25;
	[dreg:$0xa] =	wrdreg s24  }
0x15: {  	s31 =	smax.u32 s11, $0x1;
	s0 =	sadd.s32 s0, s8;
	[dreg:$0xb] =	wrdreg s26  }
0x16: {  	s21 =	simm.s32 $0xD;
	s8 =	simm.s32 $0x7;
	[dreg:$0xc] =	wrdreg s28  }
0x17: {  	s11 =	simm.s32 $0x8;
	s18 =	simm.s32 $0xB;
	[dreg:$0xd] =	wrdreg s31  }
0x18: {  	s19 =	simm.s32 $0x4;
	s20 =	simm.s32 $0x380;
	[dreg:$0xe] =	wrdreg s0  }
0x19: {  	s24 =	sshrl.u32 s12, $0x3;
	s0 =	simm.s32 $0x6;
	s10 =	simm.s32 $0x4400  }
0x1a: {  	s12 =	simm.s32 $0x6400;
	s16 =	simm.s32 $0xA;
	[dreg:$0xf] =	wrdreg s24  }
.LBB2_1:
0x1b: {  	[dreg:$0x10] =	wrdreg s2  }
0x1c: {  	s22 =	rddreg [dreg:$0x3]  }
0x1d: {  	[spmem:s24], [sflag:s23] =	dma.local [hbm:s22], $0x2800  }
0x1e: {  	_ =	swait.ge [sflag:s21], $0x2800  }
0x1f: {  	[sflag:s21] =	ssyncset.done $0x0  }
0x20: {  	[sflag:s21] =	ssyncadd.s32 $0xFFFFD800  }
0x21: {  	[bflag:$0x0] =	sbarrier.arrive $0xFFFF  }
0x22: {  	s2 =	rddreg [dreg:$0x5]  }
0x23: {  	[tilespmem:s3], [sflag:$0x5] =	stream.linear.gather [hbm4b:s2+s3], $0x80, $0x38;
	[tilespmem:$0x1C400] =	vst v63  }
0x24: {  	s25 =	simm.s32 $0x200;
	s23 =	rddreg [dreg:$0x6]  }
0x25: {  	[tilespmem:s25], [sflag:$0x9] =	stream.linear.gather [hbm4b:s23+s3], $0x80, $0x38;
	[tilespmem:$0x1C400] =	vst v63  }
0x26: {  	s26 =	simm.s32 $0x80;
	s24 =	rddreg [dreg:$0x7]  }
0x27: {  	[tilespmem:s26], [sflag:$0x6] =	stream.linear.gather [hbm4b:s24+s3], $0x80, $0x38;
	[tilespmem:$0x1C400] =	vst v63  }
0x28: {  	s28 =	simm.s32 $0x280;
	s31 =	rddreg [dreg:$0x8]  }
0x29: {  	[tilespmem:s28], [sflag:$0xA] =	stream.linear.gather [hbm4b:s31+s3], $0x80, $0x38;
	[tilespmem:$0x1C400] =	vst v63  }
0x2a: {  	s2 =	rddreg [dreg:$0x9];
	s31 =	simm.s32 $0x100  }
0x2b: {  	[tilespmem:s31], [sflag:$0x7] =	stream.linear.gather [hbm4b:s2+s3], $0x80, $0x38;
	[tilespmem:$0x1C400] =	vst v63  }
0x2c: {  	s23 =	rddreg [dreg:$0xa];
	s24 =	simm.s32 $0x300  }
0x2d: {  	[tilespmem:s24], [sflag:$0xB] =	stream.linear.gather [hbm4b:s23+s3], $0x80, $0x38;
	[tilespmem:$0x1C400] =	vst v63  }
0x2e: {  	s2 =	rddreg [dreg:$0xb];
	s23 =	simm.s32 $0x180  }
0x2f: {  	[tilespmem:s23], [sflag:$0x8] =	stream.linear.gather [hbm4b:s2+s3], $0x80, $0x38;
	[tilespmem:$0x1C400] =	vst v63  }
0x30: {  	s24 =	rddreg [dreg:$0xc]  }
0x31: {  	[tilespmem:s20], [sflag:$0xC] =	stream.linear.gather [hbm4b:s24+s3], $0x80, $0x38;
	[tilespmem:$0x1C400] =	vst v63  }
0x32: {  	_ =	swait.ge [sflag:s29], $0x80  }
0x33: {  	[sflag:s29] =	ssyncset.done $0x0  }
0x34: {  	s24 =	simm.s32 $0x400;
	[sflag:s29] =	ssyncadd.s32 $0xFFFFFF80  }
0x35: {  	[tilespmem:s24], [sflag:$0x1] =	stream.indirect.gather [hbm4b:s4+s30], $0x80, s3, s30, $0xb8;
	[tilespmem:$0x1C400] =	vst v63  }
0x36: {  	_ =	swait.ge [sflag:s0], $0x80  }
0x37: {  	[sflag:s0] =	ssyncset.done $0x0  }
0x38: {  	s2 =	simm.s32 $0x2400;
	[sflag:s0] =	ssyncadd.s32 $0xFFFFFF80  }
0x39: {  	[tilespmem:s2], [sflag:$0x2] =	stream.indirect.gather [hbm4b:s4+s30], $0x80, s26, s30, $0xb8;
	[tilespmem:$0x1C400] =	vst v63  }
0x3a: {  	_ =	swait.ge [sflag:s8], $0x80  }
0x3b: {  	[sflag:s8] =	ssyncset.done $0x0  }
0x3c: {  	[sflag:s8] =	ssyncadd.s32 $0xFFFFFF80  }
0x3d: {  	[tilespmem:s10], [sflag:$0x3] =	stream.indirect.gather [hbm4b:s4+s30], $0x80, s31, s30, $0xb8;
	[tilespmem:$0x1C400] =	vst v63  }
0x3e: {  	_ =	swait.ge [sflag:s11], $0x80  }
0x3f: {  	p0 =	por $0x0, $0x0;
	s22 =	simm.s32 $0x200;
	[sflag:s11] =	ssyncset.done $0x0  }
0x40: {  	s22 =	simm.s32 @p0 $0x0;
	s23 =	simm.s32 $0x180;
	[sflag:s11] =	ssyncadd.s32 $0xFFFFFF80  }
0x41: {  	[tilespmem:s12], [sflag:$0x4] =	stream.indirect.gather [hbm4b:s4+s30], $0x80, s23, s30, $0xb8;
	[tilespmem:$0x1C400] =	vst v63  }
0x42: {  	s23 =	sand.u32 $0xFC00, s22  }
0x43: {  	s22 =	sand.u32 $0x200, s22;
	s23 =	sadd.s32 s7, s23  }
0x44: {  	_ =	swait.ge [sflag:s13], $0x2000;
	s22 =	sor.u32 s22, s23  }
0x45: {  	[sflag:s13] =	ssyncset.done $0x0;
	s22 =	sshrl.u32 s22, $0x3  }
0x46: {  	[sflag:s13] =	ssyncadd.s32 $0xFFFFE000;
	s23 =	sadd.s32 s5, s22  }
0x47: {  	[tilespmem:s3], [sflag:$0x5] =	stream.linear.gather [hbm4b:s23+s3], $0x80, $0x38;
	[tilespmem:$0x1C400] =	vst v63  }
0x48: {  	_ =	swait.ge [sflag:s14], $0x80  }
0x49: {  	[sflag:s14] =	ssyncset.done $0x0  }
0x4a: {  	[sflag:s14] =	ssyncadd.s32 $0xFFFFFF80  }
0x4b: {  	[spmem:s1] =	stream.indirect.scatter.add.f32 [tilespmem:s24], [sflag:$0xD], $0x80, s25, s30, $0xb8;
	[tilespmem:$0x1C400] =	vst v63  }
0x4c: {  	_ =	swait.ge [sflag:s21], $0x2000  }
0x4d: {  	[sflag:s21] =	ssyncset.done $0x0  }
0x4e: {  	s22 =	sadd.s32 s6, s22;
	s23 =	simm.s32 $0x280;
	[sflag:s21] =	ssyncadd.s32 $0xFFFFE000  }
0x4f: {  	[tilespmem:s25], [sflag:$0x9] =	stream.linear.gather [hbm4b:s22+s3], $0x80, $0x38;
	[tilespmem:$0x1C400] =	vst v63  }
0x50: {  	s23 =	simm.s32 @p0 $0x80;
	_ =	swait.ge [sflag:s29], $0x80  }
0x51: {  	s25 =	sand.u32 $0xFC00, s23;
	[sflag:s29] =	ssyncset.done $0x0  }
0x52: {  	s23 =	sand.u32 $0x280, s23;
	s22 =	sadd.s32 s7, s25;
	[sflag:s29] =	ssyncadd.s32 $0xFFFFFF80  }
0x53: {  	[tilespmem:s24], [sflag:$0x1] =	stream.indirect.gather [hbm4b:s4+s30], $0x80, s3, s30, $0xb8;
	[tilespmem:$0x1C400] =	vst v63  }
0x54: {  	s22 =	sor.u32 s23, s22;
	_ =	swait.ge [sflag:s15], $0x2000  }
0x55: {  	s22 =	sshrl.u32 s22, $0x3;
	[sflag:s15] =	ssyncset.done $0x0  }
0x56: {  	s24 =	sadd.s32 s5, s22;
	[sflag:s15] =	ssyncadd.s32 $0xFFFFE000  }
0x57: {  	[tilespmem:s26], [sflag:$0x6] =	stream.linear.gather [hbm4b:s24+s3], $0x80, $0x38;
	[tilespmem:$0x1C400] =	vst v63  }
0x58: {  	_ =	swait.ge [sflag:s16], $0x80  }
0x59: {  	[sflag:s16] =	ssyncset.done $0x0  }
0x5a: {  	[sflag:s16] =	ssyncadd.s32 $0xFFFFFF80  }
0x5b: {  	[spmem:s1] =	stream.indirect.scatter.add.f32 [tilespmem:s2], [sflag:$0xD], $0x80, s28, s30, $0xb8;
	[tilespmem:$0x1C400] =	vst v63  }
0x5c: {  	_ =	swait.ge [sflag:s21], $0x2000  }
0x5d: {  	[sflag:s21] =	ssyncset.done $0x0  }
0x5e: {  	s22 =	sadd.s32 s6, s22;
	[sflag:s21] =	ssyncadd.s32 $0xFFFFE000  }
0x5f: {  	[tilespmem:s28], [sflag:$0xA] =	stream.linear.gather [hbm4b:s22+s3], $0x80, $0x38;
	[tilespmem:$0x1C400] =	vst v63  }
0x60: {  	s22 =	simm.s32 $0x300  }
0x61: {  	_ =	swait.ge [sflag:s0], $0x80;
	s22 =	simm.s32 @p0 $0x100  }
0x62: {  	[sflag:s0] =	ssyncset.done $0x0;
	s25 =	sand.u32 $0xFC00, s22  }
0x63: {  	s22 =	sand.u32 $0x300, s22;
	[sflag:s0] =	ssyncadd.s32 $0xFFFFFF80;
	s23 =	sadd.s32 s7, s25  }
0x64: {  	[tilespmem:s2], [sflag:$0x2] =	stream.indirect.gather [hbm4b:s4+s30], $0x80, s26, s30, $0xb8;
	[tilespmem:$0x1C400] =	vst v63  }
0x65: {  	s22 =	sor.u32 s22, s23;
	_ =	swait.ge [sflag:s17], $0x2000  }
0x66: {  	s22 =	sshrl.u32 s22, $0x3;
	[sflag:s17] =	ssyncset.done $0x0  }
0x67: {  	s2 =	sadd.s32 s5, s22;
	[sflag:s17] =	ssyncadd.s32 $0xFFFFE000  }
0x68: {  	[tilespmem:s31], [sflag:$0x7] =	stream.linear.gather [hbm4b:s2+s3], $0x80, $0x38;
	[tilespmem:$0x1C400] =	vst v63  }
0x69: {  	_ =	swait.ge [sflag:s18], $0x80  }
0x6a: {  	[sflag:s18] =	ssyncset.done $0x0  }
0x6b: {  	s24 =	simm.s32 $0x300;
	[sflag:s18] =	ssyncadd.s32 $0xFFFFFF80  }
0x6c: {  	[spmem:s1] =	stream.indirect.scatter.add.f32 [tilespmem:s10], [sflag:$0xD], $0x80, s24, s30, $0xb8;
	[tilespmem:$0x1C400] =	vst v63  }
0x6d: {  	_ =	swait.ge [sflag:s21], $0x2000  }
0x6e: {  	[sflag:s21] =	ssyncset.done $0x0  }
0x6f: {  	s22 =	sadd.s32 s6, s22;
	[sflag:s21] =	ssyncadd.s32 $0xFFFFE000  }
0x70: {  	[tilespmem:s24], [sflag:$0xB] =	stream.linear.gather [hbm4b:s22+s3], $0x80, $0x38;
	[tilespmem:$0x1C400] =	vst v63  }
0x71: {  	s22 =	simm.s32 $0x380  }
0x72: {  	_ =	swait.ge [sflag:s8], $0x80;
	s22 =	simm.s32 @p0 $0x180  }
0x73: {  	[sflag:s8] =	ssyncset.done $0x0;
	s25 =	sand.u32 $0xFC00, s22  }
0x74: {  	s22 =	sand.u32 $0x380, s22;
	[sflag:s8] =	ssyncadd.s32 $0xFFFFFF80;
	s23 =	sadd.s32 s7, s25  }
0x75: {  	[tilespmem:s10], [sflag:$0x3] =	stream.indirect.gather [hbm4b:s4+s30], $0x80, s31, s30, $0xb8;
	[tilespmem:$0x1C400] =	vst v63  }
0x76: {  	s22 =	sor.u32 s22, s23;
	_ =	swait.ge [sflag:s19], $0x2000  }
0x77: {  	s26 =	sshrl.u32 s22, $0x3;
	[sflag:s19] =	ssyncset.done $0x0  }
0x78: {  	s31 =	simm.s32 $0x180;
	s22 =	sadd.s32 s5, s26;
	[sflag:s19] =	ssyncadd.s32 $0xFFFFE000  }
0x79: {  	[tilespmem:s31], [sflag:$0x8] =	stream.linear.gather [hbm4b:s22+s3], $0x80, $0x38;
	[tilespmem:$0x1C400] =	vst v63  }
0x7a: {  	_ =	swait.ge [sflag:s9], $0x80  }
0x7b: {  	[sflag:s9] =	ssyncset.done $0x0  }
0x7c: {  	p0 =	por $0x0, $0x0;
	s25 =	simm.s32 $0x400;
	[sflag:s9] =	ssyncadd.s32 $0xFFFFFF80  }
0x7d: {  	[spmem:s1] =	stream.indirect.scatter.add.f32 [tilespmem:s12], [sflag:$0xD], $0x80, s20, s30, $0xb8;
	[tilespmem:$0x1C400] =	vst v63  }
0x7e: {  	s23 =	simm.s32 $0x780;
	s25 =	simm.s32 @p0 $0x0;
	_ =	swait.ge [sflag:s21], $0x2000  }
0x7f: {  	s28 =	sadd.s32 s6, s26;
	s22 =	simm.s32 $0x580;
	[sflag:s21] =	ssyncset.done $0x0  }
.LBB2_2:
0x80: {  	s31 =	sand.u32 $0xFC00, s25  }
0x81: {  	[sflag:s21] =	ssyncadd.s32 $0xFFFFE000;
	s24 =	smov.u32 s23;
	s26 =	sadd.s32 $0x200, s23  }
0x82: {  	[tilespmem:s20], [sflag:$0xC] =	stream.linear.gather [hbm4b:s28+s3], $0x80, $0x38;
	[tilespmem:$0x1C400] =	vst v63  }
0x83: {  	s25 =	sand.u32 $0x200, s25;
	s28 =	sadd.s32 s7, s31;
	_ =	swait.ge [sflag:s11], $0x80  }
0x84: {  	p1 =	sne.s32 s23, $0x5180;
	s23 =	sor.u32 s25, s28;
	[sflag:s11] =	ssyncset.done $0x0  }
0x85: {  	s31 =	simm.s32 $0x180;
	[sflag:s11] =	ssyncadd.s32 $0xFFFFFF80  }
0x86: {  	[tilespmem:s12], [sflag:$0x4] =	stream.indirect.gather [hbm4b:s4+s30], $0x80, s31, s30, $0xb8;
	[tilespmem:$0x1C400] =	vst v63  }
0x87: {  	s23 =	sshrl.u32 s23, $0x3;
	_ =	swait.ge [sflag:s13], $0x2000  }
0x88: {  	s25 =	sadd.s32 s5, s23;
	[sflag:s13] =	ssyncset.done $0x0  }
0x89: {  	[sflag:s13] =	ssyncadd.s32 $0xFFFFE000  }
0x8a: {  	[tilespmem:s3], [sflag:$0x5] =	stream.linear.gather [hbm4b:s25+s3], $0x80, $0x38;
	[tilespmem:$0x1C400] =	vst v63  }
0x8b: {  	_ =	swait.ge [sflag:s14], $0x80  }
0x8c: {  	[sflag:s14] =	ssyncset.done $0x0  }
0x8d: {  	s2 =	simm.s32 $0x400;
	s28 =	simm.s32 $0x200;
	[sflag:s14] =	ssyncadd.s32 $0xFFFFFF80  }
0x8e: {  	[spmem:s1] =	stream.indirect.scatter.add.f32 [tilespmem:s2], [sflag:$0xD], $0x80, s28, s30, $0xb8;
	[tilespmem:$0x1C400] =	vst v63  }
0x8f: {  	_ =	swait.ge [sflag:s21], $0x2000  }
0x90: {  	s23 =	sadd.s32 s6, s23;
	[sflag:s21] =	ssyncset.done $0x0  }
0x91: {  	s25 =	sadd.s32 $0xFFFFFF00, s22;
	[sflag:s21] =	ssyncadd.s32 $0xFFFFE000  }
0x92: {  	[tilespmem:s28], [sflag:$0x9] =	stream.linear.gather [hbm4b:s23+s3], $0x80, $0x38;
	[tilespmem:$0x1C400] =	vst v63  }
0x93: {  	s25 =	simm.s32 @p0 $0x80;
	_ =	swait.ge [sflag:s29], $0x80  }
0x94: {  	s23 =	sand.u32 $0xFC00, s25;
	[sflag:s29] =	ssyncset.done $0x0  }
0x95: {  	s25 =	sand.u32 $0x280, s25;
	s23 =	sadd.s32 s7, s23;
	[sflag:s29] =	ssyncadd.s32 $0xFFFFFF80  }
0x96: {  	[tilespmem:s2], [sflag:$0x1] =	stream.indirect.gather [hbm4b:s4+s30], $0x80, s3, s30, $0xb8;
	[tilespmem:$0x1C400] =	vst v63  }
0x97: {  	s23 =	sor.u32 s25, s23;
	_ =	swait.ge [sflag:s15], $0x2000  }
0x98: {  	s23 =	sshrl.u32 s23, $0x3;
	[sflag:s15] =	ssyncset.done $0x0  }
0x99: {  	s28 =	simm.s32 $0x80;
	s25 =	sadd.s32 s5, s23;
	[sflag:s15] =	ssyncadd.s32 $0xFFFFE000  }
0x9a: {  	[tilespmem:s28], [sflag:$0x6] =	stream.linear.gather [hbm4b:s25+s3], $0x80, $0x38;
	[tilespmem:$0x1C400] =	vst v63  }
0x9b: {  	_ =	swait.ge [sflag:s16], $0x80  }
0x9c: {  	[sflag:s16] =	ssyncset.done $0x0  }
0x9d: {  	s2 =	simm.s32 $0x2400;
	s25 =	simm.s32 $0x280;
	[sflag:s16] =	ssyncadd.s32 $0xFFFFFF80  }
0x9e: {  	[spmem:s1] =	stream.indirect.scatter.add.f32 [tilespmem:s2], [sflag:$0xD], $0x80, s25, s30, $0xb8;
	[tilespmem:$0x1C400] =	vst v63  }
0x9f: {  	_ =	swait.ge [sflag:s21], $0x2000  }
0xa0: {  	[sflag:s21] =	ssyncset.done $0x0  }
0xa1: {  	s23 =	sadd.s32 s6, s23;
	[sflag:s21] =	ssyncadd.s32 $0xFFFFE000  }
0xa2: {  	[tilespmem:s25], [sflag:$0xA] =	stream.linear.gather [hbm4b:s23+s3], $0x80, $0x38;
	[tilespmem:$0x1C400] =	vst v63  }
0xa3: {  	s23 =	sadd.s32 $0xFFFFFF80, s22;
	_ =	swait.ge [sflag:s0], $0x80  }
0xa4: {  	s23 =	simm.s32 @p0 $0x100;
	[sflag:s0] =	ssyncset.done $0x0  }
0xa5: {  	s25 =	sand.u32 $0xFC00, s23;
	s23 =	sand.u32 $0x300, s23;
	[sflag:s0] =	ssyncadd.s32 $0xFFFFFF80  }
0xa6: {  	[tilespmem:s2], [sflag:$0x2] =	stream.indirect.gather [hbm4b:s4+s30], $0x80, s28, s30, $0xb8;
	[tilespmem:$0x1C400] =	vst v63  }
0xa7: {  	s25 =	sadd.s32 s7, s25;
	_ =	swait.ge [sflag:s17], $0x2000  }
0xa8: {  	s23 =	sor.u32 s23, s25;
	[sflag:s17] =	ssyncset.done $0x0  }
0xa9: {  	s23 =	sshrl.u32 s23, $0x3;
	[sflag:s17] =	ssyncadd.s32 $0xFFFFE000  }
0xaa: {  	s28 =	simm.s32 $0x100;
	s25 =	sadd.s32 s5, s23  }
0xab: {  	[tilespmem:s28], [sflag:$0x7] =	stream.linear.gather [hbm4b:s25+s3], $0x80, $0x38;
	[tilespmem:$0x1C400] =	vst v63  }
0xac: {  	_ =	swait.ge [sflag:s18], $0x80  }
0xad: {  	[sflag:s18] =	ssyncset.done $0x0  }
0xae: {  	s25 =	simm.s32 $0x300;
	[sflag:s18] =	ssyncadd.s32 $0xFFFFFF80  }
0xaf: {  	[spmem:s1] =	stream.indirect.scatter.add.f32 [tilespmem:s10], [sflag:$0xD], $0x80, s25, s30, $0xb8;
	[tilespmem:$0x1C400] =	vst v63  }
0xb0: {  	_ =	swait.ge [sflag:s21], $0x2000  }
0xb1: {  	s23 =	sadd.s32 s6, s23;
	[sflag:s21] =	ssyncset.done $0x0  }
0xb2: {  	[sflag:s21] =	ssyncadd.s32 $0xFFFFE000  }
0xb3: {  	[tilespmem:s25], [sflag:$0xB] =	stream.linear.gather [hbm4b:s23+s3], $0x80, $0x38;
	[tilespmem:$0x1C400] =	vst v63  }
0xb4: {  	s23 =	smov.u32 s22  }
0xb5: {  	s22 =	smov.u32 s24;
	_ =	swait.ge [sflag:s8], $0x80;
	s23 =	simm.s32 @p0 $0x180  }
0xb6: {  	[sflag:s8] =	ssyncset.done $0x0;
	s24 =	sand.u32 $0xFC00, s23  }
0xb7: {  	s23 =	sand.u32 $0x380, s23;
	[sflag:s8] =	ssyncadd.s32 $0xFFFFFF80;
	s24 =	sadd.s32 s7, s24  }
0xb8: {  	[tilespmem:s10], [sflag:$0x3] =	stream.indirect.gather [hbm4b:s4+s30], $0x80, s28, s30, $0xb8;
	[tilespmem:$0x1C400] =	vst v63  }
0xb9: {  	s23 =	sor.u32 s23, s24;
	_ =	swait.ge [sflag:s19], $0x2000  }
0xba: {  	s23 =	sshrl.u32 s23, $0x3;
	[sflag:s19] =	ssyncset.done $0x0  }
0xbb: {  	s24 =	sadd.s32 s5, s23;
	[sflag:s19] =	ssyncadd.s32 $0xFFFFE000  }
0xbc: {  	[tilespmem:s31], [sflag:$0x8] =	stream.linear.gather [hbm4b:s24+s3], $0x80, $0x38;
	[tilespmem:$0x1C400] =	vst v63  }
0xbd: {  	_ =	swait.ge [sflag:s9], $0x80  }
.Ltmp0:
0xbe: {  	[sflag:s9] =	ssyncset.done $0x0;
	(pc) =	sbr.rel @p1 .LBB2_2-.Ltmp0, $4  }
0xbf: {  	p0 =	seq.s32 s22, $0x5180;
	s25 =	sadd.s32 $0xFFFFFE80, s22;
	[sflag:s9] =	ssyncadd.s32 $0xFFFFFF80  }
0xc0: {  	[spmem:s1] =	stream.indirect.scatter.add.f32 [tilespmem:s12], [sflag:$0xD], $0x80, s20, s30, $0xb8;
	[tilespmem:$0x1C400] =	vst v63  }
0xc1: {  	s25 =	simm.s32 @p0 $0x0;
	_ =	swait.ge [sflag:s21], $0x2000  }
0xc2: {  	s28 =	sadd.s32 s6, s23;
	s23 =	smov.u32 s26;
	[sflag:s21] =	ssyncset.done $0x0  }
0xc3: {  	[sflag:s21] =	ssyncadd.s32 $0xFFFFE000  }
0xc4: {  	[tilespmem:s20], [sflag:$0xC] =	stream.linear.gather [hbm4b:s28+s3], $0x80, $0x38;
	[tilespmem:$0x1C400] =	vst v63  }
0xc5: {  	_ =	swait.ge [sflag:s11], $0x80  }
0xc6: {  	s23 =	sand.u32 $0xFC00, s25;
	s24 =	sand.u32 $0x200, s25;
	[sflag:s11] =	ssyncset.done $0x0  }
0xc7: {  	s26 =	simm.s32 $0x180;
	s23 =	sadd.s32 s7, s23;
	[sflag:s11] =	ssyncadd.s32 $0xFFFFFF80  }
0xc8: {  	[tilespmem:s12], [sflag:$0x4] =	stream.indirect.gather [hbm4b:s4+s30], $0x80, s26, s30, $0xb8;
	[tilespmem:$0x1C400] =	vst v63  }
0xc9: {  	s23 =	sor.u32 s24, s23;
	_ =	swait.ge [sflag:s13], $0x2000  }
0xca: {  	s23 =	sshrl.u32 s23, $0x3;
	[sflag:s13] =	ssyncset.done $0x0  }
0xcb: {  	s28 =	sadd.s32 s5, s23;
	[sflag:s13] =	ssyncadd.s32 $0xFFFFE000  }
0xcc: {  	[tilespmem:s3], [sflag:$0x5] =	stream.linear.gather [hbm4b:s28+s3], $0x80, $0x38;
	[tilespmem:$0x1C400] =	vst v63  }
0xcd: {  	_ =	swait.ge [sflag:s14], $0x80  }
0xce: {  	[sflag:s14] =	ssyncset.done $0x0  }
0xcf: {  	s31 =	simm.s32 $0x200;
	s2 =	simm.s32 $0x400;
	[sflag:s14] =	ssyncadd.s32 $0xFFFFFF80  }
0xd0: {  	[spmem:s1] =	stream.indirect.scatter.add.f32 [tilespmem:s2], [sflag:$0xD], $0x80, s31, s30, $0xb8;
	[tilespmem:$0x1C400] =	vst v63  }
0xd1: {  	_ =	swait.ge [sflag:s21], $0x2000  }
0xd2: {  	[sflag:s21] =	ssyncset.done $0x0  }
0xd3: {  	s24 =	sadd.s32 $0xFFFFFF00, s22;
	s23 =	sadd.s32 s6, s23;
	[sflag:s21] =	ssyncadd.s32 $0xFFFFE000  }
0xd4: {  	[tilespmem:s31], [sflag:$0x9] =	stream.linear.gather [hbm4b:s23+s3], $0x80, $0x38;
	[tilespmem:$0x1C400] =	vst v63  }
0xd5: {  	s24 =	simm.s32 @p0 $0x80;
	_ =	swait.ge [sflag:s29], $0x80  }
0xd6: {  	s28 =	sand.u32 $0xFC00, s24;
	[sflag:s29] =	ssyncset.done $0x0  }
0xd7: {  	s24 =	sand.u32 $0x280, s24;
	s23 =	sadd.s32 s7, s28;
	[sflag:s29] =	ssyncadd.s32 $0xFFFFFF80  }
0xd8: {  	[tilespmem:s2], [sflag:$0x1] =	stream.indirect.gather [hbm4b:s4+s30], $0x80, s3, s30, $0xb8;
	[tilespmem:$0x1C400] =	vst v63  }
0xd9: {  	s23 =	sor.u32 s24, s23;
	_ =	swait.ge [sflag:s15], $0x2000  }
0xda: {  	s23 =	sshrl.u32 s23, $0x3;
	[sflag:s15] =	ssyncset.done $0x0  }
0xdb: {  	s25 =	simm.s32 $0x80;
	s31 =	sadd.s32 s5, s23;
	[sflag:s15] =	ssyncadd.s32 $0xFFFFE000  }
0xdc: {  	[tilespmem:s25], [sflag:$0x6] =	stream.linear.gather [hbm4b:s31+s3], $0x80, $0x38;
	[tilespmem:$0x1C400] =	vst v63  }
0xdd: {  	_ =	swait.ge [sflag:s16], $0x80  }
0xde: {  	[sflag:s16] =	ssyncset.done $0x0  }
0xdf: {  	s28 =	simm.s32 $0x2400;
	s2 =	simm.s32 $0x280;
	[sflag:s16] =	ssyncadd.s32 $0xFFFFFF80  }
0xe0: {  	[spmem:s1] =	stream.indirect.scatter.add.f32 [tilespmem:s28], [sflag:$0xD], $0x80, s2, s30, $0xb8;
	[tilespmem:$0x1C400] =	vst v63  }
0xe1: {  	_ =	swait.ge [sflag:s21], $0x2000  }
0xe2: {  	[sflag:s21] =	ssyncset.done $0x0  }
0xe3: {  	s23 =	sadd.s32 s6, s23;
	[sflag:s21] =	ssyncadd.s32 $0xFFFFE000  }
0xe4: {  	[tilespmem:s2], [sflag:$0xA] =	stream.linear.gather [hbm4b:s23+s3], $0x80, $0x38;
	[tilespmem:$0x1C400] =	vst v63  }
0xe5: {  	s23 =	sadd.s32 $0xFFFFFF80, s22  }
0xe6: {  	_ =	swait.ge [sflag:s0], $0x80;
	s23 =	simm.s32 @p0 $0x100  }
0xe7: {  	[sflag:s0] =	ssyncset.done $0x0;
	s31 =	sand.u32 $0xFC00, s23  }
0xe8: {  	s23 =	sand.u32 $0x300, s23;
	[sflag:s0] =	ssyncadd.s32 $0xFFFFFF80;
	s24 =	sadd.s32 s7, s31  }
0xe9: {  	[tilespmem:s28], [sflag:$0x2] =	stream.indirect.gather [hbm4b:s4+s30], $0x80, s25, s30, $0xb8;
	[tilespmem:$0x1C400] =	vst v63  }
0xea: {  	s23 =	sor.u32 s23, s24;
	_ =	swait.ge [sflag:s17], $0x2000  }
0xeb: {  	s23 =	sshrl.u32 s23, $0x3;
	[sflag:s17] =	ssyncset.done $0x0  }
0xec: {  	s31 =	simm.s32 $0x100;
	s28 =	sadd.s32 s5, s23;
	[sflag:s17] =	ssyncadd.s32 $0xFFFFE000  }
0xed: {  	[tilespmem:s31], [sflag:$0x7] =	stream.linear.gather [hbm4b:s28+s3], $0x80, $0x38;
	[tilespmem:$0x1C400] =	vst v63  }
0xee: {  	_ =	swait.ge [sflag:s18], $0x80  }
0xef: {  	[sflag:s18] =	ssyncset.done $0x0  }
0xf0: {  	s2 =	simm.s32 $0x300;
	[sflag:s18] =	ssyncadd.s32 $0xFFFFFF80  }
0xf1: {  	[spmem:s1] =	stream.indirect.scatter.add.f32 [tilespmem:s10], [sflag:$0xD], $0x80, s2, s30, $0xb8;
	[tilespmem:$0x1C400] =	vst v63  }
0xf2: {  	_ =	swait.ge [sflag:s21], $0x2000  }
0xf3: {  	[sflag:s21] =	ssyncset.done $0x0  }
0xf4: {  	s23 =	sadd.s32 s6, s23;
	[sflag:s21] =	ssyncadd.s32 $0xFFFFE000  }
0xf5: {  	[tilespmem:s2], [sflag:$0xB] =	stream.linear.gather [hbm4b:s23+s3], $0x80, $0x38;
	[tilespmem:$0x1C400] =	vst v63  }
0xf6: {  	s22 =	simm.s32 @p0 $0x180;
	_ =	swait.ge [sflag:s8], $0x80  }
0xf7: {  	s24 =	sand.u32 $0xFC00, s22;
	[sflag:s8] =	ssyncset.done $0x0  }
0xf8: {  	s22 =	sand.u32 $0x380, s22;
	s23 =	sadd.s32 s7, s24;
	[sflag:s8] =	ssyncadd.s32 $0xFFFFFF80  }
0xf9: {  	[tilespmem:s10], [sflag:$0x3] =	stream.indirect.gather [hbm4b:s4+s30], $0x80, s31, s30, $0xb8;
	[tilespmem:$0x1C400] =	vst v63  }
0xfa: {  	s22 =	sor.u32 s22, s23;
	_ =	swait.ge [sflag:s19], $0x2000  }
0xfb: {  	s22 =	sshrl.u32 s22, $0x3;
	[sflag:s19] =	ssyncset.done $0x0  }
0xfc: {  	s25 =	sadd.s32 s5, s22;
	[sflag:s19] =	ssyncadd.s32 $0xFFFFE000  }
0xfd: {  	[tilespmem:s26], [sflag:$0x8] =	stream.linear.gather [hbm4b:s25+s3], $0x80, $0x38;
	[tilespmem:$0x1C400] =	vst v63  }
0xfe: {  	_ =	swait.ge [sflag:s9], $0x80  }
0xff: {  	[sflag:s9] =	ssyncset.done $0x0  }
0x100: {  	[sflag:s9] =	ssyncadd.s32 $0xFFFFFF80  }
0x101: {  	[spmem:s1] =	stream.indirect.scatter.add.f32 [tilespmem:s12], [sflag:$0xD], $0x80, s20, s30, $0xb8;
	[tilespmem:$0x1C400] =	vst v63  }
0x102: {  	_ =	swait.ge [sflag:s21], $0x2000  }
0x103: {  	[sflag:s21] =	ssyncset.done $0x0  }
0x104: {  	s22 =	sadd.s32 s6, s22;
	[sflag:s21] =	ssyncadd.s32 $0xFFFFE000  }
0x105: {  	[tilespmem:s20], [sflag:$0xC] =	stream.linear.gather [hbm4b:s22+s3], $0x80, $0x38;
	[tilespmem:$0x1C400] =	vst v63  }
0x106: {  	_ =	swait.ge [sflag:s11], $0x80  }
0x107: {  	[sflag:s11] =	ssyncset.done $0x0  }
0x108: {  	[sflag:s11] =	ssyncadd.s32 $0xFFFFFF80  }
0x109: {  	[tilespmem:s12], [sflag:$0x4] =	stream.indirect.gather [hbm4b:s4+s30], $0x80, s26, s30, $0xb8;
	[tilespmem:$0x1C400] =	vst v63  }
0x10a: {  	_ =	swait.ge [sflag:s13], $0x2000  }
0x10b: {  	[sflag:s13] =	ssyncset.done $0x0  }
0x10c: {  	[sflag:s13] =	ssyncadd.s32 $0xFFFFE000  }
0x10d: {  	_ =	swait.ge [sflag:s14], $0x80  }
0x10e: {  	[sflag:s14] =	ssyncset.done $0x0  }
0x10f: {  	[sflag:s14] =	ssyncadd.s32 $0xFFFFFF80  }
0x110: {  	_ =	swait.ge [sflag:s15], $0x2000  }
0x111: {  	[sflag:s15] =	ssyncset.done $0x0  }
0x112: {  	[sflag:s15] =	ssyncadd.s32 $0xFFFFE000  }
0x113: {  	_ =	swait.ge [sflag:s16], $0x80  }
0x114: {  	[sflag:s16] =	ssyncset.done $0x0  }
0x115: {  	[sflag:s16] =	ssyncadd.s32 $0xFFFFFF80  }
0x116: {  	_ =	swait.ge [sflag:s17], $0x2000  }
0x117: {  	[sflag:s17] =	ssyncset.done $0x0  }
0x118: {  	[sflag:s17] =	ssyncadd.s32 $0xFFFFE000  }
0x119: {  	_ =	swait.ge [sflag:s18], $0x80  }
0x11a: {  	[sflag:s18] =	ssyncset.done $0x0  }
0x11b: {  	[sflag:s18] =	ssyncadd.s32 $0xFFFFFF80  }
0x11c: {  	_ =	swait.ge [sflag:s19], $0x2000  }
0x11d: {  	[sflag:s19] =	ssyncset.done $0x0  }
0x11e: {  	[sflag:s19] =	ssyncadd.s32 $0xFFFFE000  }
0x11f: {  	_ =	swait.ge [sflag:s9], $0x80  }
0x120: {  	[sflag:s9] =	ssyncset.done $0x0  }
0x121: {  	[sflag:s9] =	ssyncadd.s32 $0xFFFFFF80  }
0x122: {  	[bflag:$0x0] =	sbarrier.arrive $0xFFFF  }
0x123: {  	s23 =	rddreg [dreg:$0x4]  }
0x124: {  	s26 =	rddreg [dreg:$0xe]  }
0x125: {  	s24 =	rddreg [dreg:$0xf]  }
0x126: {  	[hbm:s26], [sflag:s23] =	dma.local [spmem:s24], $0x2800  }
0x127: {  	_ =	swait.ge [sflag:s21], $0x2800  }
0x128: {  	s28 =	rddreg [dreg:$0x10]  }
0x129: {  	s31 =	rddreg [dreg:$0xd];
	s2 =	sadd.s32 $0x1, s28  }
0x12a: {  	p0 =	sne.s32 s2, s31  }
.Ltmp1:
0x12b: {  	_ = 	snop;
	(pc) =	sbr.rel @p0 .LBB2_1-.Ltmp1, $3  }
0x12c: {  	_ =	sdelay $0x1  }
0x12d: {  	[sflag:s21] =	ssyncset.done $0x0  }
0x12e: {  	[sflag:s21] =	ssyncadd.s32 $0xFFFFD800  }
0x12f: {  	_ =	sfence.sel $0x180000  }
0x130: {  	[bflag:$0x0] =	sbarrier.arrive $0xFFFF  }
0x131: {  	_ =	strace $0x9000004D  }
0x132: {  	s0 =	stileid.u32;
	[bflag:$0x2] =	sbarrier.arrive $0xFFFF  }
0x133: {  	p0 =	sne.s32 s0, $0x0;
	s0 =	rddreg [dreg:$0x2]  }
0x134: {  	s0 =	sadd.s32 @!p0 $0x100000, s0  }
0x135: {  	[sflag:s0] =	ssyncadd.tile.s32 @!p0 $0x1;
	_ =	shalt  }
.Lfunc_end2:
_tile_overlayer_lowered:
.L_overlay_start_2:
0x136: {  	(tag) =	ssettag $0x2  }
0x137: {  	s0 =	rddreg [dreg:$0x0];
	s2 =	stileid.u32  }
0x138: {  	s1 =	rddreg [dreg:$0x1];
	p0 =	sne.s32 s2, $0x0  }
0x139: {  	s3 =	rddreg [dreg:$0x2];
	[bflag:$0x3] =	sbarrier.arrive $0xFFFF;
	s2 =	simm.s32 @!p0 $0x1C0D  }
0x13a: {  	[timem:s3], [sflag:s2] =	dma.local @!p0 [hbm:s0], s1  }
0x13b: {  	s0 =	simm.s32 @!p0 $0xD  }
0x13c: {  	_ =	swait.ge @!p0 [sflag:s0], s1  }
0x13d: {  	s1 =	ssub.s32 @!p0 $0x0, s1;
	[sflag:s0] =	ssyncset.done @!p0 $0x0  }
0x13e: {  	[sflag:s0] =	ssyncadd.s32 @!p0 s1  }
0x13f: {  	[bflag:$0x3] =	sbarrier.arrive $0xFFFF  }
0x140: {  	_ =	shalt  }

// kernel: kernel.8.cloned.1.call-start
scs
__scs_entry_jumppad:
0x0: {  	(pc) =	sbr.rel $0x88, $3  }
0x1: {  	(tag) =	ssettag $0x0;
	lr =	simm.s32 $0x1  }
0x2: {  	[smem:$0x3F99] =	sst lr;
	_ =	strace $0xD0000000  }
0x3: {  	_ = 	snop  }
0x4: {  	_ = 	snop  }
0x5: {  	_ = 	snop  }
0x6: {  	_ = 	snop  }
0x7: {  	_ = 	snop  }
__scs_overlays_trampoline_lowered:
0x8: {  	[smem:$0x3FA8] =	sst s0  }
0x9: {  	[smem:$0x3FA9] =	sst s1  }
0xa: {  	[smem:$0x3FAA] =	sst s2  }
0xb: {  	[smem:$0x3FAB] =	sst s3  }
0xc: {  	[smem:$0x3FAC] =	sst s4  }
0xd: {  	[smem:$0x3FAD] =	sst s5  }
0xe: {  	[smem:$0x3FAE] =	sst s6  }
0xf: {  	[smem:$0x3FAF] =	sst s7  }
0x10: {  	[smem:$0x3FB0] =	sst s8  }
0x11: {  	[smem:$0x3FB1] =	sst s9;
	s0 =	simm.s32 @!p0 $0x0  }
0x12: {  	s1 =	sld [smem:$0x3F97];
	s0 =	simm.s32 @p0 $0x1  }
0x13: {  	[smem:$0x3FB2] =	sst s0;
	s0 =	simm.s32 @!p1 $0x0  }
0x14: {  	s2 =	sld [smem:$0x3F96];
	s0 =	simm.s32 @p1 $0x1  }
0x15: {  	[smem:$0x3FB3] =	sst s0;
	s0 =	simm.s32 @!p2 $0x0  }
0x16: {  	s3 =	sld [smem:$0x3FDB];
	s0 =	simm.s32 @p2 $0x1  }
0x17: {  	s4 =	simm.s32 $0x1BF5;
	[smem:$0x3FB5] =	sst s0  }
0x18: {  	s0 =	sld [smem:$0x3F98];
	_ =	swait.ge [sflag:s4], $0x0  }
0x19: {  	s7 =	sld [smem:$0x3F99]  }
0x1a: {  	s8 =	sadd.s32 $0xFFFFE003, lr  }
0x1b: {  	s9 =	sadd.s32 $0xFFFFFEF7, lr;
	s5 =	simm.s32 $0xFFFFFFFF;
	p2 =	slt.u32 s8, $0xFFFFF086  }
0x1c: {  	p1 =	slt.u32 s9, $0xF7A;
	s5 =	simm.s32 @!p2 $0x0  }
0x1d: {  	s5 =	simm.s32 @p1 $0x1;
	p0 =	seq.s32 s7, s2  }
0x1e: {  	s7 =	smul.u32 @!p0 $0xF7A, s2;
	p2 =	seq.s32 @!p0 s5, $0x0  }
0x1f: {  	s9 =	smul.u32 $0xF7A, s1;
	s8 =	simm.s32 @!p0 $0x1BF5;
	p2 =	por !p2, p0  }
0x20: {  	[sflag:s8] =	ssyncset.s32 @!p0 $0xFFFFF086;
	s6 =	sadd.s32 @!p0 s3, s7;
	s7 =	simm.s32 @!p0 $0x108  }
0x21: {  	s3 =	sadd.s32 s3, s9;
	s6 =	sadd.s32 @!p0 $0x88, s6;
	s7 =	simm.s32 @p2 $0x1082  }
0x22: {  	[simem:s7], [sflag:s8] =	dma.local @!p0 [hbm:s6], $0xF7A  }
0x23: {  	s9 =	sor.u32 $0xD0000000, s2;
	s6 =	simm.s32 $0x108;
	_ =	swait.ge @!p0 [sflag:s8], $0x0  }
0x24: {  	s3 =	sadd.s32 $0x88, s3;
	s6 =	simm.s32 @!p1 $0x1082;
	[sflag:s4] =	ssyncset.s32 $0xFFFFF086  }
0x25: {  	[simem:s6], [sflag:s4] =	dma.local [hbm:s3], $0xF7A  }
0x26: {  	[smem:$0x3F99] =	sst s1;
	(tag) =	ssettag s2;
	_ =	strace s9  }
0x27: {  	s1 =	sld [smem:$0x3FA9]  }
0x28: {  	s2 =	sld [smem:$0x3FAA]  }
0x29: {  	s4 =	sld [smem:$0x3FAC]  }
0x2a: {  	p0 =	seq.s32 s5, $0x0;
	s5 =	sld [smem:$0x3FAD]  }
0x2b: {  	s6 =	sld [smem:$0x3FAE]  }
0x2c: {  	s7 =	sld [smem:$0x3FAF]  }
0x2d: {  	s3 =	simm.s32 $0x108;
	s8 =	sld [smem:$0x3FB0]  }
0x2e: {  	s3 =	simm.s32 @!p0 $0x1082;
	s9 =	sld [smem:$0x3FB1]  }
0x2f: {  	lr =	sadd.s32 s0, s3;
	s0 =	sld [smem:$0x3FA8]  }
0x30: {  	s3 =	sld [smem:$0x3FAB]  }
0x31: {  	[smem:$0x3FB4] =	sst s10  }
0x32: {  	s10 =	sld [smem:$0x3FB2];
	_ =	sdelay $0x3  }
0x33: {  	p0 =	seq.s32 s10, $0x1;
	s10 =	sld [smem:$0x3FB4];
	_ =	sdelay $0x3  }
0x34: {  	[smem:$0x3FB4] =	sst s10  }
0x35: {  	s10 =	sld [smem:$0x3FB3];
	_ =	sdelay $0x3  }
0x36: {  	p1 =	seq.s32 s10, $0x1;
	s10 =	sld [smem:$0x3FB4];
	_ =	sdelay $0x3  }
0x37: {  	[smem:$0x3FB4] =	sst s10  }
0x38: {  	s10 =	sld [smem:$0x3FB5]  }
0x39: {  	_ = 	snop;
	(pc) =	sbr.ind lr, $3  }
0x3a: {  	_ = 	snop  }
0x3b: {  	_ = 	snop  }
0x3c: {  	p2 =	seq.s32 s10, $0x1;
	s10 =	sld [smem:$0x3FB4]  }
0x3d: {  	_ =	shalt  }
0x3e: {  	_ =	shalt  }
0x3f: {  	_ =	shalt  }
0x40: {  	_ =	shalt  }
0x41: {  	_ =	shalt  }
0x42: {  	_ =	shalt  }
0x43: {  	_ =	shalt  }
0x44: {  	_ =	shalt  }
0x45: {  	_ =	shalt  }
0x46: {  	_ =	shalt  }
0x47: {  	_ =	shalt  }
0x48: {  	_ =	shalt  }
0x49: {  	_ =	shalt  }
0x4a: {  	_ =	shalt  }
0x4b: {  	_ =	shalt  }
0x4c: {  	_ =	shalt  }
0x4d: {  	_ =	shalt  }
0x4e: {  	_ =	shalt  }
0x4f: {  	_ =	shalt  }
0x50: {  	_ =	shalt  }
0x51: {  	_ =	shalt  }
0x52: {  	_ =	shalt  }
0x53: {  	_ =	shalt  }
0x54: {  	_ =	shalt  }
0x55: {  	_ =	shalt  }
0x56: {  	_ =	shalt  }
0x57: {  	_ =	shalt  }
0x58: {  	_ =	shalt  }
0x59: {  	_ =	shalt  }
0x5a: {  	_ =	shalt  }
0x5b: {  	_ =	shalt  }
0x5c: {  	_ =	shalt  }
0x5d: {  	_ =	shalt  }
0x5e: {  	_ =	shalt  }
0x5f: {  	_ =	shalt  }
0x60: {  	_ =	shalt  }
0x61: {  	_ =	shalt  }
0x62: {  	_ =	shalt  }
0x63: {  	_ =	shalt  }
0x64: {  	_ =	shalt  }
0x65: {  	_ =	shalt  }
0x66: {  	_ =	shalt  }
0x67: {  	_ =	shalt  }
0x68: {  	_ =	shalt  }
0x69: {  	_ =	shalt  }
0x6a: {  	_ =	shalt  }
0x6b: {  	_ =	shalt  }
0x6c: {  	_ =	shalt  }
0x6d: {  	_ =	shalt  }
0x6e: {  	_ =	shalt  }
0x6f: {  	_ =	shalt  }
0x70: {  	_ =	shalt  }
0x71: {  	_ =	shalt  }
0x72: {  	_ =	shalt  }
0x73: {  	_ =	shalt  }
0x74: {  	_ =	shalt  }
0x75: {  	_ =	shalt  }
0x76: {  	_ =	shalt  }
0x77: {  	_ =	shalt  }
0x78: {  	_ =	shalt  }
0x79: {  	_ =	shalt  }
0x7a: {  	_ =	shalt  }
0x7b: {  	_ =	shalt  }
0x7c: {  	_ =	shalt  }
0x7d: {  	_ =	shalt  }
0x7e: {  	_ =	shalt  }
0x7f: {  	_ =	shalt  }
0x80: {  	_ =	shalt  }
0x81: {  	_ =	shalt  }
0x82: {  	_ =	shalt  }
0x83: {  	_ =	shalt  }
0x84: {  	_ =	shalt  }
0x85: {  	_ =	shalt  }
0x86: {  	_ =	shalt  }
0x87: {  	_ =	shalt  }
.Lfunc_end0:
.L_simem_size_0:
called_computation_lowered:
.L_overlay_start_0:
0x88: {  	s2 =	sld [smem:$0x3FD9]  }
0x89: {  	s3 =	sld [smem:$0x3FFE];
	_ =	sdelay $0x1  }
0x8a: {  	s1 =	srdreg.scid  }
0x8b: {  	s0 =	sand.u32 $0x1, s1  }
0x8c: {  	s16 =	sshll.u32 s0, $0xA;
	s2 =	sadd.s32 s3, s2  }
0x8d: {  	s2 =	sadd.s32 s2, s16  }
0x8e: {  	[smem:$0x3FC0] =	sst s2  }
0x8f: {  	_ = 	snop  }
0x90: {  	(tm) =	ssettm $0x1  }
0x91: {  	s17 =	sld [smem:$0x3FFB];
	_ =	sdelay $0x3  }
0x92: {  	_ =	strace s17  }
0x93: {  	s2 =	sld [smem:$0x3FFC];
	_ =	sdelay $0x3  }
0x94: {  	_ =	strace s2  }
0x95: {  	s2 =	sld [smem:$0x3FFD];
	_ =	sdelay $0x3  }
0x96: {  	_ =	strace s2  }
0x97: {  	_ =	strace $0x8FFFFFFF  }
0x98: {  	s18 =	sld [smem:$0x3FDB];
	_ =	sdelay $0x1  }
0x99: {  	s19 =	simm.s32 $_scs_section_size  }
0x9a: {  	s4 =	simm.s32 $_size__tile_overlayer_lowered;
	s5 =	simm.s32 $_tile_overlayer_lowered  }
0x9b: {  	s22 =	simm.s32 $0x1BFF;
	s21 =	sshll.u32 s5, $0x1;
	s2 =	sadd.s32 s19, s18  }
0x9c: {  	s6 =	simm.s32 $0x0;
	s20 =	sshll.u32 s4, $0x1;
	s4 =	sadd.s32 s21, s2  }
0x9d: {  	[timem:s6], [sflag:s22] =	dma.local [hbm:s4], s20  }
0x9e: {  	_ =	swait.ge [sflag:s22], s20  }
0x9f: {  	s3 =	ssub.s32 $0x0, s20;
	[sflag:s22] =	ssyncset.done $0x0  }
0xa0: {  	[sflag:s22] =	ssyncadd.s32 s3;
	_ =	sdelay $0x1  }
0xa1: {  	s23 =	simm.s32 $0x1B8B  }
0xa2: {  	_ =	swait.ge [sflag:s23], $0x1  }
0xa3: {  	[sflag:s23] =	ssyncset.done $0x0  }
0xa4: {  	s25 =	simm.s32 $0x1B8E;
	s24 =	sld [smem:$0x3FFE];
	[sflag:s23] =	ssyncadd.s32 $0xFFFFFFFF  }
0xa5: {  	s26 =	simm.s32 $execute0_lowered;
	[smem:$0x3FD2] =	sst s25  }
0xa6: {  	s4 =	sshll.u32 s26, $0x1;
	_ =	strace $0x80000046;
	[dreg:$0x1] =	wrdreg $0xFFFFFFFF  }
0xa7: {  	s28 =	simm.s32 $_size_execute0_lowered;
	s2 =	sadd.s32 s2, s4;
	[dreg:$0x0] =	wrdreg $0x0  }
0xa8: {  	s4 =	sshll.u32 s28, $0x1;
	[dreg:$0x2] =	wrdreg s2  }
0xa9: {  	[dreg:$0x3] =	wrdreg s4  }
0xaa: {  	[dreg:$0x4] =	wrdreg $0xC0  }
0xab: {  	_ =	task [dreg:s6], $0x5FFFF  }
0xac: {  	[dreg:$0x1] =	wrdreg $0xFFFFFFFF  }
0xad: {  	[dreg:$0x0] =	wrdreg $0x60  }
0xae: {  	[dreg:$0x2] =	wrdreg s24  }
0xaf: {  	[dreg:$0x3] =	wrdreg $0x14800  }
0xb0: {  	[dreg:$0x4] =	wrdreg $0x9  }
0xb1: {  	_ =	task.clear_ibuf [dreg:s6], $0x5FFFF;
	_ =	strace $0x90000046  }
0xb2: {  	s29 =	simm.s32 $0x9;
	_ =	strace $0x80000048  }
0xb3: {  	_ =	swait.ge [sflag:s29], $0x1  }
0xb4: {  	[sflag:s29] =	ssyncadd.s32 $0xFFFFFFFF  }
0xb5: {  	_ =	strace $0x90000048  }
0xb6: {  	_ =	sfence  }
0xb7: {  	s30 =	sld [smem:$0x0];
	_ =	sdelay $0x2  }
0xb8: {  	s31 =	sshll.u32 s1, $0xD;
	s1 =	sshrl.u32 s1, $0x2  }
0xb9: {  	s3 =	sand.u32 $0x4000, s31;
	s1 =	sadd.s32 s1, s30  }
0xba: {  	s0 =	sor.u32 s3, s0;
	s1 =	sshll.u32 s1, $0x11  }
0xbb: {  	s0 =	sor.u32 s1, s0  }
0xbc: {  	s0 =	sadd.s32 $0x8F2B, s0  }
0xbd: {  	[sflag:s0] =	ssyncadd.remote.s32 $0x1  }
0xbe: {  	_ =	sfence.sel $0xFFFF  }
0xbf: {  	[dreg:$0x0] =	wrdreg $0xFFFFFFFF;
	(pc) =	sbr.abs _section_cstart, $3  }
0xc0: {  	[dreg:$0x1] =	wrdreg $0xFFFFFFFF  }
0xc1: {  	_ =	task.clear_ibuf [dreg:s6], $0x2FFFF;
	_ =	strace $0x9FFFFFFF  }
0xc2: {  	(tm) =	ssettm $0x7FFFFFFF  }
0xc3: {  	_ =	shalt  }
tec
execute0_lowered:
.L_overlay_start_1:
0x0: {  	(tag) =	ssettag $0x1  }
0x1: {  	s0 =	srdreg.scid;
	s4 =	rddreg [dreg:$0x0]  }
0x2: {  	s11 =	stileid.u32;
	s1 =	rddreg [dreg:$0x1]  }
0x3: {  	s2 =	simm.s32 $0x0;
	s3 =	sand.u32 $0x1, s0;
	s0 =	rddreg [dreg:$0x2]  }
0x4: {  	s13 =	simm.s32 $0x0;
	[smem:$0x7FF] =	sst s2;
	s7 =	smul.u32 $0x280, s11  }
0x5: {  	s31 =	sshll.u32 s11, $0x6;
	p0 =	sne.s32 s11, $0x0;
	s5 =	sshll.u32 s3, $0x4  }
0x6: {  	_ =	strace $0x80000047;
	s3 =	ssub.s32 $0x2, s3;
	s12 =	sshrl.u32 @!p0 s1, $0x3  }
0x7: {  	s6 =	sor.u32 s11, s5;
	s8 =	sshrl.u32 s7, $0x3;
	s5 =	sadd.s32 s5, s4  }
0x8: {  	s30 =	sshrl.u32 s3, $0x1;
	s10 =	sadd.s32 s7, s1;
	s6 =	smul.u32 $0x280, s6  }
0x9: {  	s7 =	simm.s32 $0x1;
	s11 =	simm.s32 $0x1400;
	s8 =	sadd.s32 s8, s4  }
0xa: {  	s9 =	ssub.s32 s3, s30;
	s5 =	sadd.s32 $0x8A00, s5;
	s6 =	sadd.s32 s6, s4  }
0xb: {  	s4 =	sadd.s32 $0x8400, s8;
	s8 =	sor.u32 $0x1C01, s31;
	s3 =	sadd.s32 $0x3400, s6  }
0xc: {  	v0 =	vimm.f32 $1.000000000e+00;
	s6 =	smax.u32 s9, $0x1;
	s9 =	sshrl.u32 s10, $0x3;
	s10 =	simm.s32 $0x80  }
.LBB2_1:
0xd: {  	[tilespmem:s2], [sflag:$0x1] =	stream.linear.gather [hbm4b:s3+s2], $0x1400, $0x38;
	[tilespmem:$0x1700] =	vst v63  }
0xe: {  	_ =	swait.ge [sflag:s7], $0x1400  }
0xf: {  	[sflag:s7] =	ssyncset.done $0x0  }
0x10: {  	[sflag:s7] =	ssyncadd.s32 $0xFFFFEC00  }
0x11: {  	[tilespmem:$0x1400] =	vst v0  }
0x12: {  	[tilespmem:$0x1410] =	vst v0  }
0x13: {  	[tilespmem:$0x1420] =	vst v0  }
0x14: {  	[tilespmem:$0x1430] =	vst v0  }
0x15: {  	[tilespmem:$0x1440] =	vst v0  }
0x16: {  	[tilespmem:$0x1450] =	vst v0  }
0x17: {  	[tilespmem:$0x1460] =	vst v0  }
0x18: {  	[tilespmem:$0x1470] =	vst v0  }
0x19: {  	[spmem:s9], [sflag:s8] =	dma.local [hbm:s4], $0x50  }
0x1a: {  	_ =	swait.ge [sflag:s7], $0x50  }
0x1b: {  	[sflag:s7] =	ssyncset.done $0x0  }
0x1c: {  	[sflag:s7] =	ssyncadd.s32 $0xFFFFFFB0  }
0x1d: {  	s14 =	simm.s32 $0x0;
	[bflag:$0x0] =	sbarrier.arrive $0xFFFF  }
0x1e: {  	[spmem:s1] =	stream.indirect.scatter.add.f32 [tilespmem:s11], [sflag:$0x1], $0x1, s14, s10, $0xb8;
	[tilespmem:$0x1700] =	vst v63  }
0x1f: {  	_ =	swait.ge [sflag:s7], $0x80  }
0x20: {  	s14 =	simm.s32 $0x200;
	[sflag:s7] =	ssyncset.done $0x0  }
.LBB2_2:
0x21: {  	s15 =	sshra.s32 s14, $0x2;
	[sflag:s7] =	ssyncadd.s32 $0xFFFFFF80;
	p1 =	sne.s32 s14, $0x4E00  }
0x22: {  	[spmem:s1] =	stream.indirect.scatter.add.f32 [tilespmem:s11], [sflag:$0x1], $0x1, s15, s10, $0xb8;
	[tilespmem:$0x1700] =	vst v63  }
.Ltmp0:
0x23: {  	_ = 	snop;
	(pc) =	sbr.rel @p1 .LBB2_2-.Ltmp0, $4  }
0x24: {  	_ = 	snop  }
0x25: {  	s14 =	sadd.s32 $0x200, s14  }
0x26: {  	_ =	swait.ge [sflag:s7], $0x80  }
0x27: {  	[sflag:s7] =	ssyncset.done $0x0  }
0x28: {  	[sflag:s7] =	ssyncadd.s32 $0xFFFFFF80;
	s13 =	sadd.s32 $0x1, s13  }
0x29: {  	s14 =	simm.s32 @!p0 $0x1;
	s15 =	simm.s32 @!p0 $0x20;
	p1 =	sne.s32 s13, s6  }
.Ltmp1:
0x2a: {  	s16 =	simm.s32 @!p0 $0x10;
	[bflag:$0x0] =	sbarrier.arrive $0xFFFF;
	(pc) =	sbr.rel @p1 .LBB2_1-.Ltmp1, $4  }
0x2b: {  	[hbm:s5@s15], [sflag:s8] =	dma.strided @!p0 [spmem:s12@s16], $0x500, s14, $0x10   }
0x2c: {  	_ =	swait.ge @!p0 [sflag:s14], $0x500  }
0x2d: {  	[sflag:s14] =	ssyncset.done @!p0 $0x0  }
0x2e: {  	[sflag:s14] =	ssyncadd.s32 @!p0 $0xFFFFFB00  }
0x2f: {  	_ =	sfence.sel $0x180000  }
0x30: {  	[bflag:$0x0] =	sbarrier.arrive $0xFFFF  }
0x31: {  	_ =	strace $0x90000047  }
0x32: {  	s0 =	sadd.s32 @!p0 $0x100000, s0;
	[bflag:$0x2] =	sbarrier.arrive $0xFFFF  }
0x33: {  	[sflag:s0] =	ssyncadd.tile.s32 @!p0 $0x1;
	_ =	shalt  }
.Lfunc_end2:
_tile_overlayer_lowered:
.L_overlay_start_2:
0x34: {  	(tag) =	ssettag $0x2  }
0x35: {  	s0 =	rddreg [dreg:$0x0];
	s2 =	stileid.u32  }
0x36: {  	s1 =	rddreg [dreg:$0x1];
	p0 =	sne.s32 s2, $0x0  }
0x37: {  	s3 =	rddreg [dreg:$0x2];
	[bflag:$0x3] =	sbarrier.arrive $0xFFFF;
	s2 =	simm.s32 @!p0 $0x1C01  }
0x38: {  	[timem:s3], [sflag:s2] =	dma.local @!p0 [hbm:s0], s1  }
0x39: {  	s0 =	simm.s32 @!p0 $0x1  }
0x3a: {  	_ =	swait.ge @!p0 [sflag:s0], s1  }
0x3b: {  	s1 =	ssub.s32 @!p0 $0x0, s1;
	[sflag:s0] =	ssyncset.done @!p0 $0x0  }
0x3c: {  	[sflag:s0] =	ssyncadd.s32 @!p0 s1  }
0x3d: {  	[bflag:$0x3] =	sbarrier.arrive $0xFFFF  }
0x3e: {  	_ =	shalt  }

</sc_bundles>
